<compile_context>
chip_gen: v7x
topology: tpu7x:2x2x1
jax: 0.10.2.dev20260603
libtpu: 0.0.44.dev20260713+nightly
codegen_flags: <defaults>
</compile_context>

<pallas_src>
import dataclasses
import functools

import jax
import jax.numpy as jnp
from jax import lax
from jax.experimental import pallas as pl
from jax.experimental.pallas import tpu as pltpu
from jax.experimental.pallas import tpu_sc as plsc

N_NODES = 10000
HIDDEN = 128
N_EDGES = 320000
EDGES_IN_D = 4
NORM = 100.0

NC = 2
NS = 16
NW = NC * NS
CHUNK = 128
NCHUNKS = N_EDGES // CHUNK
CH_PER_TILE = -(-NCHUNKS // NW)
SC_NCHUNKS = NCHUNKS // NC
SC_CH_PER_TILE = -(-SC_NCHUNKS // NS)
N_NODES_PAD = 10240
ROWS_PER_TILE = N_NODES_PAD // NS
PAD = 16

_SC_MESH = plsc.VectorSubcoreMesh(core_axis_name="c", subcore_axis_name="s")

_SC_CP = pltpu.CompilerParams()
if "needs_layout_passes" in pltpu.CompilerParams.__dataclass_fields__:
    _SC_CP = dataclasses.replace(_SC_CP, needs_layout_passes=False)


GCH = 80
EDGES_PER_TILE = N_EDGES // NW
GNLOC = EDGES_PER_TILE // GCH
GNBUF = 3


@functools.partial(
    pl.kernel,
    out_type=[
        jax.ShapeDtypeStruct((N_EDGES, HIDDEN), jnp.float32),
        jax.ShapeDtypeStruct((N_EDGES, HIDDEN), jnp.float32),
    ],
    mesh=_SC_MESH,
    scratch_types=[
        pltpu.VMEM((GNBUF, GCH), jnp.int32),
        pltpu.VMEM((GNBUF, GCH), jnp.int32),
        pltpu.VMEM((GNBUF, GCH, HIDDEN), jnp.float32),
        pltpu.VMEM((GNBUF, GCH, HIDDEN), jnp.float32),
        pltpu.SemaphoreType.DMA((GNBUF,)),
        pltpu.SemaphoreType.DMA((GNBUF,)),
        pltpu.SemaphoreType.DMA((GNBUF,)),
        pltpu.SemaphoreType.DMA((GNBUF,)),
    ],
)
def _sc_gather(h_hbm, row_hbm, col_hbm, ga_hbm, gb_hbm,
               idxa, idxb, bufa, bufb, sga, sgb, soa, sob):
    wid = lax.axis_index("s") * NC + lax.axis_index("c")
    tbase = wid * EDGES_PER_TILE

    def gstart(b, j):
        base = tbase + j * GCH
        pltpu.sync_copy(row_hbm.at[pl.ds(base, GCH)], idxa.at[b])
        pltpu.sync_copy(col_hbm.at[pl.ds(base, GCH)], idxb.at[b])
        pltpu.async_copy(h_hbm.at[idxa.at[b]], bufa.at[b], sga.at[b])
        pltpu.async_copy(h_hbm.at[idxb.at[b]], bufb.at[b], sgb.at[b])

    def gwait(b):
        pltpu.make_async_copy(h_hbm.at[idxa.at[b]], bufa.at[b], sga.at[b]).wait()
        pltpu.make_async_copy(h_hbm.at[idxb.at[b]], bufb.at[b], sgb.at[b]).wait()

    def wstart(b, j):
        base = tbase + j * GCH
        pltpu.async_copy(bufa.at[b], ga_hbm.at[pl.ds(base, GCH)], soa.at[b])
        pltpu.async_copy(bufb.at[b], gb_hbm.at[pl.ds(base, GCH)], sob.at[b])

    def wwait(b):
        pltpu.make_async_copy(bufa.at[b], ga_hbm.at[pl.ds(0, GCH)], soa.at[b]).wait()
        pltpu.make_async_copy(bufb.at[b], gb_hbm.at[pl.ds(0, GCH)], sob.at[b]).wait()

    gstart(0, 0)
    gstart(1, 1)

    @pl.loop(0, (GNLOC - 2) // 3)
    def _(t):
        for u in range(3):
            j = 3 * t + u
            gwait(u)
            wstart(u, j)
            nb = (u + 2) % 3
            if u == 0:
                @pl.when(t > 0)
                def _():
                    wwait(nb)
            else:
                wwait(nb)
            gstart(nb, j + 2)

    gwait(0)
    wstart(0, GNLOC - 2)
    gwait(1)
    wstart(1, GNLOC - 1)
    wwait(2)
    wwait(0)
    wwait(1)


_BLK = 2000
_NBLK = N_EDGES // _BLK


def _mlp_body(ga, gb, ea, w1a, w1b, w1c, b1, w2, b2, w3, out):
    x = jnp.dot(ga[...], w1a[...], preferred_element_type=jnp.float32)
    x = x + jnp.dot(gb[...], w1b[...], preferred_element_type=jnp.float32)
    x = x + jnp.dot(ea[...], w1c[...], preferred_element_type=jnp.float32)
    x = x + b1[...]
    x = x / (1.0 + jnp.exp(-x))
    x = jnp.dot(x, w2[...], preferred_element_type=jnp.float32) + b2[...]
    x = x / (1.0 + jnp.exp(-x))
    m = jax.lax.dot_general(w3[...], x, (((1,), (1,)), ((), ())),
                            preferred_element_type=jnp.float32)
    out[...] = m.reshape(1, 1, _BLK)


def _tc_mlp(ga, gb, edge_attr, w1a, w1b, w1c, b1, w2, b2, w3):
    grid = (N_EDGES // _BLK,)
    full = lambda shape: pl.BlockSpec(shape, lambda i: (0, 0))
    return pl.pallas_call(
        _mlp_body,
        grid=grid,
        in_specs=[
            pl.BlockSpec((_BLK, HIDDEN), lambda i: (i, 0)),
            pl.BlockSpec((_BLK, HIDDEN), lambda i: (i, 0)),
            pl.BlockSpec((_BLK, EDGES_IN_D), lambda i: (i, 0)),
            full((HIDDEN, HIDDEN)),
            full((HIDDEN, HIDDEN)),
            full((EDGES_IN_D, HIDDEN)),
            full((1, HIDDEN)),
            full((HIDDEN, HIDDEN)),
            full((1, HIDDEN)),
            full((1, HIDDEN)),
        ],
        out_specs=pl.BlockSpec((1, 1, _BLK), lambda i: (i, 0, 0)),
        out_shape=jax.ShapeDtypeStruct((_NBLK, 1, _BLK), jnp.float32),
    )(ga, gb, edge_attr, w1a, w1b, w1c, b1, w2, b2, w3)


SCH = 80
SC_EDGES_PER_TILE = N_EDGES // NW
SC_NLOC = SC_EDGES_PER_TILE // SCH


@functools.partial(
    pl.kernel,
    out_type=[
        jax.ShapeDtypeStruct((N_NODES_PAD, PAD), jnp.float32),
        jax.ShapeDtypeStruct((N_NODES_PAD, PAD), jnp.float32),
    ],
    mesh=_SC_MESH,
    scratch_types=[
        pltpu.VMEM((2, SCH), jnp.float32),
        pltpu.VMEM((2, SCH), jnp.float32),
        pltpu.VMEM((2, SCH), jnp.float32),
        pltpu.VMEM((2, SCH), jnp.float32),
        pltpu.VMEM((2, SCH), jnp.int32),
        pltpu.VMEM((SCH, PAD), jnp.float32),
        pltpu.VMEM_SHARED((N_NODES_PAD, PAD), jnp.float32),
        pltpu.SemaphoreType.DMA((2,)),
        pltpu.SemaphoreType.DMA((2,)),
    ],
    compiler_params=_SC_CP,
)
def _sc_scatter(m_hbm, row_hbm, cdx_hbm, cdy_hbm, cdz_hbm, zeros_hbm,
                agg0_hbm, agg1_hbm,
                m_v, cdx_v, cdy_v, cdz_v, idx2, buf, shared, semi, semv):
    cid = lax.axis_index("c")
    sid = lax.axis_index("s")
    rbase = sid * ROWS_PER_TILE
    tbase = (sid * NC + cid) * SC_EDGES_PER_TILE

    def pref(b, j):
        base = tbase + j * SCH
        pltpu.async_copy(row_hbm.at[pl.ds(base, SCH)], idx2.at[b], semi.at[b])
        pltpu.async_copy(m_hbm.at[pl.ds(base, SCH)], m_v.at[b], semv.at[b])
        pltpu.async_copy(cdx_hbm.at[pl.ds(base, SCH)], cdx_v.at[b], semv.at[b])
        pltpu.async_copy(cdy_hbm.at[pl.ds(base, SCH)], cdy_v.at[b], semv.at[b])
        pltpu.async_copy(cdz_hbm.at[pl.ds(base, SCH)], cdz_v.at[b], semv.at[b])

    def prefwait(b):
        pltpu.make_async_copy(row_hbm.at[pl.ds(tbase, SCH)],
                              idx2.at[b], semi.at[b]).wait()
        pltpu.make_async_copy(m_hbm.at[pl.ds(tbase, SCH)],
                              m_v.at[b], semv.at[b]).wait()
        pltpu.make_async_copy(cdx_hbm.at[pl.ds(tbase, SCH)],
                              cdx_v.at[b], semv.at[b]).wait()
        pltpu.make_async_copy(cdy_hbm.at[pl.ds(tbase, SCH)],
                              cdy_v.at[b], semv.at[b]).wait()
        pltpu.make_async_copy(cdz_hbm.at[pl.ds(tbase, SCH)],
                              cdz_v.at[b], semv.at[b]).wait()

    pref(0, 0)
    pltpu.sync_copy(zeros_hbm.at[pl.ds(0, SCH)], buf)
    pltpu.sync_copy(zeros_hbm.at[pl.ds(rbase, ROWS_PER_TILE)],
                    shared.at[pl.ds(rbase, ROWS_PER_TILE)])
    plsc.subcore_barrier()

    iot = lax.iota(jnp.int32, 16)

    def body(b, j, do_pref):
        prefwait(b)
        if do_pref:
            pref(1 - b, j + 1)
        for k in range(SCH // 16):
            rows = iot + (16 * k)
            mk = m_v[b, pl.ds(16 * k, 16)]
            for c, cdv in enumerate((cdx_v, cdy_v, cdz_v)):
                vals = mk * cdv[b, pl.ds(16 * k, 16)]
                plsc.store_scatter(
                    buf, [rows, jnp.full((16,), c, jnp.int32)], vals)
        pltpu.sync_copy(buf, shared.at[idx2.at[b]], add=True)

    @pl.loop(0, (SC_NLOC - 1) // 2)
    def _(t):
        body(0, 2 * t, True)
        body(1, 2 * t + 1, True)

    body(0, SC_NLOC - 1, False)
    plsc.subcore_barrier()

    @pl.when(cid == 0)
    def _():
        pltpu.sync_copy(shared.at[pl.ds(rbase, ROWS_PER_TILE)],
                        agg0_hbm.at[pl.ds(rbase, ROWS_PER_TILE)])

    @pl.when(cid == 1)
    def _():
        pltpu.sync_copy(shared.at[pl.ds(rbase, ROWS_PER_TILE)],
                        agg1_hbm.at[pl.ds(rbase, ROWS_PER_TILE)])


def _fin_body(coord, agg0, agg1, nm, out):
    s = agg0[...] + agg1[...]
    out[...] = (coord[...] + s[:N_NODES, :3] * (1.0 / NORM)) * nm[...]


def _tc_fin(coord, agg0, agg1, node_mask):
    return pl.pallas_call(
        _fin_body,
        out_shape=jax.ShapeDtypeStruct((N_NODES, 3), jnp.float32),
    )(coord, agg0, agg1, node_mask)


def kernel(h, coord, edge_index, coord_diff, edge_attr, node_mask, edge_mask,
           W1, b1, W2, b2, W3):
    row = edge_index[0].astype(jnp.int32)
    col = edge_index[1].astype(jnp.int32)

    ga, gb = _sc_gather(h, row, col)

    w1a = W1[:, :HIDDEN].T
    w1b = W1[:, HIDDEN:2 * HIDDEN].T
    w1c = W1[:, 2 * HIDDEN:].T
    m = _tc_mlp(ga, gb, edge_attr,
                w1a, w1b, w1c, b1.reshape(1, -1), W2.T, b2.reshape(1, -1),
                W3.reshape(1, -1))

    cdm = coord_diff * edge_mask
    cdx = cdm[:, 0]
    cdy = cdm[:, 1]
    cdz = cdm[:, 2]
    zeros = jnp.zeros((N_NODES_PAD, PAD), jnp.float32)
    agg0, agg1 = _sc_scatter(m.reshape(N_EDGES), row, cdx, cdy, cdz, zeros)
    return _tc_fin(coord, agg0, agg1, node_mask)

# --- scband reference (transcript-rebuilt; emitter-appended) ---
"""Pipeline reference for scband-equivariant-update-70351564309242 (READ-ONLY COPY).

The authoritative reference and input builder live on the scoring server;
editing this copy changes nothing except your own understanding.
"""

import jax, jax.numpy as jnp
import numpy as np

HIDDEN_NF = 128
EDGES_IN_D = 4
N_NODES = 10000
N_EDGES = 320000
NORMALIZATION_FACTOR = 100.0
INPUT_EDGE = HIDDEN_NF * 2 + EDGES_IN_D  # 260


def setup_inputs(seed: int = 0) -> dict:
    key = jax.random.key(seed)
    ks = jax.random.split(key, 12)
    h = jax.random.normal(ks[0], (N_NODES, HIDDEN_NF), dtype=jnp.float32)
    coord = jax.random.normal(ks[1], (N_NODES, 3), dtype=jnp.float32)
    edge_index = jax.random.randint(ks[2], (2, N_EDGES), 0, N_NODES)
    coord_diff = jax.random.normal(ks[3], (N_EDGES, 3), dtype=jnp.float32)
    edge_attr = jax.random.normal(ks[4], (N_EDGES, EDGES_IN_D), dtype=jnp.float32)
    node_mask = jnp.ones((N_NODES, 1), dtype=jnp.float32)
    edge_mask = jnp.ones((N_EDGES, 1), dtype=jnp.float32)
    # coord_mlp params: Linear(260->128), SiLU, Linear(128->128), SiLU, Linear(128->1, no bias, gain=0.001)
    lim1 = float(np.sqrt(6.0 / (INPUT_EDGE + HIDDEN_NF)))
    lim2 = float(np.sqrt(6.0 / (HIDDEN_NF + HIDDEN_NF)))
    lim3 = 0.001 * float(np.sqrt(6.0 / (HIDDEN_NF + 1)))
    W1 = jax.random.uniform(ks[5], (HIDDEN_NF, INPUT_EDGE), minval=-lim1, maxval=lim1, dtype=jnp.float32)
    b1 = jnp.zeros((HIDDEN_NF,), dtype=jnp.float32)
    W2 = jax.random.uniform(ks[6], (HIDDEN_NF, HIDDEN_NF), minval=-lim2, maxval=lim2, dtype=jnp.float32)
    b2 = jnp.zeros((HIDDEN_NF,), dtype=jnp.float32)
    W3 = jax.random.uniform(ks[7], (1, HIDDEN_NF), minval=-lim3, maxval=lim3, dtype=jnp.float32)
    return {"h": h, "coord": coord, "edge_index": edge_index, "coord_diff": coord_diff,
            "edge_attr": edge_attr, "node_mask": node_mask, "edge_mask": edge_mask,
            "W1": W1, "b1": b1, "W2": W2, "b2": b2, "W3": W3}


def reference(h, coord, edge_index, coord_diff, edge_attr, node_mask, edge_mask, W1, b1, W2, b2, W3):
    row = edge_index[0]
    col = edge_index[1]
    # gather node features per edge (SparseCore gather)
    inp = jnp.concatenate([jnp.take(h, row, axis=0), jnp.take(h, col, axis=0), edge_attr], axis=1)
    x = jax.nn.silu(inp @ W1.T + b1)
    x = jax.nn.silu(x @ W2.T + b2)
    m = x @ W3.T  # [E, 1]
    trans = coord_diff * m
    trans = trans * edge_mask
    # unsorted_segment_sum -> scatter-add (SparseCore scatter)
    agg = jax.ops.segment_sum(trans, row, num_segments=coord.shape[0]) / NORMALIZATION_FACTOR
    coord = coord + agg
    coord = coord * node_mask
    return coord

if __name__ == "__main__":
    import jax
    _d = setup_inputs()
    print(jax.jit(kernel)(*tuple(_d.values())))

</pallas_src>

<mosaic_0001>
#map = affine_map<(d0, d1) -> (0, 0)>
#map1 = affine_map<(d0, d1) -> (0)>
module attributes {stable_mosaic.version = 14 : i64} {
  func.func @_sc_gather(%arg0: i32, %arg1: i32, %arg2: memref<10000x128xf32, #tpu.memory_space<hbm>>, %arg3: memref<320000xi32, #tpu.memory_space<hbm>>, %arg4: memref<320000xi32, #tpu.memory_space<hbm>>, %arg5: memref<320000x128xf32, #tpu.memory_space<hbm>>, %arg6: memref<320000x128xf32, #tpu.memory_space<hbm>>, %arg7: memref<3x80xi32, #tpu.memory_space<vmem>>, %arg8: memref<3x80xi32, #tpu.memory_space<vmem>>, %arg9: memref<3x80x128xf32, #tpu.memory_space<vmem>>, %arg10: memref<3x80x128xf32, #tpu.memory_space<vmem>>, %arg11: memref<3x!tpu.dma_semaphore, #tpu.memory_space<semaphore_mem>>, %arg12: memref<3x!tpu.dma_semaphore, #tpu.memory_space<semaphore_mem>>, %arg13: memref<3x!tpu.dma_semaphore, #tpu.memory_space<semaphore_mem>>, %arg14: memref<3x!tpu.dma_semaphore, #tpu.memory_space<semaphore_mem>>) attributes {dimension_semantics = [#tpu.dimension_semantics<core_parallel>, #tpu.dimension_semantics<subcore_parallel>], iteration_bounds = array<i64: 2, 16>, scalar_prefetch = 0 : i64, scratch_operands = 8 : i64, tpu.core_type = #tpu.core_type<sc_vector_subcore>, window_params = [{transform_indices = #map}, {transform_indices = #map1}, {transform_indices = #map1}, {transform_indices = #map}, {transform_indices = #map}]} {
    %mul3A = arith.constant 2 : i32
    %mul3A_0 = arith.muli %arg1, %mul3A : i32
    %add3A = arith.addi %mul3A_0, %arg0 : i32
    %mul3A_1 = arith.constant 10000 : i32
    %mul3A_2 = arith.muli %add3A, %mul3A_1 : i32
    %add3A_3 = arith.constant 0 : i32
    %add3A_4 = arith.addi %mul3A_2, %add3A_3 : i32
    %run_scoped3A = arith.constant 0 : i32
    "tpu.region"() ({
      %run_scoped3A_308 = tpu.sem_alloc : memref<!tpu.dma_semaphore, #tpu.memory_space<semaphore_mem>>
      %dma_start3A_309 = arith.constant 0 : i32
      %dma_start3A_310 = tpu.memref_slice %arg7[%run_scoped3A, %dma_start3A_309] : memref<3x80xi32, #tpu.memory_space<vmem>> -> memref<1x80xi32, #tpu.memory_space<vmem>>
      %dma_start3A_311 = tpu.memref_squeeze %dma_start3A_310 : memref<1x80xi32, #tpu.memory_space<vmem>> -> memref<80xi32, #tpu.memory_space<vmem>>
      %dma_start3A_312 = tpu.memref_slice %arg3[%add3A_4] : memref<320000xi32, #tpu.memory_space<hbm>> -> memref<80xi32, #tpu.memory_space<hbm>>
      %dma_start3A_313 = arith.constant 0 : i32
      %dma_start3A_314 = tpu.memref_slice %arg7[%run_scoped3A, %dma_start3A_313] : memref<3x80xi32, #tpu.memory_space<vmem>> -> memref<1x80xi32, #tpu.memory_space<vmem>>
      %dma_start3A_315 = tpu.memref_squeeze %dma_start3A_314 : memref<1x80xi32, #tpu.memory_space<vmem>> -> memref<80xi32, #tpu.memory_space<vmem>>
      %dma_start3A_316 = tpu.memref_slice %arg3[%add3A_4] : memref<320000xi32, #tpu.memory_space<hbm>> -> memref<80xi32, #tpu.memory_space<hbm>>
      tpu.enqueue_dma source(%dma_start3A_316 : memref<80xi32, #tpu.memory_space<hbm>>) target(%dma_start3A_315 : memref<80xi32, #tpu.memory_space<vmem>>) target_semaphore(%run_scoped3A_308 : memref<!tpu.dma_semaphore, #tpu.memory_space<semaphore_mem>>)
      %dma_wait3A_317 = arith.constant 0 : i32
      %dma_wait3A_318 = tpu.memref_slice %arg7[%run_scoped3A, %dma_wait3A_317] : memref<3x80xi32, #tpu.memory_space<vmem>> -> memref<1x80xi32, #tpu.memory_space<vmem>>
      %dma_wait3A_319 = tpu.memref_squeeze %dma_wait3A_318 : memref<1x80xi32, #tpu.memory_space<vmem>> -> memref<80xi32, #tpu.memory_space<vmem>>
      %dma_wait3A_320 = tpu.memref_slice %arg3[%add3A_4] : memref<320000xi32, #tpu.memory_space<hbm>> -> memref<80xi32, #tpu.memory_space<hbm>>
      %dma_wait3A_321 = arith.constant 0 : i32
      %dma_wait3A_322 = tpu.memref_slice %arg7[%run_scoped3A, %dma_wait3A_321] : memref<3x80xi32, #tpu.memory_space<vmem>> -> memref<1x80xi32, #tpu.memory_space<vmem>>
      %dma_wait3A_323 = tpu.memref_squeeze %dma_wait3A_322 : memref<1x80xi32, #tpu.memory_space<vmem>> -> memref<80xi32, #tpu.memory_space<vmem>>
      %dma_wait3A_324 = tpu.memref_slice %arg3[%add3A_4] : memref<320000xi32, #tpu.memory_space<hbm>> -> memref<80xi32, #tpu.memory_space<hbm>>
      tpu.wait_dma2 semaphore(%run_scoped3A_308 : memref<!tpu.dma_semaphore, #tpu.memory_space<semaphore_mem>>) src(%dma_wait3A_324 : memref<80xi32, #tpu.memory_space<hbm>>) dst(%dma_wait3A_323 : memref<80xi32, #tpu.memory_space<vmem>>)
      tpu.yield
    }) : () -> ()
    %run_scoped3A_5 = arith.constant 0 : i32
    "tpu.region"() ({
      %run_scoped3A_308 = tpu.sem_alloc : memref<!tpu.dma_semaphore, #tpu.memory_space<semaphore_mem>>
      %dma_start3A_309 = arith.constant 0 : i32
      %dma_start3A_310 = tpu.memref_slice %arg8[%run_scoped3A_5, %dma_start3A_309] : memref<3x80xi32, #tpu.memory_space<vmem>> -> memref<1x80xi32, #tpu.memory_space<vmem>>
      %dma_start3A_311 = tpu.memref_squeeze %dma_start3A_310 : memref<1x80xi32, #tpu.memory_space<vmem>> -> memref<80xi32, #tpu.memory_space<vmem>>
      %dma_start3A_312 = tpu.memref_slice %arg4[%add3A_4] : memref<320000xi32, #tpu.memory_space<hbm>> -> memref<80xi32, #tpu.memory_space<hbm>>
      %dma_start3A_313 = arith.constant 0 : i32
      %dma_start3A_314 = tpu.memref_slice %arg8[%run_scoped3A_5, %dma_start3A_313] : memref<3x80xi32, #tpu.memory_space<vmem>> -> memref<1x80xi32, #tpu.memory_space<vmem>>
      %dma_start3A_315 = tpu.memref_squeeze %dma_start3A_314 : memref<1x80xi32, #tpu.memory_space<vmem>> -> memref<80xi32, #tpu.memory_space<vmem>>
      %dma_start3A_316 = tpu.memref_slice %arg4[%add3A_4] : memref<320000xi32, #tpu.memory_space<hbm>> -> memref<80xi32, #tpu.memory_space<hbm>>
      tpu.enqueue_dma source(%dma_start3A_316 : memref<80xi32, #tpu.memory_space<hbm>>) target(%dma_start3A_315 : memref<80xi32, #tpu.memory_space<vmem>>) target_semaphore(%run_scoped3A_308 : memref<!tpu.dma_semaphore, #tpu.memory_space<semaphore_mem>>)
      %dma_wait3A_317 = arith.constant 0 : i32
      %dma_wait3A_318 = tpu.memref_slice %arg8[%run_scoped3A_5, %dma_wait3A_317] : memref<3x80xi32, #tpu.memory_space<vmem>> -> memref<1x80xi32, #tpu.memory_space<vmem>>
      %dma_wait3A_319 = tpu.memref_squeeze %dma_wait3A_318 : memref<1x80xi32, #tpu.memory_space<vmem>> -> memref<80xi32, #tpu.memory_space<vmem>>
      %dma_wait3A_320 = tpu.memref_slice %arg4[%add3A_4] : memref<320000xi32, #tpu.memory_space<hbm>> -> memref<80xi32, #tpu.memory_space<hbm>>
      %dma_wait3A_321 = arith.constant 0 : i32
      %dma_wait3A_322 = tpu.memref_slice %arg8[%run_scoped3A_5, %dma_wait3A_321] : memref<3x80xi32, #tpu.memory_space<vmem>> -> memref<1x80xi32, #tpu.memory_space<vmem>>
      %dma_wait3A_323 = tpu.memref_squeeze %dma_wait3A_322 : memref<1x80xi32, #tpu.memory_space<vmem>> -> memref<80xi32, #tpu.memory_space<vmem>>
      %dma_wait3A_324 = tpu.memref_slice %arg4[%add3A_4] : memref<320000xi32, #tpu.memory_space<hbm>> -> memref<80xi32, #tpu.memory_space<hbm>>
      tpu.wait_dma2 semaphore(%run_scoped3A_308 : memref<!tpu.dma_semaphore, #tpu.memory_space<semaphore_mem>>) src(%dma_wait3A_324 : memref<80xi32, #tpu.memory_space<hbm>>) dst(%dma_wait3A_323 : memref<80xi32, #tpu.memory_space<vmem>>)
      tpu.yield
    }) : () -> ()
    %dma_start3A = arith.constant 0 : i32
    %dma_start3A_6 = arith.constant 0 : i32
    %dma_start3A_7 = arith.constant 0 : i32
    %dma_start3A_8 = arith.constant 0 : i32
    %dma_start3A_9 = arith.constant 0 : i32
    %dma_start3A_10 = tpu.memref_slice %arg9[%dma_start3A_6, %dma_start3A_8, %dma_start3A_9] : memref<3x80x128xf32, #tpu.memory_space<vmem>> -> memref<1x80x128xf32, #tpu.memory_space<vmem>>
    %dma_start3A_11 = tpu.memref_squeeze %dma_start3A_10 : memref<1x80x128xf32, #tpu.memory_space<vmem>> -> memref<80x128xf32, #tpu.memory_space<vmem>>
    %dma_start3A_12 = arith.constant 0 : i32
    %dma_start3A_13 = tpu.memref_slice %arg7[%dma_start3A, %dma_start3A_12] : memref<3x80xi32, #tpu.memory_space<vmem>> -> memref<1x80xi32, #tpu.memory_space<vmem>>
    %dma_start3A_14 = tpu.memref_squeeze %dma_start3A_13 : memref<1x80xi32, #tpu.memory_space<vmem>> -> memref<80xi32, #tpu.memory_space<vmem>>
    %dma_start3A_15 = arith.constant 0 : i32
    %dma_start3A_16 = arith.constant 0 : i32
    %dma_start3A_17 = tpu.memref_slice %arg2[%dma_start3A_15, %dma_start3A_16] : memref<10000x128xf32, #tpu.memory_space<hbm>> -> memref<10000x128xf32, #tpu.memory_space<hbm>>
    %dma_start3A_18 = tpu.memref_slice %arg11[%dma_start3A_7] : memref<3x!tpu.dma_semaphore, #tpu.memory_space<semaphore_mem>> -> memref<1x!tpu.dma_semaphore, #tpu.memory_space<semaphore_mem>>
    %dma_start3A_19 = tpu.memref_squeeze %dma_start3A_18 : memref<1x!tpu.dma_semaphore, #tpu.memory_space<semaphore_mem>> -> memref<!tpu.dma_semaphore, #tpu.memory_space<semaphore_mem>>
    tpu.enqueue_indirect_dma source(%dma_start3A_17 : memref<10000x128xf32, #tpu.memory_space<hbm>>) target(%dma_start3A_11 : memref<80x128xf32, #tpu.memory_space<vmem>>) offsets(%dma_start3A_14 : memref<80xi32, #tpu.memory_space<vmem>>) semaphore(%dma_start3A_19 : memref<!tpu.dma_semaphore, #tpu.memory_space<semaphore_mem>>)
    %dma_start3A_20 = arith.constant 0 : i32
    %dma_start3A_21 = arith.constant 0 : i32
    %dma_start3A_22 = arith.constant 0 : i32
    %dma_start3A_23 = arith.constant 0 : i32
    %dma_start3A_24 = arith.constant 0 : i32
    %dma_start3A_25 = tpu.memref_slice %arg10[%dma_start3A_21, %dma_start3A_23, %dma_start3A_24] : memref<3x80x128xf32, #tpu.memory_space<vmem>> -> memref<1x80x128xf32, #tpu.memory_space<vmem>>
    %dma_start3A_26 = tpu.memref_squeeze %dma_start3A_25 : memref<1x80x128xf32, #tpu.memory_space<vmem>> -> memref<80x128xf32, #tpu.memory_space<vmem>>
    %dma_start3A_27 = arith.constant 0 : i32
    %dma_start3A_28 = tpu.memref_slice %arg8[%dma_start3A_20, %dma_start3A_27] : memref<3x80xi32, #tpu.memory_space<vmem>> -> memref<1x80xi32, #tpu.memory_space<vmem>>
    %dma_start3A_29 = tpu.memref_squeeze %dma_start3A_28 : memref<1x80xi32, #tpu.memory_space<vmem>> -> memref<80xi32, #tpu.memory_space<vmem>>
    %dma_start3A_30 = arith.constant 0 : i32
    %dma_start3A_31 = arith.constant 0 : i32
    %dma_start3A_32 = tpu.memref_slice %arg2[%dma_start3A_30, %dma_start3A_31] : memref<10000x128xf32, #tpu.memory_space<hbm>> -> memref<10000x128xf32, #tpu.memory_space<hbm>>
    %dma_start3A_33 = tpu.memref_slice %arg12[%dma_start3A_22] : memref<3x!tpu.dma_semaphore, #tpu.memory_space<semaphore_mem>> -> memref<1x!tpu.dma_semaphore, #tpu.memory_space<semaphore_mem>>
    %dma_start3A_34 = tpu.memref_squeeze %dma_start3A_33 : memref<1x!tpu.dma_semaphore, #tpu.memory_space<semaphore_mem>> -> memref<!tpu.dma_semaphore, #tpu.memory_space<semaphore_mem>>
    tpu.enqueue_indirect_dma source(%dma_start3A_32 : memref<10000x128xf32, #tpu.memory_space<hbm>>) target(%dma_start3A_26 : memref<80x128xf32, #tpu.memory_space<vmem>>) offsets(%dma_start3A_29 : memref<80xi32, #tpu.memory_space<vmem>>) semaphore(%dma_start3A_34 : memref<!tpu.dma_semaphore, #tpu.memory_space<semaphore_mem>>)
    %add3A_35 = arith.constant 80 : i32
    %add3A_36 = arith.addi %mul3A_2, %add3A_35 : i32
    %run_scoped3A_37 = arith.constant 1 : i32
    "tpu.region"() ({
      %run_scoped3A_308 = tpu.sem_alloc : memref<!tpu.dma_semaphore, #tpu.memory_space<semaphore_mem>>
      %dma_start3A_309 = arith.constant 0 : i32
      %dma_start3A_310 = tpu.memref_slice %arg7[%run_scoped3A_37, %dma_start3A_309] : memref<3x80xi32, #tpu.memory_space<vmem>> -> memref<1x80xi32, #tpu.memory_space<vmem>>
      %dma_start3A_311 = tpu.memref_squeeze %dma_start3A_310 : memref<1x80xi32, #tpu.memory_space<vmem>> -> memref<80xi32, #tpu.memory_space<vmem>>
      %dma_start3A_312 = tpu.memref_slice %arg3[%add3A_36] : memref<320000xi32, #tpu.memory_space<hbm>> -> memref<80xi32, #tpu.memory_space<hbm>>
      %dma_start3A_313 = arith.constant 0 : i32
      %dma_start3A_314 = tpu.memref_slice %arg7[%run_scoped3A_37, %dma_start3A_313] : memref<3x80xi32, #tpu.memory_space<vmem>> -> memref<1x80xi32, #tpu.memory_space<vmem>>
      %dma_start3A_315 = tpu.memref_squeeze %dma_start3A_314 : memref<1x80xi32, #tpu.memory_space<vmem>> -> memref<80xi32, #tpu.memory_space<vmem>>
      %dma_start3A_316 = tpu.memref_slice %arg3[%add3A_36] : memref<320000xi32, #tpu.memory_space<hbm>> -> memref<80xi32, #tpu.memory_space<hbm>>
      tpu.enqueue_dma source(%dma_start3A_316 : memref<80xi32, #tpu.memory_space<hbm>>) target(%dma_start3A_315 : memref<80xi32, #tpu.memory_space<vmem>>) target_semaphore(%run_scoped3A_308 : memref<!tpu.dma_semaphore, #tpu.memory_space<semaphore_mem>>)
      %dma_wait3A_317 = arith.constant 0 : i32
      %dma_wait3A_318 = tpu.memref_slice %arg7[%run_scoped3A_37, %dma_wait3A_317] : memref<3x80xi32, #tpu.memory_space<vmem>> -> memref<1x80xi32, #tpu.memory_space<vmem>>
      %dma_wait3A_319 = tpu.memref_squeeze %dma_wait3A_318 : memref<1x80xi32, #tpu.memory_space<vmem>> -> memref<80xi32, #tpu.memory_space<vmem>>
      %dma_wait3A_320 = tpu.memref_slice %arg3[%add3A_36] : memref<320000xi32, #tpu.memory_space<hbm>> -> memref<80xi32, #tpu.memory_space<hbm>>
      %dma_wait3A_321 = arith.constant 0 : i32
      %dma_wait3A_322 = tpu.memref_slice %arg7[%run_scoped3A_37, %dma_wait3A_321] : memref<3x80xi32, #tpu.memory_space<vmem>> -> memref<1x80xi32, #tpu.memory_space<vmem>>
      %dma_wait3A_323 = tpu.memref_squeeze %dma_wait3A_322 : memref<1x80xi32, #tpu.memory_space<vmem>> -> memref<80xi32, #tpu.memory_space<vmem>>
      %dma_wait3A_324 = tpu.memref_slice %arg3[%add3A_36] : memref<320000xi32, #tpu.memory_space<hbm>> -> memref<80xi32, #tpu.memory_space<hbm>>
      tpu.wait_dma2 semaphore(%run_scoped3A_308 : memref<!tpu.dma_semaphore, #tpu.memory_space<semaphore_mem>>) src(%dma_wait3A_324 : memref<80xi32, #tpu.memory_space<hbm>>) dst(%dma_wait3A_323 : memref<80xi32, #tpu.memory_space<vmem>>)
      tpu.yield
    }) : () -> ()
    %run_scoped3A_38 = arith.constant 1 : i32
    "tpu.region"() ({
      %run_scoped3A_308 = tpu.sem_alloc : memref<!tpu.dma_semaphore, #tpu.memory_space<semaphore_mem>>
      %dma_start3A_309 = arith.constant 0 : i32
      %dma_start3A_310 = tpu.memref_slice %arg8[%run_scoped3A_38, %dma_start3A_309] : memref<3x80xi32, #tpu.memory_space<vmem>> -> memref<1x80xi32, #tpu.memory_space<vmem>>
      %dma_start3A_311 = tpu.memref_squeeze %dma_start3A_310 : memref<1x80xi32, #tpu.memory_space<vmem>> -> memref<80xi32, #tpu.memory_space<vmem>>
      %dma_start3A_312 = tpu.memref_slice %arg4[%add3A_36] : memref<320000xi32, #tpu.memory_space<hbm>> -> memref<80xi32, #tpu.memory_space<hbm>>
      %dma_start3A_313 = arith.constant 0 : i32
      %dma_start3A_314 = tpu.memref_slice %arg8[%run_scoped3A_38, %dma_start3A_313] : memref<3x80xi32, #tpu.memory_space<vmem>> -> memref<1x80xi32, #tpu.memory_space<vmem>>
      %dma_start3A_315 = tpu.memref_squeeze %dma_start3A_314 : memref<1x80xi32, #tpu.memory_space<vmem>> -> memref<80xi32, #tpu.memory_space<vmem>>
      %dma_start3A_316 = tpu.memref_slice %arg4[%add3A_36] : memref<320000xi32, #tpu.memory_space<hbm>> -> memref<80xi32, #tpu.memory_space<hbm>>
      tpu.enqueue_dma source(%dma_start3A_316 : memref<80xi32, #tpu.memory_space<hbm>>) target(%dma_start3A_315 : memref<80xi32, #tpu.memory_space<vmem>>) target_semaphore(%run_scoped3A_308 : memref<!tpu.dma_semaphore, #tpu.memory_space<semaphore_mem>>)
      %dma_wait3A_317 = arith.constant 0 : i32
      %dma_wait3A_318 = tpu.memref_slice %arg8[%run_scoped3A_38, %dma_wait3A_317] : memref<3x80xi32, #tpu.memory_space<vmem>> -> memref<1x80xi32, #tpu.memory_space<vmem>>
      %dma_wait3A_319 = tpu.memref_squeeze %dma_wait3A_318 : memref<1x80xi32, #tpu.memory_space<vmem>> -> memref<80xi32, #tpu.memory_space<vmem>>
      %dma_wait3A_320 = tpu.memref_slice %arg4[%add3A_36] : memref<320000xi32, #tpu.memory_space<hbm>> -> memref<80xi32, #tpu.memory_space<hbm>>
      %dma_wait3A_321 = arith.constant 0 : i32
      %dma_wait3A_322 = tpu.memref_slice %arg8[%run_scoped3A_38, %dma_wait3A_321] : memref<3x80xi32, #tpu.memory_space<vmem>> -> memref<1x80xi32, #tpu.memory_space<vmem>>
      %dma_wait3A_323 = tpu.memref_squeeze %dma_wait3A_322 : memref<1x80xi32, #tpu.memory_space<vmem>> -> memref<80xi32, #tpu.memory_space<vmem>>
      %dma_wait3A_324 = tpu.memref_slice %arg4[%add3A_36] : memref<320000xi32, #tpu.memory_space<hbm>> -> memref<80xi32, #tpu.memory_space<hbm>>
      tpu.wait_dma2 semaphore(%run_scoped3A_308 : memref<!tpu.dma_semaphore, #tpu.memory_space<semaphore_mem>>) src(%dma_wait3A_324 : memref<80xi32, #tpu.memory_space<hbm>>) dst(%dma_wait3A_323 : memref<80xi32, #tpu.memory_space<vmem>>)
      tpu.yield
    }) : () -> ()
    %dma_start3A_39 = arith.constant 1 : i32
    %dma_start3A_40 = arith.constant 1 : i32
    %dma_start3A_41 = arith.constant 1 : i32
    %dma_start3A_42 = arith.constant 0 : i32
    %dma_start3A_43 = arith.constant 0 : i32
    %dma_start3A_44 = tpu.memref_slice %arg9[%dma_start3A_40, %dma_start3A_42, %dma_start3A_43] : memref<3x80x128xf32, #tpu.memory_space<vmem>> -> memref<1x80x128xf32, #tpu.memory_space<vmem>>
    %dma_start3A_45 = tpu.memref_squeeze %dma_start3A_44 : memref<1x80x128xf32, #tpu.memory_space<vmem>> -> memref<80x128xf32, #tpu.memory_space<vmem>>
    %dma_start3A_46 = arith.constant 0 : i32
    %dma_start3A_47 = tpu.memref_slice %arg7[%dma_start3A_39, %dma_start3A_46] : memref<3x80xi32, #tpu.memory_space<vmem>> -> memref<1x80xi32, #tpu.memory_space<vmem>>
    %dma_start3A_48 = tpu.memref_squeeze %dma_start3A_47 : memref<1x80xi32, #tpu.memory_space<vmem>> -> memref<80xi32, #tpu.memory_space<vmem>>
    %dma_start3A_49 = arith.constant 0 : i32
    %dma_start3A_50 = arith.constant 0 : i32
    %dma_start3A_51 = tpu.memref_slice %arg2[%dma_start3A_49, %dma_start3A_50] : memref<10000x128xf32, #tpu.memory_space<hbm>> -> memref<10000x128xf32, #tpu.memory_space<hbm>>
    %dma_start3A_52 = tpu.memref_slice %arg11[%dma_start3A_41] : memref<3x!tpu.dma_semaphore, #tpu.memory_space<semaphore_mem>> -> memref<1x!tpu.dma_semaphore, #tpu.memory_space<semaphore_mem>>
    %dma_start3A_53 = tpu.memref_squeeze %dma_start3A_52 : memref<1x!tpu.dma_semaphore, #tpu.memory_space<semaphore_mem>> -> memref<!tpu.dma_semaphore, #tpu.memory_space<semaphore_mem>>
    tpu.enqueue_indirect_dma source(%dma_start3A_51 : memref<10000x128xf32, #tpu.memory_space<hbm>>) target(%dma_start3A_45 : memref<80x128xf32, #tpu.memory_space<vmem>>) offsets(%dma_start3A_48 : memref<80xi32, #tpu.memory_space<vmem>>) semaphore(%dma_start3A_53 : memref<!tpu.dma_semaphore, #tpu.memory_space<semaphore_mem>>)
    %dma_start3A_54 = arith.constant 1 : i32
    %dma_start3A_55 = arith.constant 1 : i32
    %dma_start3A_56 = arith.constant 1 : i32
    %dma_start3A_57 = arith.constant 0 : i32
    %dma_start3A_58 = arith.constant 0 : i32
    %dma_start3A_59 = tpu.memref_slice %arg10[%dma_start3A_55, %dma_start3A_57, %dma_start3A_58] : memref<3x80x128xf32, #tpu.memory_space<vmem>> -> memref<1x80x128xf32, #tpu.memory_space<vmem>>
    %dma_start3A_60 = tpu.memref_squeeze %dma_start3A_59 : memref<1x80x128xf32, #tpu.memory_space<vmem>> -> memref<80x128xf32, #tpu.memory_space<vmem>>
    %dma_start3A_61 = arith.constant 0 : i32
    %dma_start3A_62 = tpu.memref_slice %arg8[%dma_start3A_54, %dma_start3A_61] : memref<3x80xi32, #tpu.memory_space<vmem>> -> memref<1x80xi32, #tpu.memory_space<vmem>>
    %dma_start3A_63 = tpu.memref_squeeze %dma_start3A_62 : memref<1x80xi32, #tpu.memory_space<vmem>> -> memref<80xi32, #tpu.memory_space<vmem>>
    %dma_start3A_64 = arith.constant 0 : i32
    %dma_start3A_65 = arith.constant 0 : i32
    %dma_start3A_66 = tpu.memref_slice %arg2[%dma_start3A_64, %dma_start3A_65] : memref<10000x128xf32, #tpu.memory_space<hbm>> -> memref<10000x128xf32, #tpu.memory_space<hbm>>
    %dma_start3A_67 = tpu.memref_slice %arg12[%dma_start3A_56] : memref<3x!tpu.dma_semaphore, #tpu.memory_space<semaphore_mem>> -> memref<1x!tpu.dma_semaphore, #tpu.memory_space<semaphore_mem>>
    %dma_start3A_68 = tpu.memref_squeeze %dma_start3A_67 : memref<1x!tpu.dma_semaphore, #tpu.memory_space<semaphore_mem>> -> memref<!tpu.dma_semaphore, #tpu.memory_space<semaphore_mem>>
    tpu.enqueue_indirect_dma source(%dma_start3A_66 : memref<10000x128xf32, #tpu.memory_space<hbm>>) target(%dma_start3A_60 : memref<80x128xf32, #tpu.memory_space<vmem>>) offsets(%dma_start3A_63 : memref<80xi32, #tpu.memory_space<vmem>>) semaphore(%dma_start3A_68 : memref<!tpu.dma_semaphore, #tpu.memory_space<semaphore_mem>>)
    %scan3A = arith.constant 0 : i32
    %scan3A_69 = arith.constant 41 : i32
    %scan3A_70 = arith.addi %scan3A, %scan3A_69 : i32
    %scan3A_71 = arith.constant 1 : i32
    scf.for %scan3A_308 = %scan3A to %scan3A_70 step %scan3A_71  : i32 {
      %mul3A_309 = arith.constant 1 : i32
      %mul3A_310 = arith.muli %scan3A_308, %mul3A_309 : i32
      %add3A_311 = arith.constant 0 : i32
      %add3A_312 = arith.addi %add3A_311, %mul3A_310 : i32
      %mul3A_313 = arith.constant 3 : i32
      %mul3A_314 = arith.muli %mul3A_313, %add3A_312 : i32
      %add3A_315 = arith.constant 0 : i32
      %add3A_316 = arith.addi %mul3A_314, %add3A_315 : i32
      %dma_wait3A_317 = arith.constant 0 : i32
      %dma_wait3A_318 = arith.constant 0 : i32
      %dma_wait3A_319 = arith.constant 0 : i32
      %dma_wait3A_320 = arith.constant 0 : i32
      %dma_wait3A_321 = arith.constant 0 : i32
      %dma_wait3A_322 = tpu.memref_slice %arg9[%dma_wait3A_318, %dma_wait3A_320, %dma_wait3A_321] : memref<3x80x128xf32, #tpu.memory_space<vmem>> -> memref<1x80x128xf32, #tpu.memory_space<vmem>>
      %dma_wait3A_323 = tpu.memref_squeeze %dma_wait3A_322 : memref<1x80x128xf32, #tpu.memory_space<vmem>> -> memref<80x128xf32, #tpu.memory_space<vmem>>
      %dma_wait3A_324 = arith.constant 0 : i32
      %dma_wait3A_325 = tpu.memref_slice %arg7[%dma_wait3A_317, %dma_wait3A_324] : memref<3x80xi32, #tpu.memory_space<vmem>> -> memref<1x80xi32, #tpu.memory_space<vmem>>
      %dma_wait3A_326 = tpu.memref_squeeze %dma_wait3A_325 : memref<1x80xi32, #tpu.memory_space<vmem>> -> memref<80xi32, #tpu.memory_space<vmem>>
      %dma_wait3A_327 = arith.constant 0 : i32
      %dma_wait3A_328 = arith.constant 0 : i32
      %dma_wait3A_329 = tpu.memref_slice %arg2[%dma_wait3A_327, %dma_wait3A_328] : memref<10000x128xf32, #tpu.memory_space<hbm>> -> memref<10000x128xf32, #tpu.memory_space<hbm>>
      %dma_wait3A_330 = tpu.memref_slice %arg11[%dma_wait3A_319] : memref<3x!tpu.dma_semaphore, #tpu.memory_space<semaphore_mem>> -> memref<1x!tpu.dma_semaphore, #tpu.memory_space<semaphore_mem>>
      %dma_wait3A_331 = tpu.memref_squeeze %dma_wait3A_330 : memref<1x!tpu.dma_semaphore, #tpu.memory_space<semaphore_mem>> -> memref<!tpu.dma_semaphore, #tpu.memory_space<semaphore_mem>>
      tpu.wait_indirect_dma semaphore(%dma_wait3A_331 : memref<!tpu.dma_semaphore, #tpu.memory_space<semaphore_mem>>) src(%dma_wait3A_329 : memref<10000x128xf32, #tpu.memory_space<hbm>>) dst(%dma_wait3A_323 : memref<80x128xf32, #tpu.memory_space<vmem>>)
      %dma_wait3A_332 = arith.constant 0 : i32
      %dma_wait3A_333 = arith.constant 0 : i32
      %dma_wait3A_334 = arith.constant 0 : i32
      %dma_wait3A_335 = arith.constant 0 : i32
      %dma_wait3A_336 = arith.constant 0 : i32
      %dma_wait3A_337 = tpu.memref_slice %arg10[%dma_wait3A_333, %dma_wait3A_335, %dma_wait3A_336] : memref<3x80x128xf32, #tpu.memory_space<vmem>> -> memref<1x80x128xf32, #tpu.memory_space<vmem>>
      %dma_wait3A_338 = tpu.memref_squeeze %dma_wait3A_337 : memref<1x80x128xf32, #tpu.memory_space<vmem>> -> memref<80x128xf32, #tpu.memory_space<vmem>>
      %dma_wait3A_339 = arith.constant 0 : i32
      %dma_wait3A_340 = tpu.memref_slice %arg8[%dma_wait3A_332, %dma_wait3A_339] : memref<3x80xi32, #tpu.memory_space<vmem>> -> memref<1x80xi32, #tpu.memory_space<vmem>>
      %dma_wait3A_341 = tpu.memref_squeeze %dma_wait3A_340 : memref<1x80xi32, #tpu.memory_space<vmem>> -> memref<80xi32, #tpu.memory_space<vmem>>
      %dma_wait3A_342 = arith.constant 0 : i32
      %dma_wait3A_343 = arith.constant 0 : i32
      %dma_wait3A_344 = tpu.memref_slice %arg2[%dma_wait3A_342, %dma_wait3A_343] : memref<10000x128xf32, #tpu.memory_space<hbm>> -> memref<10000x128xf32, #tpu.memory_space<hbm>>
      %dma_wait3A_345 = tpu.memref_slice %arg12[%dma_wait3A_334] : memref<3x!tpu.dma_semaphore, #tpu.memory_space<semaphore_mem>> -> memref<1x!tpu.dma_semaphore, #tpu.memory_space<semaphore_mem>>
      %dma_wait3A_346 = tpu.memref_squeeze %dma_wait3A_345 : memref<1x!tpu.dma_semaphore, #tpu.memory_space<semaphore_mem>> -> memref<!tpu.dma_semaphore, #tpu.memory_space<semaphore_mem>>
      tpu.wait_indirect_dma semaphore(%dma_wait3A_346 : memref<!tpu.dma_semaphore, #tpu.memory_space<semaphore_mem>>) src(%dma_wait3A_344 : memref<10000x128xf32, #tpu.memory_space<hbm>>) dst(%dma_wait3A_338 : memref<80x128xf32, #tpu.memory_space<vmem>>)
      %mul3A_347 = arith.constant 80 : i32
      %mul3A_348 = arith.muli %add3A_316, %mul3A_347 : i32
      %add3A_349 = arith.addi %mul3A_2, %mul3A_348 : i32
      %dma_start3A_350 = arith.constant 0 : i32
      %dma_start3A_351 = arith.constant 0 : i32
      %dma_start3A_352 = arith.constant 0 : i32
      %dma_start3A_353 = arith.constant 0 : i32
      %dma_start3A_354 = tpu.memref_slice %arg9[%dma_start3A_350, %dma_start3A_352, %dma_start3A_353] : memref<3x80x128xf32, #tpu.memory_space<vmem>> -> memref<1x80x128xf32, #tpu.memory_space<vmem>>
      %dma_start3A_355 = tpu.memref_squeeze %dma_start3A_354 : memref<1x80x128xf32, #tpu.memory_space<vmem>> -> memref<80x128xf32, #tpu.memory_space<vmem>>
      %dma_start3A_356 = arith.constant 0 : i32
      %dma_start3A_357 = tpu.memref_slice %arg5[%add3A_349, %dma_start3A_356] : memref<320000x128xf32, #tpu.memory_space<hbm>> -> memref<80x128xf32, #tpu.memory_space<hbm>>
      %dma_start3A_358 = tpu.memref_slice %arg13[%dma_start3A_351] : memref<3x!tpu.dma_semaphore, #tpu.memory_space<semaphore_mem>> -> memref<1x!tpu.dma_semaphore, #tpu.memory_space<semaphore_mem>>
      %dma_start3A_359 = tpu.memref_squeeze %dma_start3A_358 : memref<1x!tpu.dma_semaphore, #tpu.memory_space<semaphore_mem>> -> memref<!tpu.dma_semaphore, #tpu.memory_space<semaphore_mem>>
      %dma_start3A_360 = arith.constant 0 : i32
      %dma_start3A_361 = tpu.memref_slice %arg5[%add3A_349, %dma_start3A_360] : memref<320000x128xf32, #tpu.memory_space<hbm>> -> memref<80x128xf32, #tpu.memory_space<hbm>>
      %dma_start3A_362 = arith.constant 0 : i32
      %dma_start3A_363 = arith.constant 0 : i32
      %dma_start3A_364 = tpu.memref_slice %arg9[%dma_start3A_350, %dma_start3A_362, %dma_start3A_363] : memref<3x80x128xf32, #tpu.memory_space<vmem>> -> memref<1x80x128xf32, #tpu.memory_space<vmem>>
      %dma_start3A_365 = tpu.memref_squeeze %dma_start3A_364 : memref<1x80x128xf32, #tpu.memory_space<vmem>> -> memref<80x128xf32, #tpu.memory_space<vmem>>
      tpu.enqueue_dma source(%dma_start3A_365 : memref<80x128xf32, #tpu.memory_space<vmem>>) target(%dma_start3A_361 : memref<80x128xf32, #tpu.memory_space<hbm>>) target_semaphore(%dma_start3A_359 : memref<!tpu.dma_semaphore, #tpu.memory_space<semaphore_mem>>)
      %dma_start3A_366 = arith.constant 0 : i32
      %dma_start3A_367 = arith.constant 0 : i32
      %dma_start3A_368 = arith.constant 0 : i32
      %dma_start3A_369 = arith.constant 0 : i32
      %dma_start3A_370 = tpu.memref_slice %arg10[%dma_start3A_366, %dma_start3A_368, %dma_start3A_369] : memref<3x80x128xf32, #tpu.memory_space<vmem>> -> memref<1x80x128xf32, #tpu.memory_space<vmem>>
      %dma_start3A_371 = tpu.memref_squeeze %dma_start3A_370 : memref<1x80x128xf32, #tpu.memory_space<vmem>> -> memref<80x128xf32, #tpu.memory_space<vmem>>
      %dma_start3A_372 = arith.constant 0 : i32
      %dma_start3A_373 = tpu.memref_slice %arg6[%add3A_349, %dma_start3A_372] : memref<320000x128xf32, #tpu.memory_space<hbm>> -> memref<80x128xf32, #tpu.memory_space<hbm>>
      %dma_start3A_374 = tpu.memref_slice %arg14[%dma_start3A_367] : memref<3x!tpu.dma_semaphore, #tpu.memory_space<semaphore_mem>> -> memref<1x!tpu.dma_semaphore, #tpu.memory_space<semaphore_mem>>
      %dma_start3A_375 = tpu.memref_squeeze %dma_start3A_374 : memref<1x!tpu.dma_semaphore, #tpu.memory_space<semaphore_mem>> -> memref<!tpu.dma_semaphore, #tpu.memory_space<semaphore_mem>>
      %dma_start3A_376 = arith.constant 0 : i32
      %dma_start3A_377 = tpu.memref_slice %arg6[%add3A_349, %dma_start3A_376] : memref<320000x128xf32, #tpu.memory_space<hbm>> -> memref<80x128xf32, #tpu.memory_space<hbm>>
      %dma_start3A_378 = arith.constant 0 : i32
      %dma_start3A_379 = arith.constant 0 : i32
      %dma_start3A_380 = tpu.memref_slice %arg10[%dma_start3A_366, %dma_start3A_378, %dma_start3A_379] : memref<3x80x128xf32, #tpu.memory_space<vmem>> -> memref<1x80x128xf32, #tpu.memory_space<vmem>>
      %dma_start3A_381 = tpu.memref_squeeze %dma_start3A_380 : memref<1x80x128xf32, #tpu.memory_space<vmem>> -> memref<80x128xf32, #tpu.memory_space<vmem>>
      tpu.enqueue_dma source(%dma_start3A_381 : memref<80x128xf32, #tpu.memory_space<vmem>>) target(%dma_start3A_377 : memref<80x128xf32, #tpu.memory_space<hbm>>) target_semaphore(%dma_start3A_375 : memref<!tpu.dma_semaphore, #tpu.memory_space<semaphore_mem>>)
      %gt3A = arith.constant 0 : i32
      %gt3A_382 = arith.cmpi sgt, %add3A_312, %gt3A : i32
      %convert_element_type3A = arith.extui %gt3A_382 : i1 to i32
      %cond3A = arith.constant 0 : i32
      %cond3A_383 = arith.cmpi ne, %convert_element_type3A, %cond3A : i32
      scf.if %cond3A_383 {
        %dma_wait3A_705 = arith.constant 2 : i32
        %dma_wait3A_706 = arith.constant 2 : i32
        %dma_wait3A_707 = arith.constant 0 : i32
        %dma_wait3A_708 = arith.constant 0 : i32
        %dma_wait3A_709 = tpu.memref_slice %arg9[%dma_wait3A_705, %dma_wait3A_707, %dma_wait3A_708] : memref<3x80x128xf32, #tpu.memory_space<vmem>> -> memref<1x80x128xf32, #tpu.memory_space<vmem>>
        %dma_wait3A_710 = tpu.memref_squeeze %dma_wait3A_709 : memref<1x80x128xf32, #tpu.memory_space<vmem>> -> memref<80x128xf32, #tpu.memory_space<vmem>>
        %dma_wait3A_711 = arith.constant 0 : i32
        %dma_wait3A_712 = arith.constant 0 : i32
        %dma_wait3A_713 = tpu.memref_slice %arg5[%dma_wait3A_711, %dma_wait3A_712] : memref<320000x128xf32, #tpu.memory_space<hbm>> -> memref<80x128xf32, #tpu.memory_space<hbm>>
        %dma_wait3A_714 = tpu.memref_slice %arg13[%dma_wait3A_706] : memref<3x!tpu.dma_semaphore, #tpu.memory_space<semaphore_mem>> -> memref<1x!tpu.dma_semaphore, #tpu.memory_space<semaphore_mem>>
        %dma_wait3A_715 = tpu.memref_squeeze %dma_wait3A_714 : memref<1x!tpu.dma_semaphore, #tpu.memory_space<semaphore_mem>> -> memref<!tpu.dma_semaphore, #tpu.memory_space<semaphore_mem>>
        %dma_wait3A_716 = arith.constant 0 : i32
        %dma_wait3A_717 = arith.constant 0 : i32
        %dma_wait3A_718 = tpu.memref_slice %arg5[%dma_wait3A_716, %dma_wait3A_717] : memref<320000x128xf32, #tpu.memory_space<hbm>> -> memref<80x128xf32, #tpu.memory_space<hbm>>
        %dma_wait3A_719 = arith.constant 0 : i32
        %dma_wait3A_720 = arith.constant 0 : i32
        %dma_wait3A_721 = tpu.memref_slice %arg9[%dma_wait3A_705, %dma_wait3A_719, %dma_wait3A_720] : memref<3x80x128xf32, #tpu.memory_space<vmem>> -> memref<1x80x128xf32, #tpu.memory_space<vmem>>
        %dma_wait3A_722 = tpu.memref_squeeze %dma_wait3A_721 : memref<1x80x128xf32, #tpu.memory_space<vmem>> -> memref<80x128xf32, #tpu.memory_space<vmem>>
        tpu.wait_dma2 semaphore(%dma_wait3A_715 : memref<!tpu.dma_semaphore, #tpu.memory_space<semaphore_mem>>) src(%dma_wait3A_722 : memref<80x128xf32, #tpu.memory_space<vmem>>) dst(%dma_wait3A_718 : memref<80x128xf32, #tpu.memory_space<hbm>>)
        %dma_wait3A_723 = arith.constant 2 : i32
        %dma_wait3A_724 = arith.constant 2 : i32
        %dma_wait3A_725 = arith.constant 0 : i32
        %dma_wait3A_726 = arith.constant 0 : i32
        %dma_wait3A_727 = tpu.memref_slice %arg10[%dma_wait3A_723, %dma_wait3A_725, %dma_wait3A_726] : memref<3x80x128xf32, #tpu.memory_space<vmem>> -> memref<1x80x128xf32, #tpu.memory_space<vmem>>
        %dma_wait3A_728 = tpu.memref_squeeze %dma_wait3A_727 : memref<1x80x128xf32, #tpu.memory_space<vmem>> -> memref<80x128xf32, #tpu.memory_space<vmem>>
        %dma_wait3A_729 = arith.constant 0 : i32
        %dma_wait3A_730 = arith.constant 0 : i32
        %dma_wait3A_731 = tpu.memref_slice %arg6[%dma_wait3A_729, %dma_wait3A_730] : memref<320000x128xf32, #tpu.memory_space<hbm>> -> memref<80x128xf32, #tpu.memory_space<hbm>>
        %dma_wait3A_732 = tpu.memref_slice %arg14[%dma_wait3A_724] : memref<3x!tpu.dma_semaphore, #tpu.memory_space<semaphore_mem>> -> memref<1x!tpu.dma_semaphore, #tpu.memory_space<semaphore_mem>>
        %dma_wait3A_733 = tpu.memref_squeeze %dma_wait3A_732 : memref<1x!tpu.dma_semaphore, #tpu.memory_space<semaphore_mem>> -> memref<!tpu.dma_semaphore, #tpu.memory_space<semaphore_mem>>
        %dma_wait3A_734 = arith.constant 0 : i32
        %dma_wait3A_735 = arith.constant 0 : i32
        %dma_wait3A_736 = tpu.memref_slice %arg6[%dma_wait3A_734, %dma_wait3A_735] : memref<320000x128xf32, #tpu.memory_space<hbm>> -> memref<80x128xf32, #tpu.memory_space<hbm>>
        %dma_wait3A_737 = arith.constant 0 : i32
        %dma_wait3A_738 = arith.constant 0 : i32
        %dma_wait3A_739 = tpu.memref_slice %arg10[%dma_wait3A_723, %dma_wait3A_737, %dma_wait3A_738] : memref<3x80x128xf32, #tpu.memory_space<vmem>> -> memref<1x80x128xf32, #tpu.memory_space<vmem>>
        %dma_wait3A_740 = tpu.memref_squeeze %dma_wait3A_739 : memref<1x80x128xf32, #tpu.memory_space<vmem>> -> memref<80x128xf32, #tpu.memory_space<vmem>>
        tpu.wait_dma2 semaphore(%dma_wait3A_733 : memref<!tpu.dma_semaphore, #tpu.memory_space<semaphore_mem>>) src(%dma_wait3A_740 : memref<80x128xf32, #tpu.memory_space<vmem>>) dst(%dma_wait3A_736 : memref<80x128xf32, #tpu.memory_space<hbm>>)
      } else {
      }
      %add3A_384 = arith.constant 2 : i32
      %add3A_385 = arith.addi %add3A_316, %add3A_384 : i32
      %mul3A_386 = arith.constant 80 : i32
      %mul3A_387 = arith.muli %add3A_385, %mul3A_386 : i32
      %add3A_388 = arith.addi %mul3A_2, %mul3A_387 : i32
      %run_scoped3A_389 = arith.constant 2 : i32
      "tpu.region"() ({
        %run_scoped3A_705 = tpu.sem_alloc : memref<!tpu.dma_semaphore, #tpu.memory_space<semaphore_mem>>
        %dma_start3A_706 = arith.constant 0 : i32
        %dma_start3A_707 = tpu.memref_slice %arg7[%run_scoped3A_389, %dma_start3A_706] : memref<3x80xi32, #tpu.memory_space<vmem>> -> memref<1x80xi32, #tpu.memory_space<vmem>>
        %dma_start3A_708 = tpu.memref_squeeze %dma_start3A_707 : memref<1x80xi32, #tpu.memory_space<vmem>> -> memref<80xi32, #tpu.memory_space<vmem>>
        %dma_start3A_709 = tpu.memref_slice %arg3[%add3A_388] : memref<320000xi32, #tpu.memory_space<hbm>> -> memref<80xi32, #tpu.memory_space<hbm>>
        %dma_start3A_710 = arith.constant 0 : i32
        %dma_start3A_711 = tpu.memref_slice %arg7[%run_scoped3A_389, %dma_start3A_710] : memref<3x80xi32, #tpu.memory_space<vmem>> -> memref<1x80xi32, #tpu.memory_space<vmem>>
        %dma_start3A_712 = tpu.memref_squeeze %dma_start3A_711 : memref<1x80xi32, #tpu.memory_space<vmem>> -> memref<80xi32, #tpu.memory_space<vmem>>
        %dma_start3A_713 = tpu.memref_slice %arg3[%add3A_388] : memref<320000xi32, #tpu.memory_space<hbm>> -> memref<80xi32, #tpu.memory_space<hbm>>
        tpu.enqueue_dma source(%dma_start3A_713 : memref<80xi32, #tpu.memory_space<hbm>>) target(%dma_start3A_712 : memref<80xi32, #tpu.memory_space<vmem>>) target_semaphore(%run_scoped3A_705 : memref<!tpu.dma_semaphore, #tpu.memory_space<semaphore_mem>>)
        %dma_wait3A_714 = arith.constant 0 : i32
        %dma_wait3A_715 = tpu.memref_slice %arg7[%run_scoped3A_389, %dma_wait3A_714] : memref<3x80xi32, #tpu.memory_space<vmem>> -> memref<1x80xi32, #tpu.memory_space<vmem>>
        %dma_wait3A_716 = tpu.memref_squeeze %dma_wait3A_715 : memref<1x80xi32, #tpu.memory_space<vmem>> -> memref<80xi32, #tpu.memory_space<vmem>>
        %dma_wait3A_717 = tpu.memref_slice %arg3[%add3A_388] : memref<320000xi32, #tpu.memory_space<hbm>> -> memref<80xi32, #tpu.memory_space<hbm>>
        %dma_wait3A_718 = arith.constant 0 : i32
        %dma_wait3A_719 = tpu.memref_slice %arg7[%run_scoped3A_389, %dma_wait3A_718] : memref<3x80xi32, #tpu.memory_space<vmem>> -> memref<1x80xi32, #tpu.memory_space<vmem>>
        %dma_wait3A_720 = tpu.memref_squeeze %dma_wait3A_719 : memref<1x80xi32, #tpu.memory_space<vmem>> -> memref<80xi32, #tpu.memory_space<vmem>>
        %dma_wait3A_721 = tpu.memref_slice %arg3[%add3A_388] : memref<320000xi32, #tpu.memory_space<hbm>> -> memref<80xi32, #tpu.memory_space<hbm>>
        tpu.wait_dma2 semaphore(%run_scoped3A_705 : memref<!tpu.dma_semaphore, #tpu.memory_space<semaphore_mem>>) src(%dma_wait3A_721 : memref<80xi32, #tpu.memory_space<hbm>>) dst(%dma_wait3A_720 : memref<80xi32, #tpu.memory_space<vmem>>)
        tpu.yield
      }) : () -> ()
      %run_scoped3A_390 = arith.constant 2 : i32
      "tpu.region"() ({
        %run_scoped3A_705 = tpu.sem_alloc : memref<!tpu.dma_semaphore, #tpu.memory_space<semaphore_mem>>
        %dma_start3A_706 = arith.constant 0 : i32
        %dma_start3A_707 = tpu.memref_slice %arg8[%run_scoped3A_390, %dma_start3A_706] : memref<3x80xi32, #tpu.memory_space<vmem>> -> memref<1x80xi32, #tpu.memory_space<vmem>>
        %dma_start3A_708 = tpu.memref_squeeze %dma_start3A_707 : memref<1x80xi32, #tpu.memory_space<vmem>> -> memref<80xi32, #tpu.memory_space<vmem>>
        %dma_start3A_709 = tpu.memref_slice %arg4[%add3A_388] : memref<320000xi32, #tpu.memory_space<hbm>> -> memref<80xi32, #tpu.memory_space<hbm>>
        %dma_start3A_710 = arith.constant 0 : i32
        %dma_start3A_711 = tpu.memref_slice %arg8[%run_scoped3A_390, %dma_start3A_710] : memref<3x80xi32, #tpu.memory_space<vmem>> -> memref<1x80xi32, #tpu.memory_space<vmem>>
        %dma_start3A_712 = tpu.memref_squeeze %dma_start3A_711 : memref<1x80xi32, #tpu.memory_space<vmem>> -> memref<80xi32, #tpu.memory_space<vmem>>
        %dma_start3A_713 = tpu.memref_slice %arg4[%add3A_388] : memref<320000xi32, #tpu.memory_space<hbm>> -> memref<80xi32, #tpu.memory_space<hbm>>
        tpu.enqueue_dma source(%dma_start3A_713 : memref<80xi32, #tpu.memory_space<hbm>>) target(%dma_start3A_712 : memref<80xi32, #tpu.memory_space<vmem>>) target_semaphore(%run_scoped3A_705 : memref<!tpu.dma_semaphore, #tpu.memory_space<semaphore_mem>>)
        %dma_wait3A_714 = arith.constant 0 : i32
        %dma_wait3A_715 = tpu.memref_slice %arg8[%run_scoped3A_390, %dma_wait3A_714] : memref<3x80xi32, #tpu.memory_space<vmem>> -> memref<1x80xi32, #tpu.memory_space<vmem>>
        %dma_wait3A_716 = tpu.memref_squeeze %dma_wait3A_715 : memref<1x80xi32, #tpu.memory_space<vmem>> -> memref<80xi32, #tpu.memory_space<vmem>>
        %dma_wait3A_717 = tpu.memref_slice %arg4[%add3A_388] : memref<320000xi32, #tpu.memory_space<hbm>> -> memref<80xi32, #tpu.memory_space<hbm>>
        %dma_wait3A_718 = arith.constant 0 : i32
        %dma_wait3A_719 = tpu.memref_slice %arg8[%run_scoped3A_390, %dma_wait3A_718] : memref<3x80xi32, #tpu.memory_space<vmem>> -> memref<1x80xi32, #tpu.memory_space<vmem>>
        %dma_wait3A_720 = tpu.memref_squeeze %dma_wait3A_719 : memref<1x80xi32, #tpu.memory_space<vmem>> -> memref<80xi32, #tpu.memory_space<vmem>>
        %dma_wait3A_721 = tpu.memref_slice %arg4[%add3A_388] : memref<320000xi32, #tpu.memory_space<hbm>> -> memref<80xi32, #tpu.memory_space<hbm>>
        tpu.wait_dma2 semaphore(%run_scoped3A_705 : memref<!tpu.dma_semaphore, #tpu.memory_space<semaphore_mem>>) src(%dma_wait3A_721 : memref<80xi32, #tpu.memory_space<hbm>>) dst(%dma_wait3A_720 : memref<80xi32, #tpu.memory_space<vmem>>)
        tpu.yield
      }) : () -> ()
      %dma_start3A_391 = arith.constant 2 : i32
      %dma_start3A_392 = arith.constant 2 : i32
      %dma_start3A_393 = arith.constant 2 : i32
      %dma_start3A_394 = arith.constant 0 : i32
      %dma_start3A_395 = arith.constant 0 : i32
      %dma_start3A_396 = tpu.memref_slice %arg9[%dma_start3A_392, %dma_start3A_394, %dma_start3A_395] : memref<3x80x128xf32, #tpu.memory_space<vmem>> -> memref<1x80x128xf32, #tpu.memory_space<vmem>>
      %dma_start3A_397 = tpu.memref_squeeze %dma_start3A_396 : memref<1x80x128xf32, #tpu.memory_space<vmem>> -> memref<80x128xf32, #tpu.memory_space<vmem>>
      %dma_start3A_398 = arith.constant 0 : i32
      %dma_start3A_399 = tpu.memref_slice %arg7[%dma_start3A_391, %dma_start3A_398] : memref<3x80xi32, #tpu.memory_space<vmem>> -> memref<1x80xi32, #tpu.memory_space<vmem>>
      %dma_start3A_400 = tpu.memref_squeeze %dma_start3A_399 : memref<1x80xi32, #tpu.memory_space<vmem>> -> memref<80xi32, #tpu.memory_space<vmem>>
      %dma_start3A_401 = arith.constant 0 : i32
      %dma_start3A_402 = arith.constant 0 : i32
      %dma_start3A_403 = tpu.memref_slice %arg2[%dma_start3A_401, %dma_start3A_402] : memref<10000x128xf32, #tpu.memory_space<hbm>> -> memref<10000x128xf32, #tpu.memory_space<hbm>>
      %dma_start3A_404 = tpu.memref_slice %arg11[%dma_start3A_393] : memref<3x!tpu.dma_semaphore, #tpu.memory_space<semaphore_mem>> -> memref<1x!tpu.dma_semaphore, #tpu.memory_space<semaphore_mem>>
      %dma_start3A_405 = tpu.memref_squeeze %dma_start3A_404 : memref<1x!tpu.dma_semaphore, #tpu.memory_space<semaphore_mem>> -> memref<!tpu.dma_semaphore, #tpu.memory_space<semaphore_mem>>
      tpu.enqueue_indirect_dma source(%dma_start3A_403 : memref<10000x128xf32, #tpu.memory_space<hbm>>) target(%dma_start3A_397 : memref<80x128xf32, #tpu.memory_space<vmem>>) offsets(%dma_start3A_400 : memref<80xi32, #tpu.memory_space<vmem>>) semaphore(%dma_start3A_405 : memref<!tpu.dma_semaphore, #tpu.memory_space<semaphore_mem>>)
      %dma_start3A_406 = arith.constant 2 : i32
      %dma_start3A_407 = arith.constant 2 : i32
      %dma_start3A_408 = arith.constant 2 : i32
      %dma_start3A_409 = arith.constant 0 : i32
      %dma_start3A_410 = arith.constant 0 : i32
      %dma_start3A_411 = tpu.memref_slice %arg10[%dma_start3A_407, %dma_start3A_409, %dma_start3A_410] : memref<3x80x128xf32, #tpu.memory_space<vmem>> -> memref<1x80x128xf32, #tpu.memory_space<vmem>>
      %dma_start3A_412 = tpu.memref_squeeze %dma_start3A_411 : memref<1x80x128xf32, #tpu.memory_space<vmem>> -> memref<80x128xf32, #tpu.memory_space<vmem>>
      %dma_start3A_413 = arith.constant 0 : i32
      %dma_start3A_414 = tpu.memref_slice %arg8[%dma_start3A_406, %dma_start3A_413] : memref<3x80xi32, #tpu.memory_space<vmem>> -> memref<1x80xi32, #tpu.memory_space<vmem>>
      %dma_start3A_415 = tpu.memref_squeeze %dma_start3A_414 : memref<1x80xi32, #tpu.memory_space<vmem>> -> memref<80xi32, #tpu.memory_space<vmem>>
      %dma_start3A_416 = arith.constant 0 : i32
      %dma_start3A_417 = arith.constant 0 : i32
      %dma_start3A_418 = tpu.memref_slice %arg2[%dma_start3A_416, %dma_start3A_417] : memref<10000x128xf32, #tpu.memory_space<hbm>> -> memref<10000x128xf32, #tpu.memory_space<hbm>>
      %dma_start3A_419 = tpu.memref_slice %arg12[%dma_start3A_408] : memref<3x!tpu.dma_semaphore, #tpu.memory_space<semaphore_mem>> -> memref<1x!tpu.dma_semaphore, #tpu.memory_space<semaphore_mem>>
      %dma_start3A_420 = tpu.memref_squeeze %dma_start3A_419 : memref<1x!tpu.dma_semaphore, #tpu.memory_space<semaphore_mem>> -> memref<!tpu.dma_semaphore, #tpu.memory_space<semaphore_mem>>
      tpu.enqueue_indirect_dma source(%dma_start3A_418 : memref<10000x128xf32, #tpu.memory_space<hbm>>) target(%dma_start3A_412 : memref<80x128xf32, #tpu.memory_space<vmem>>) offsets(%dma_start3A_415 : memref<80xi32, #tpu.memory_space<vmem>>) semaphore(%dma_start3A_420 : memref<!tpu.dma_semaphore, #tpu.memory_space<semaphore_mem>>)
      %mul3A_421 = arith.constant 3 : i32
      %mul3A_422 = arith.muli %mul3A_421, %add3A_312 : i32
      %add3A_423 = arith.constant 1 : i32
      %add3A_424 = arith.addi %mul3A_422, %add3A_423 : i32
      %dma_wait3A_425 = arith.constant 1 : i32
      %dma_wait3A_426 = arith.constant 1 : i32
      %dma_wait3A_427 = arith.constant 1 : i32
      %dma_wait3A_428 = arith.constant 0 : i32
      %dma_wait3A_429 = arith.constant 0 : i32
      %dma_wait3A_430 = tpu.memref_slice %arg9[%dma_wait3A_426, %dma_wait3A_428, %dma_wait3A_429] : memref<3x80x128xf32, #tpu.memory_space<vmem>> -> memref<1x80x128xf32, #tpu.memory_space<vmem>>
      %dma_wait3A_431 = tpu.memref_squeeze %dma_wait3A_430 : memref<1x80x128xf32, #tpu.memory_space<vmem>> -> memref<80x128xf32, #tpu.memory_space<vmem>>
      %dma_wait3A_432 = arith.constant 0 : i32
      %dma_wait3A_433 = tpu.memref_slice %arg7[%dma_wait3A_425, %dma_wait3A_432] : memref<3x80xi32, #tpu.memory_space<vmem>> -> memref<1x80xi32, #tpu.memory_space<vmem>>
      %dma_wait3A_434 = tpu.memref_squeeze %dma_wait3A_433 : memref<1x80xi32, #tpu.memory_space<vmem>> -> memref<80xi32, #tpu.memory_space<vmem>>
      %dma_wait3A_435 = arith.constant 0 : i32
      %dma_wait3A_436 = arith.constant 0 : i32
      %dma_wait3A_437 = tpu.memref_slice %arg2[%dma_wait3A_435, %dma_wait3A_436] : memref<10000x128xf32, #tpu.memory_space<hbm>> -> memref<10000x128xf32, #tpu.memory_space<hbm>>
      %dma_wait3A_438 = tpu.memref_slice %arg11[%dma_wait3A_427] : memref<3x!tpu.dma_semaphore, #tpu.memory_space<semaphore_mem>> -> memref<1x!tpu.dma_semaphore, #tpu.memory_space<semaphore_mem>>
      %dma_wait3A_439 = tpu.memref_squeeze %dma_wait3A_438 : memref<1x!tpu.dma_semaphore, #tpu.memory_space<semaphore_mem>> -> memref<!tpu.dma_semaphore, #tpu.memory_space<semaphore_mem>>
      tpu.wait_indirect_dma semaphore(%dma_wait3A_439 : memref<!tpu.dma_semaphore, #tpu.memory_space<semaphore_mem>>) src(%dma_wait3A_437 : memref<10000x128xf32, #tpu.memory_space<hbm>>) dst(%dma_wait3A_431 : memref<80x128xf32, #tpu.memory_space<vmem>>)
      %dma_wait3A_440 = arith.constant 1 : i32
      %dma_wait3A_441 = arith.constant 1 : i32
      %dma_wait3A_442 = arith.constant 1 : i32
      %dma_wait3A_443 = arith.constant 0 : i32
      %dma_wait3A_444 = arith.constant 0 : i32
      %dma_wait3A_445 = tpu.memref_slice %arg10[%dma_wait3A_441, %dma_wait3A_443, %dma_wait3A_444] : memref<3x80x128xf32, #tpu.memory_space<vmem>> -> memref<1x80x128xf32, #tpu.memory_space<vmem>>
      %dma_wait3A_446 = tpu.memref_squeeze %dma_wait3A_445 : memref<1x80x128xf32, #tpu.memory_space<vmem>> -> memref<80x128xf32, #tpu.memory_space<vmem>>
      %dma_wait3A_447 = arith.constant 0 : i32
      %dma_wait3A_448 = tpu.memref_slice %arg8[%dma_wait3A_440, %dma_wait3A_447] : memref<3x80xi32, #tpu.memory_space<vmem>> -> memref<1x80xi32, #tpu.memory_space<vmem>>
      %dma_wait3A_449 = tpu.memref_squeeze %dma_wait3A_448 : memref<1x80xi32, #tpu.memory_space<vmem>> -> memref<80xi32, #tpu.memory_space<vmem>>
      %dma_wait3A_450 = arith.constant 0 : i32
      %dma_wait3A_451 = arith.constant 0 : i32
      %dma_wait3A_452 = tpu.memref_slice %arg2[%dma_wait3A_450, %dma_wait3A_451] : memref<10000x128xf32, #tpu.memory_space<hbm>> -> memref<10000x128xf32, #tpu.memory_space<hbm>>
      %dma_wait3A_453 = tpu.memref_slice %arg12[%dma_wait3A_442] : memref<3x!tpu.dma_semaphore, #tpu.memory_space<semaphore_mem>> -> memref<1x!tpu.dma_semaphore, #tpu.memory_space<semaphore_mem>>
      %dma_wait3A_454 = tpu.memref_squeeze %dma_wait3A_453 : memref<1x!tpu.dma_semaphore, #tpu.memory_space<semaphore_mem>> -> memref<!tpu.dma_semaphore, #tpu.memory_space<semaphore_mem>>
      tpu.wait_indirect_dma semaphore(%dma_wait3A_454 : memref<!tpu.dma_semaphore, #tpu.memory_space<semaphore_mem>>) src(%dma_wait3A_452 : memref<10000x128xf32, #tpu.memory_space<hbm>>) dst(%dma_wait3A_446 : memref<80x128xf32, #tpu.memory_space<vmem>>)
      %mul3A_455 = arith.constant 80 : i32
      %mul3A_456 = arith.muli %add3A_424, %mul3A_455 : i32
      %add3A_457 = arith.addi %mul3A_2, %mul3A_456 : i32
      %dma_start3A_458 = arith.constant 1 : i32
      %dma_start3A_459 = arith.constant 1 : i32
      %dma_start3A_460 = arith.constant 0 : i32
      %dma_start3A_461 = arith.constant 0 : i32
      %dma_start3A_462 = tpu.memref_slice %arg9[%dma_start3A_458, %dma_start3A_460, %dma_start3A_461] : memref<3x80x128xf32, #tpu.memory_space<vmem>> -> memref<1x80x128xf32, #tpu.memory_space<vmem>>
      %dma_start3A_463 = tpu.memref_squeeze %dma_start3A_462 : memref<1x80x128xf32, #tpu.memory_space<vmem>> -> memref<80x128xf32, #tpu.memory_space<vmem>>
      %dma_start3A_464 = arith.constant 0 : i32
      %dma_start3A_465 = tpu.memref_slice %arg5[%add3A_457, %dma_start3A_464] : memref<320000x128xf32, #tpu.memory_space<hbm>> -> memref<80x128xf32, #tpu.memory_space<hbm>>
      %dma_start3A_466 = tpu.memref_slice %arg13[%dma_start3A_459] : memref<3x!tpu.dma_semaphore, #tpu.memory_space<semaphore_mem>> -> memref<1x!tpu.dma_semaphore, #tpu.memory_space<semaphore_mem>>
      %dma_start3A_467 = tpu.memref_squeeze %dma_start3A_466 : memref<1x!tpu.dma_semaphore, #tpu.memory_space<semaphore_mem>> -> memref<!tpu.dma_semaphore, #tpu.memory_space<semaphore_mem>>
      %dma_start3A_468 = arith.constant 0 : i32
      %dma_start3A_469 = tpu.memref_slice %arg5[%add3A_457, %dma_start3A_468] : memref<320000x128xf32, #tpu.memory_space<hbm>> -> memref<80x128xf32, #tpu.memory_space<hbm>>
      %dma_start3A_470 = arith.constant 0 : i32
      %dma_start3A_471 = arith.constant 0 : i32
      %dma_start3A_472 = tpu.memref_slice %arg9[%dma_start3A_458, %dma_start3A_470, %dma_start3A_471] : memref<3x80x128xf32, #tpu.memory_space<vmem>> -> memref<1x80x128xf32, #tpu.memory_space<vmem>>
      %dma_start3A_473 = tpu.memref_squeeze %dma_start3A_472 : memref<1x80x128xf32, #tpu.memory_space<vmem>> -> memref<80x128xf32, #tpu.memory_space<vmem>>
      tpu.enqueue_dma source(%dma_start3A_473 : memref<80x128xf32, #tpu.memory_space<vmem>>) target(%dma_start3A_469 : memref<80x128xf32, #tpu.memory_space<hbm>>) target_semaphore(%dma_start3A_467 : memref<!tpu.dma_semaphore, #tpu.memory_space<semaphore_mem>>)
      %dma_start3A_474 = arith.constant 1 : i32
      %dma_start3A_475 = arith.constant 1 : i32
      %dma_start3A_476 = arith.constant 0 : i32
      %dma_start3A_477 = arith.constant 0 : i32
      %dma_start3A_478 = tpu.memref_slice %arg10[%dma_start3A_474, %dma_start3A_476, %dma_start3A_477] : memref<3x80x128xf32, #tpu.memory_space<vmem>> -> memref<1x80x128xf32, #tpu.memory_space<vmem>>
      %dma_start3A_479 = tpu.memref_squeeze %dma_start3A_478 : memref<1x80x128xf32, #tpu.memory_space<vmem>> -> memref<80x128xf32, #tpu.memory_space<vmem>>
      %dma_start3A_480 = arith.constant 0 : i32
      %dma_start3A_481 = tpu.memref_slice %arg6[%add3A_457, %dma_start3A_480] : memref<320000x128xf32, #tpu.memory_space<hbm>> -> memref<80x128xf32, #tpu.memory_space<hbm>>
      %dma_start3A_482 = tpu.memref_slice %arg14[%dma_start3A_475] : memref<3x!tpu.dma_semaphore, #tpu.memory_space<semaphore_mem>> -> memref<1x!tpu.dma_semaphore, #tpu.memory_space<semaphore_mem>>
      %dma_start3A_483 = tpu.memref_squeeze %dma_start3A_482 : memref<1x!tpu.dma_semaphore, #tpu.memory_space<semaphore_mem>> -> memref<!tpu.dma_semaphore, #tpu.memory_space<semaphore_mem>>
      %dma_start3A_484 = arith.constant 0 : i32
      %dma_start3A_485 = tpu.memref_slice %arg6[%add3A_457, %dma_start3A_484] : memref<320000x128xf32, #tpu.memory_space<hbm>> -> memref<80x128xf32, #tpu.memory_space<hbm>>
      %dma_start3A_486 = arith.constant 0 : i32
      %dma_start3A_487 = arith.constant 0 : i32
      %dma_start3A_488 = tpu.memref_slice %arg10[%dma_start3A_474, %dma_start3A_486, %dma_start3A_487] : memref<3x80x128xf32, #tpu.memory_space<vmem>> -> memref<1x80x128xf32, #tpu.memory_space<vmem>>
      %dma_start3A_489 = tpu.memref_squeeze %dma_start3A_488 : memref<1x80x128xf32, #tpu.memory_space<vmem>> -> memref<80x128xf32, #tpu.memory_space<vmem>>
      tpu.enqueue_dma source(%dma_start3A_489 : memref<80x128xf32, #tpu.memory_space<vmem>>) target(%dma_start3A_485 : memref<80x128xf32, #tpu.memory_space<hbm>>) target_semaphore(%dma_start3A_483 : memref<!tpu.dma_semaphore, #tpu.memory_space<semaphore_mem>>)
      %dma_wait3A_490 = arith.constant 0 : i32
      %dma_wait3A_491 = arith.constant 0 : i32
      %dma_wait3A_492 = arith.constant 0 : i32
      %dma_wait3A_493 = arith.constant 0 : i32
      %dma_wait3A_494 = tpu.memref_slice %arg9[%dma_wait3A_490, %dma_wait3A_492, %dma_wait3A_493] : memref<3x80x128xf32, #tpu.memory_space<vmem>> -> memref<1x80x128xf32, #tpu.memory_space<vmem>>
      %dma_wait3A_495 = tpu.memref_squeeze %dma_wait3A_494 : memref<1x80x128xf32, #tpu.memory_space<vmem>> -> memref<80x128xf32, #tpu.memory_space<vmem>>
      %dma_wait3A_496 = arith.constant 0 : i32
      %dma_wait3A_497 = arith.constant 0 : i32
      %dma_wait3A_498 = tpu.memref_slice %arg5[%dma_wait3A_496, %dma_wait3A_497] : memref<320000x128xf32, #tpu.memory_space<hbm>> -> memref<80x128xf32, #tpu.memory_space<hbm>>
      %dma_wait3A_499 = tpu.memref_slice %arg13[%dma_wait3A_491] : memref<3x!tpu.dma_semaphore, #tpu.memory_space<semaphore_mem>> -> memref<1x!tpu.dma_semaphore, #tpu.memory_space<semaphore_mem>>
      %dma_wait3A_500 = tpu.memref_squeeze %dma_wait3A_499 : memref<1x!tpu.dma_semaphore, #tpu.memory_space<semaphore_mem>> -> memref<!tpu.dma_semaphore, #tpu.memory_space<semaphore_mem>>
      %dma_wait3A_501 = arith.constant 0 : i32
      %dma_wait3A_502 = arith.constant 0 : i32
      %dma_wait3A_503 = tpu.memref_slice %arg5[%dma_wait3A_501, %dma_wait3A_502] : memref<320000x128xf32, #tpu.memory_space<hbm>> -> memref<80x128xf32, #tpu.memory_space<hbm>>
      %dma_wait3A_504 = arith.constant 0 : i32
      %dma_wait3A_505 = arith.constant 0 : i32
      %dma_wait3A_506 = tpu.memref_slice %arg9[%dma_wait3A_490, %dma_wait3A_504, %dma_wait3A_505] : memref<3x80x128xf32, #tpu.memory_space<vmem>> -> memref<1x80x128xf32, #tpu.memory_space<vmem>>
      %dma_wait3A_507 = tpu.memref_squeeze %dma_wait3A_506 : memref<1x80x128xf32, #tpu.memory_space<vmem>> -> memref<80x128xf32, #tpu.memory_space<vmem>>
      tpu.wait_dma2 semaphore(%dma_wait3A_500 : memref<!tpu.dma_semaphore, #tpu.memory_space<semaphore_mem>>) src(%dma_wait3A_507 : memref<80x128xf32, #tpu.memory_space<vmem>>) dst(%dma_wait3A_503 : memref<80x128xf32, #tpu.memory_space<hbm>>)
      %dma_wait3A_508 = arith.constant 0 : i32
      %dma_wait3A_509 = arith.constant 0 : i32
      %dma_wait3A_510 = arith.constant 0 : i32
      %dma_wait3A_511 = arith.constant 0 : i32
      %dma_wait3A_512 = tpu.memref_slice %arg10[%dma_wait3A_508, %dma_wait3A_510, %dma_wait3A_511] : memref<3x80x128xf32, #tpu.memory_space<vmem>> -> memref<1x80x128xf32, #tpu.memory_space<vmem>>
      %dma_wait3A_513 = tpu.memref_squeeze %dma_wait3A_512 : memref<1x80x128xf32, #tpu.memory_space<vmem>> -> memref<80x128xf32, #tpu.memory_space<vmem>>
      %dma_wait3A_514 = arith.constant 0 : i32
      %dma_wait3A_515 = arith.constant 0 : i32
      %dma_wait3A_516 = tpu.memref_slice %arg6[%dma_wait3A_514, %dma_wait3A_515] : memref<320000x128xf32, #tpu.memory_space<hbm>> -> memref<80x128xf32, #tpu.memory_space<hbm>>
      %dma_wait3A_517 = tpu.memref_slice %arg14[%dma_wait3A_509] : memref<3x!tpu.dma_semaphore, #tpu.memory_space<semaphore_mem>> -> memref<1x!tpu.dma_semaphore, #tpu.memory_space<semaphore_mem>>
      %dma_wait3A_518 = tpu.memref_squeeze %dma_wait3A_517 : memref<1x!tpu.dma_semaphore, #tpu.memory_space<semaphore_mem>> -> memref<!tpu.dma_semaphore, #tpu.memory_space<semaphore_mem>>
      %dma_wait3A_519 = arith.constant 0 : i32
      %dma_wait3A_520 = arith.constant 0 : i32
      %dma_wait3A_521 = tpu.memref_slice %arg6[%dma_wait3A_519, %dma_wait3A_520] : memref<320000x128xf32, #tpu.memory_space<hbm>> -> memref<80x128xf32, #tpu.memory_space<hbm>>
      %dma_wait3A_522 = arith.constant 0 : i32
      %dma_wait3A_523 = arith.constant 0 : i32
      %dma_wait3A_524 = tpu.memref_slice %arg10[%dma_wait3A_508, %dma_wait3A_522, %dma_wait3A_523] : memref<3x80x128xf32, #tpu.memory_space<vmem>> -> memref<1x80x128xf32, #tpu.memory_space<vmem>>
      %dma_wait3A_525 = tpu.memref_squeeze %dma_wait3A_524 : memref<1x80x128xf32, #tpu.memory_space<vmem>> -> memref<80x128xf32, #tpu.memory_space<vmem>>
      tpu.wait_dma2 semaphore(%dma_wait3A_518 : memref<!tpu.dma_semaphore, #tpu.memory_space<semaphore_mem>>) src(%dma_wait3A_525 : memref<80x128xf32, #tpu.memory_space<vmem>>) dst(%dma_wait3A_521 : memref<80x128xf32, #tpu.memory_space<hbm>>)
      %add3A_526 = arith.constant 2 : i32
      %add3A_527 = arith.addi %add3A_424, %add3A_526 : i32
      %mul3A_528 = arith.constant 80 : i32
      %mul3A_529 = arith.muli %add3A_527, %mul3A_528 : i32
      %add3A_530 = arith.addi %mul3A_2, %mul3A_529 : i32
      %run_scoped3A_531 = arith.constant 0 : i32
      "tpu.region"() ({
        %run_scoped3A_705 = tpu.sem_alloc : memref<!tpu.dma_semaphore, #tpu.memory_space<semaphore_mem>>
        %dma_start3A_706 = arith.constant 0 : i32
        %dma_start3A_707 = tpu.memref_slice %arg7[%run_scoped3A_531, %dma_start3A_706] : memref<3x80xi32, #tpu.memory_space<vmem>> -> memref<1x80xi32, #tpu.memory_space<vmem>>
        %dma_start3A_708 = tpu.memref_squeeze %dma_start3A_707 : memref<1x80xi32, #tpu.memory_space<vmem>> -> memref<80xi32, #tpu.memory_space<vmem>>
        %dma_start3A_709 = tpu.memref_slice %arg3[%add3A_530] : memref<320000xi32, #tpu.memory_space<hbm>> -> memref<80xi32, #tpu.memory_space<hbm>>
        %dma_start3A_710 = arith.constant 0 : i32
        %dma_start3A_711 = tpu.memref_slice %arg7[%run_scoped3A_531, %dma_start3A_710] : memref<3x80xi32, #tpu.memory_space<vmem>> -> memref<1x80xi32, #tpu.memory_space<vmem>>
        %dma_start3A_712 = tpu.memref_squeeze %dma_start3A_711 : memref<1x80xi32, #tpu.memory_space<vmem>> -> memref<80xi32, #tpu.memory_space<vmem>>
        %dma_start3A_713 = tpu.memref_slice %arg3[%add3A_530] : memref<320000xi32, #tpu.memory_space<hbm>> -> memref<80xi32, #tpu.memory_space<hbm>>
        tpu.enqueue_dma source(%dma_start3A_713 : memref<80xi32, #tpu.memory_space<hbm>>) target(%dma_start3A_712 : memref<80xi32, #tpu.memory_space<vmem>>) target_semaphore(%run_scoped3A_705 : memref<!tpu.dma_semaphore, #tpu.memory_space<semaphore_mem>>)
        %dma_wait3A_714 = arith.constant 0 : i32
        %dma_wait3A_715 = tpu.memref_slice %arg7[%run_scoped3A_531, %dma_wait3A_714] : memref<3x80xi32, #tpu.memory_space<vmem>> -> memref<1x80xi32, #tpu.memory_space<vmem>>
        %dma_wait3A_716 = tpu.memref_squeeze %dma_wait3A_715 : memref<1x80xi32, #tpu.memory_space<vmem>> -> memref<80xi32, #tpu.memory_space<vmem>>
        %dma_wait3A_717 = tpu.memref_slice %arg3[%add3A_530] : memref<320000xi32, #tpu.memory_space<hbm>> -> memref<80xi32, #tpu.memory_space<hbm>>
        %dma_wait3A_718 = arith.constant 0 : i32
        %dma_wait3A_719 = tpu.memref_slice %arg7[%run_scoped3A_531, %dma_wait3A_718] : memref<3x80xi32, #tpu.memory_space<vmem>> -> memref<1x80xi32, #tpu.memory_space<vmem>>
        %dma_wait3A_720 = tpu.memref_squeeze %dma_wait3A_719 : memref<1x80xi32, #tpu.memory_space<vmem>> -> memref<80xi32, #tpu.memory_space<vmem>>
        %dma_wait3A_721 = tpu.memref_slice %arg3[%add3A_530] : memref<320000xi32, #tpu.memory_space<hbm>> -> memref<80xi32, #tpu.memory_space<hbm>>
        tpu.wait_dma2 semaphore(%run_scoped3A_705 : memref<!tpu.dma_semaphore, #tpu.memory_space<semaphore_mem>>) src(%dma_wait3A_721 : memref<80xi32, #tpu.memory_space<hbm>>) dst(%dma_wait3A_720 : memref<80xi32, #tpu.memory_space<vmem>>)
        tpu.yield
      }) : () -> ()
      %run_scoped3A_532 = arith.constant 0 : i32
      "tpu.region"() ({
        %run_scoped3A_705 = tpu.sem_alloc : memref<!tpu.dma_semaphore, #tpu.memory_space<semaphore_mem>>
        %dma_start3A_706 = arith.constant 0 : i32
        %dma_start3A_707 = tpu.memref_slice %arg8[%run_scoped3A_532, %dma_start3A_706] : memref<3x80xi32, #tpu.memory_space<vmem>> -> memref<1x80xi32, #tpu.memory_space<vmem>>
        %dma_start3A_708 = tpu.memref_squeeze %dma_start3A_707 : memref<1x80xi32, #tpu.memory_space<vmem>> -> memref<80xi32, #tpu.memory_space<vmem>>
        %dma_start3A_709 = tpu.memref_slice %arg4[%add3A_530] : memref<320000xi32, #tpu.memory_space<hbm>> -> memref<80xi32, #tpu.memory_space<hbm>>
        %dma_start3A_710 = arith.constant 0 : i32
        %dma_start3A_711 = tpu.memref_slice %arg8[%run_scoped3A_532, %dma_start3A_710] : memref<3x80xi32, #tpu.memory_space<vmem>> -> memref<1x80xi32, #tpu.memory_space<vmem>>
        %dma_start3A_712 = tpu.memref_squeeze %dma_start3A_711 : memref<1x80xi32, #tpu.memory_space<vmem>> -> memref<80xi32, #tpu.memory_space<vmem>>
        %dma_start3A_713 = tpu.memref_slice %arg4[%add3A_530] : memref<320000xi32, #tpu.memory_space<hbm>> -> memref<80xi32, #tpu.memory_space<hbm>>
        tpu.enqueue_dma source(%dma_start3A_713 : memref<80xi32, #tpu.memory_space<hbm>>) target(%dma_start3A_712 : memref<80xi32, #tpu.memory_space<vmem>>) target_semaphore(%run_scoped3A_705 : memref<!tpu.dma_semaphore, #tpu.memory_space<semaphore_mem>>)
        %dma_wait3A_714 = arith.constant 0 : i32
        %dma_wait3A_715 = tpu.memref_slice %arg8[%run_scoped3A_532, %dma_wait3A_714] : memref<3x80xi32, #tpu.memory_space<vmem>> -> memref<1x80xi32, #tpu.memory_space<vmem>>
        %dma_wait3A_716 = tpu.memref_squeeze %dma_wait3A_715 : memref<1x80xi32, #tpu.memory_space<vmem>> -> memref<80xi32, #tpu.memory_space<vmem>>
        %dma_wait3A_717 = tpu.memref_slice %arg4[%add3A_530] : memref<320000xi32, #tpu.memory_space<hbm>> -> memref<80xi32, #tpu.memory_space<hbm>>
        %dma_wait3A_718 = arith.constant 0 : i32
        %dma_wait3A_719 = tpu.memref_slice %arg8[%run_scoped3A_532, %dma_wait3A_718] : memref<3x80xi32, #tpu.memory_space<vmem>> -> memref<1x80xi32, #tpu.memory_space<vmem>>
        %dma_wait3A_720 = tpu.memref_squeeze %dma_wait3A_719 : memref<1x80xi32, #tpu.memory_space<vmem>> -> memref<80xi32, #tpu.memory_space<vmem>>
        %dma_wait3A_721 = tpu.memref_slice %arg4[%add3A_530] : memref<320000xi32, #tpu.memory_space<hbm>> -> memref<80xi32, #tpu.memory_space<hbm>>
        tpu.wait_dma2 semaphore(%run_scoped3A_705 : memref<!tpu.dma_semaphore, #tpu.memory_space<semaphore_mem>>) src(%dma_wait3A_721 : memref<80xi32, #tpu.memory_space<hbm>>) dst(%dma_wait3A_720 : memref<80xi32, #tpu.memory_space<vmem>>)
        tpu.yield
      }) : () -> ()
      %dma_start3A_533 = arith.constant 0 : i32
      %dma_start3A_534 = arith.constant 0 : i32
      %dma_start3A_535 = arith.constant 0 : i32
      %dma_start3A_536 = arith.constant 0 : i32
      %dma_start3A_537 = arith.constant 0 : i32
      %dma_start3A_538 = tpu.memref_slice %arg9[%dma_start3A_534, %dma_start3A_536, %dma_start3A_537] : memref<3x80x128xf32, #tpu.memory_space<vmem>> -> memref<1x80x128xf32, #tpu.memory_space<vmem>>
      %dma_start3A_539 = tpu.memref_squeeze %dma_start3A_538 : memref<1x80x128xf32, #tpu.memory_space<vmem>> -> memref<80x128xf32, #tpu.memory_space<vmem>>
      %dma_start3A_540 = arith.constant 0 : i32
      %dma_start3A_541 = tpu.memref_slice %arg7[%dma_start3A_533, %dma_start3A_540] : memref<3x80xi32, #tpu.memory_space<vmem>> -> memref<1x80xi32, #tpu.memory_space<vmem>>
      %dma_start3A_542 = tpu.memref_squeeze %dma_start3A_541 : memref<1x80xi32, #tpu.memory_space<vmem>> -> memref<80xi32, #tpu.memory_space<vmem>>
      %dma_start3A_543 = arith.constant 0 : i32
      %dma_start3A_544 = arith.constant 0 : i32
      %dma_start3A_545 = tpu.memref_slice %arg2[%dma_start3A_543, %dma_start3A_544] : memref<10000x128xf32, #tpu.memory_space<hbm>> -> memref<10000x128xf32, #tpu.memory_space<hbm>>
      %dma_start3A_546 = tpu.memref_slice %arg11[%dma_start3A_535] : memref<3x!tpu.dma_semaphore, #tpu.memory_space<semaphore_mem>> -> memref<1x!tpu.dma_semaphore, #tpu.memory_space<semaphore_mem>>
      %dma_start3A_547 = tpu.memref_squeeze %dma_start3A_546 : memref<1x!tpu.dma_semaphore, #tpu.memory_space<semaphore_mem>> -> memref<!tpu.dma_semaphore, #tpu.memory_space<semaphore_mem>>
      tpu.enqueue_indirect_dma source(%dma_start3A_545 : memref<10000x128xf32, #tpu.memory_space<hbm>>) target(%dma_start3A_539 : memref<80x128xf32, #tpu.memory_space<vmem>>) offsets(%dma_start3A_542 : memref<80xi32, #tpu.memory_space<vmem>>) semaphore(%dma_start3A_547 : memref<!tpu.dma_semaphore, #tpu.memory_space<semaphore_mem>>)
      %dma_start3A_548 = arith.constant 0 : i32
      %dma_start3A_549 = arith.constant 0 : i32
      %dma_start3A_550 = arith.constant 0 : i32
      %dma_start3A_551 = arith.constant 0 : i32
      %dma_start3A_552 = arith.constant 0 : i32
      %dma_start3A_553 = tpu.memref_slice %arg10[%dma_start3A_549, %dma_start3A_551, %dma_start3A_552] : memref<3x80x128xf32, #tpu.memory_space<vmem>> -> memref<1x80x128xf32, #tpu.memory_space<vmem>>
      %dma_start3A_554 = tpu.memref_squeeze %dma_start3A_553 : memref<1x80x128xf32, #tpu.memory_space<vmem>> -> memref<80x128xf32, #tpu.memory_space<vmem>>
      %dma_start3A_555 = arith.constant 0 : i32
      %dma_start3A_556 = tpu.memref_slice %arg8[%dma_start3A_548, %dma_start3A_555] : memref<3x80xi32, #tpu.memory_space<vmem>> -> memref<1x80xi32, #tpu.memory_space<vmem>>
      %dma_start3A_557 = tpu.memref_squeeze %dma_start3A_556 : memref<1x80xi32, #tpu.memory_space<vmem>> -> memref<80xi32, #tpu.memory_space<vmem>>
      %dma_start3A_558 = arith.constant 0 : i32
      %dma_start3A_559 = arith.constant 0 : i32
      %dma_start3A_560 = tpu.memref_slice %arg2[%dma_start3A_558, %dma_start3A_559] : memref<10000x128xf32, #tpu.memory_space<hbm>> -> memref<10000x128xf32, #tpu.memory_space<hbm>>
      %dma_start3A_561 = tpu.memref_slice %arg12[%dma_start3A_550] : memref<3x!tpu.dma_semaphore, #tpu.memory_space<semaphore_mem>> -> memref<1x!tpu.dma_semaphore, #tpu.memory_space<semaphore_mem>>
      %dma_start3A_562 = tpu.memref_squeeze %dma_start3A_561 : memref<1x!tpu.dma_semaphore, #tpu.memory_space<semaphore_mem>> -> memref<!tpu.dma_semaphore, #tpu.memory_space<semaphore_mem>>
      tpu.enqueue_indirect_dma source(%dma_start3A_560 : memref<10000x128xf32, #tpu.memory_space<hbm>>) target(%dma_start3A_554 : memref<80x128xf32, #tpu.memory_space<vmem>>) offsets(%dma_start3A_557 : memref<80xi32, #tpu.memory_space<vmem>>) semaphore(%dma_start3A_562 : memref<!tpu.dma_semaphore, #tpu.memory_space<semaphore_mem>>)
      %mul3A_563 = arith.constant 3 : i32
      %mul3A_564 = arith.muli %mul3A_563, %add3A_312 : i32
      %add3A_565 = arith.constant 2 : i32
      %add3A_566 = arith.addi %mul3A_564, %add3A_565 : i32
      %dma_wait3A_567 = arith.constant 2 : i32
      %dma_wait3A_568 = arith.constant 2 : i32
      %dma_wait3A_569 = arith.constant 2 : i32
      %dma_wait3A_570 = arith.constant 0 : i32
      %dma_wait3A_571 = arith.constant 0 : i32
      %dma_wait3A_572 = tpu.memref_slice %arg9[%dma_wait3A_568, %dma_wait3A_570, %dma_wait3A_571] : memref<3x80x128xf32, #tpu.memory_space<vmem>> -> memref<1x80x128xf32, #tpu.memory_space<vmem>>
      %dma_wait3A_573 = tpu.memref_squeeze %dma_wait3A_572 : memref<1x80x128xf32, #tpu.memory_space<vmem>> -> memref<80x128xf32, #tpu.memory_space<vmem>>
      %dma_wait3A_574 = arith.constant 0 : i32
      %dma_wait3A_575 = tpu.memref_slice %arg7[%dma_wait3A_567, %dma_wait3A_574] : memref<3x80xi32, #tpu.memory_space<vmem>> -> memref<1x80xi32, #tpu.memory_space<vmem>>
      %dma_wait3A_576 = tpu.memref_squeeze %dma_wait3A_575 : memref<1x80xi32, #tpu.memory_space<vmem>> -> memref<80xi32, #tpu.memory_space<vmem>>
      %dma_wait3A_577 = arith.constant 0 : i32
      %dma_wait3A_578 = arith.constant 0 : i32
      %dma_wait3A_579 = tpu.memref_slice %arg2[%dma_wait3A_577, %dma_wait3A_578] : memref<10000x128xf32, #tpu.memory_space<hbm>> -> memref<10000x128xf32, #tpu.memory_space<hbm>>
      %dma_wait3A_580 = tpu.memref_slice %arg11[%dma_wait3A_569] : memref<3x!tpu.dma_semaphore, #tpu.memory_space<semaphore_mem>> -> memref<1x!tpu.dma_semaphore, #tpu.memory_space<semaphore_mem>>
      %dma_wait3A_581 = tpu.memref_squeeze %dma_wait3A_580 : memref<1x!tpu.dma_semaphore, #tpu.memory_space<semaphore_mem>> -> memref<!tpu.dma_semaphore, #tpu.memory_space<semaphore_mem>>
      tpu.wait_indirect_dma semaphore(%dma_wait3A_581 : memref<!tpu.dma_semaphore, #tpu.memory_space<semaphore_mem>>) src(%dma_wait3A_579 : memref<10000x128xf32, #tpu.memory_space<hbm>>) dst(%dma_wait3A_573 : memref<80x128xf32, #tpu.memory_space<vmem>>)
      %dma_wait3A_582 = arith.constant 2 : i32
      %dma_wait3A_583 = arith.constant 2 : i32
      %dma_wait3A_584 = arith.constant 2 : i32
      %dma_wait3A_585 = arith.constant 0 : i32
      %dma_wait3A_586 = arith.constant 0 : i32
      %dma_wait3A_587 = tpu.memref_slice %arg10[%dma_wait3A_583, %dma_wait3A_585, %dma_wait3A_586] : memref<3x80x128xf32, #tpu.memory_space<vmem>> -> memref<1x80x128xf32, #tpu.memory_space<vmem>>
      %dma_wait3A_588 = tpu.memref_squeeze %dma_wait3A_587 : memref<1x80x128xf32, #tpu.memory_space<vmem>> -> memref<80x128xf32, #tpu.memory_space<vmem>>
      %dma_wait3A_589 = arith.constant 0 : i32
      %dma_wait3A_590 = tpu.memref_slice %arg8[%dma_wait3A_582, %dma_wait3A_589] : memref<3x80xi32, #tpu.memory_space<vmem>> -> memref<1x80xi32, #tpu.memory_space<vmem>>
      %dma_wait3A_591 = tpu.memref_squeeze %dma_wait3A_590 : memref<1x80xi32, #tpu.memory_space<vmem>> -> memref<80xi32, #tpu.memory_space<vmem>>
      %dma_wait3A_592 = arith.constant 0 : i32
      %dma_wait3A_593 = arith.constant 0 : i32
      %dma_wait3A_594 = tpu.memref_slice %arg2[%dma_wait3A_592, %dma_wait3A_593] : memref<10000x128xf32, #tpu.memory_space<hbm>> -> memref<10000x128xf32, #tpu.memory_space<hbm>>
      %dma_wait3A_595 = tpu.memref_slice %arg12[%dma_wait3A_584] : memref<3x!tpu.dma_semaphore, #tpu.memory_space<semaphore_mem>> -> memref<1x!tpu.dma_semaphore, #tpu.memory_space<semaphore_mem>>
      %dma_wait3A_596 = tpu.memref_squeeze %dma_wait3A_595 : memref<1x!tpu.dma_semaphore, #tpu.memory_space<semaphore_mem>> -> memref<!tpu.dma_semaphore, #tpu.memory_space<semaphore_mem>>
      tpu.wait_indirect_dma semaphore(%dma_wait3A_596 : memref<!tpu.dma_semaphore, #tpu.memory_space<semaphore_mem>>) src(%dma_wait3A_594 : memref<10000x128xf32, #tpu.memory_space<hbm>>) dst(%dma_wait3A_588 : memref<80x128xf32, #tpu.memory_space<vmem>>)
      %mul3A_597 = arith.constant 80 : i32
      %mul3A_598 = arith.muli %add3A_566, %mul3A_597 : i32
      %add3A_599 = arith.addi %mul3A_2, %mul3A_598 : i32
      %dma_start3A_600 = arith.constant 2 : i32
      %dma_start3A_601 = arith.constant 2 : i32
      %dma_start3A_602 = arith.constant 0 : i32
      %dma_start3A_603 = arith.constant 0 : i32
      %dma_start3A_604 = tpu.memref_slice %arg9[%dma_start3A_600, %dma_start3A_602, %dma_start3A_603] : memref<3x80x128xf32, #tpu.memory_space<vmem>> -> memref<1x80x128xf32, #tpu.memory_space<vmem>>
      %dma_start3A_605 = tpu.memref_squeeze %dma_start3A_604 : memref<1x80x128xf32, #tpu.memory_space<vmem>> -> memref<80x128xf32, #tpu.memory_space<vmem>>
      %dma_start3A_606 = arith.constant 0 : i32
      %dma_start3A_607 = tpu.memref_slice %arg5[%add3A_599, %dma_start3A_606] : memref<320000x128xf32, #tpu.memory_space<hbm>> -> memref<80x128xf32, #tpu.memory_space<hbm>>
      %dma_start3A_608 = tpu.memref_slice %arg13[%dma_start3A_601] : memref<3x!tpu.dma_semaphore, #tpu.memory_space<semaphore_mem>> -> memref<1x!tpu.dma_semaphore, #tpu.memory_space<semaphore_mem>>
      %dma_start3A_609 = tpu.memref_squeeze %dma_start3A_608 : memref<1x!tpu.dma_semaphore, #tpu.memory_space<semaphore_mem>> -> memref<!tpu.dma_semaphore, #tpu.memory_space<semaphore_mem>>
      %dma_start3A_610 = arith.constant 0 : i32
      %dma_start3A_611 = tpu.memref_slice %arg5[%add3A_599, %dma_start3A_610] : memref<320000x128xf32, #tpu.memory_space<hbm>> -> memref<80x128xf32, #tpu.memory_space<hbm>>
      %dma_start3A_612 = arith.constant 0 : i32
      %dma_start3A_613 = arith.constant 0 : i32
      %dma_start3A_614 = tpu.memref_slice %arg9[%dma_start3A_600, %dma_start3A_612, %dma_start3A_613] : memref<3x80x128xf32, #tpu.memory_space<vmem>> -> memref<1x80x128xf32, #tpu.memory_space<vmem>>
      %dma_start3A_615 = tpu.memref_squeeze %dma_start3A_614 : memref<1x80x128xf32, #tpu.memory_space<vmem>> -> memref<80x128xf32, #tpu.memory_space<vmem>>
      tpu.enqueue_dma source(%dma_start3A_615 : memref<80x128xf32, #tpu.memory_space<vmem>>) target(%dma_start3A_611 : memref<80x128xf32, #tpu.memory_space<hbm>>) target_semaphore(%dma_start3A_609 : memref<!tpu.dma_semaphore, #tpu.memory_space<semaphore_mem>>)
      %dma_start3A_616 = arith.constant 2 : i32
      %dma_start3A_617 = arith.constant 2 : i32
      %dma_start3A_618 = arith.constant 0 : i32
      %dma_start3A_619 = arith.constant 0 : i32
      %dma_start3A_620 = tpu.memref_slice %arg10[%dma_start3A_616, %dma_start3A_618, %dma_start3A_619] : memref<3x80x128xf32, #tpu.memory_space<vmem>> -> memref<1x80x128xf32, #tpu.memory_space<vmem>>
      %dma_start3A_621 = tpu.memref_squeeze %dma_start3A_620 : memref<1x80x128xf32, #tpu.memory_space<vmem>> -> memref<80x128xf32, #tpu.memory_space<vmem>>
      %dma_start3A_622 = arith.constant 0 : i32
      %dma_start3A_623 = tpu.memref_slice %arg6[%add3A_599, %dma_start3A_622] : memref<320000x128xf32, #tpu.memory_space<hbm>> -> memref<80x128xf32, #tpu.memory_space<hbm>>
      %dma_start3A_624 = tpu.memref_slice %arg14[%dma_start3A_617] : memref<3x!tpu.dma_semaphore, #tpu.memory_space<semaphore_mem>> -> memref<1x!tpu.dma_semaphore, #tpu.memory_space<semaphore_mem>>
      %dma_start3A_625 = tpu.memref_squeeze %dma_start3A_624 : memref<1x!tpu.dma_semaphore, #tpu.memory_space<semaphore_mem>> -> memref<!tpu.dma_semaphore, #tpu.memory_space<semaphore_mem>>
      %dma_start3A_626 = arith.constant 0 : i32
      %dma_start3A_627 = tpu.memref_slice %arg6[%add3A_599, %dma_start3A_626] : memref<320000x128xf32, #tpu.memory_space<hbm>> -> memref<80x128xf32, #tpu.memory_space<hbm>>
      %dma_start3A_628 = arith.constant 0 : i32
      %dma_start3A_629 = arith.constant 0 : i32
      %dma_start3A_630 = tpu.memref_slice %arg10[%dma_start3A_616, %dma_start3A_628, %dma_start3A_629] : memref<3x80x128xf32, #tpu.memory_space<vmem>> -> memref<1x80x128xf32, #tpu.memory_space<vmem>>
      %dma_start3A_631 = tpu.memref_squeeze %dma_start3A_630 : memref<1x80x128xf32, #tpu.memory_space<vmem>> -> memref<80x128xf32, #tpu.memory_space<vmem>>
      tpu.enqueue_dma source(%dma_start3A_631 : memref<80x128xf32, #tpu.memory_space<vmem>>) target(%dma_start3A_627 : memref<80x128xf32, #tpu.memory_space<hbm>>) target_semaphore(%dma_start3A_625 : memref<!tpu.dma_semaphore, #tpu.memory_space<semaphore_mem>>)
      %dma_wait3A_632 = arith.constant 1 : i32
      %dma_wait3A_633 = arith.constant 1 : i32
      %dma_wait3A_634 = arith.constant 0 : i32
      %dma_wait3A_635 = arith.constant 0 : i32
      %dma_wait3A_636 = tpu.memref_slice %arg9[%dma_wait3A_632, %dma_wait3A_634, %dma_wait3A_635] : memref<3x80x128xf32, #tpu.memory_space<vmem>> -> memref<1x80x128xf32, #tpu.memory_space<vmem>>
      %dma_wait3A_637 = tpu.memref_squeeze %dma_wait3A_636 : memref<1x80x128xf32, #tpu.memory_space<vmem>> -> memref<80x128xf32, #tpu.memory_space<vmem>>
      %dma_wait3A_638 = arith.constant 0 : i32
      %dma_wait3A_639 = arith.constant 0 : i32
      %dma_wait3A_640 = tpu.memref_slice %arg5[%dma_wait3A_638, %dma_wait3A_639] : memref<320000x128xf32, #tpu.memory_space<hbm>> -> memref<80x128xf32, #tpu.memory_space<hbm>>
      %dma_wait3A_641 = tpu.memref_slice %arg13[%dma_wait3A_633] : memref<3x!tpu.dma_semaphore, #tpu.memory_space<semaphore_mem>> -> memref<1x!tpu.dma_semaphore, #tpu.memory_space<semaphore_mem>>
      %dma_wait3A_642 = tpu.memref_squeeze %dma_wait3A_641 : memref<1x!tpu.dma_semaphore, #tpu.memory_space<semaphore_mem>> -> memref<!tpu.dma_semaphore, #tpu.memory_space<semaphore_mem>>
      %dma_wait3A_643 = arith.constant 0 : i32
      %dma_wait3A_644 = arith.constant 0 : i32
      %dma_wait3A_645 = tpu.memref_slice %arg5[%dma_wait3A_643, %dma_wait3A_644] : memref<320000x128xf32, #tpu.memory_space<hbm>> -> memref<80x128xf32, #tpu.memory_space<hbm>>
      %dma_wait3A_646 = arith.constant 0 : i32
      %dma_wait3A_647 = arith.constant 0 : i32
      %dma_wait3A_648 = tpu.memref_slice %arg9[%dma_wait3A_632, %dma_wait3A_646, %dma_wait3A_647] : memref<3x80x128xf32, #tpu.memory_space<vmem>> -> memref<1x80x128xf32, #tpu.memory_space<vmem>>
      %dma_wait3A_649 = tpu.memref_squeeze %dma_wait3A_648 : memref<1x80x128xf32, #tpu.memory_space<vmem>> -> memref<80x128xf32, #tpu.memory_space<vmem>>
      tpu.wait_dma2 semaphore(%dma_wait3A_642 : memref<!tpu.dma_semaphore, #tpu.memory_space<semaphore_mem>>) src(%dma_wait3A_649 : memref<80x128xf32, #tpu.memory_space<vmem>>) dst(%dma_wait3A_645 : memref<80x128xf32, #tpu.memory_space<hbm>>)
      %dma_wait3A_650 = arith.constant 1 : i32
      %dma_wait3A_651 = arith.constant 1 : i32
      %dma_wait3A_652 = arith.constant 0 : i32
      %dma_wait3A_653 = arith.constant 0 : i32
      %dma_wait3A_654 = tpu.memref_slice %arg10[%dma_wait3A_650, %dma_wait3A_652, %dma_wait3A_653] : memref<3x80x128xf32, #tpu.memory_space<vmem>> -> memref<1x80x128xf32, #tpu.memory_space<vmem>>
      %dma_wait3A_655 = tpu.memref_squeeze %dma_wait3A_654 : memref<1x80x128xf32, #tpu.memory_space<vmem>> -> memref<80x128xf32, #tpu.memory_space<vmem>>
      %dma_wait3A_656 = arith.constant 0 : i32
      %dma_wait3A_657 = arith.constant 0 : i32
      %dma_wait3A_658 = tpu.memref_slice %arg6[%dma_wait3A_656, %dma_wait3A_657] : memref<320000x128xf32, #tpu.memory_space<hbm>> -> memref<80x128xf32, #tpu.memory_space<hbm>>
      %dma_wait3A_659 = tpu.memref_slice %arg14[%dma_wait3A_651] : memref<3x!tpu.dma_semaphore, #tpu.memory_space<semaphore_mem>> -> memref<1x!tpu.dma_semaphore, #tpu.memory_space<semaphore_mem>>
      %dma_wait3A_660 = tpu.memref_squeeze %dma_wait3A_659 : memref<1x!tpu.dma_semaphore, #tpu.memory_space<semaphore_mem>> -> memref<!tpu.dma_semaphore, #tpu.memory_space<semaphore_mem>>
      %dma_wait3A_661 = arith.constant 0 : i32
      %dma_wait3A_662 = arith.constant 0 : i32
      %dma_wait3A_663 = tpu.memref_slice %arg6[%dma_wait3A_661, %dma_wait3A_662] : memref<320000x128xf32, #tpu.memory_space<hbm>> -> memref<80x128xf32, #tpu.memory_space<hbm>>
      %dma_wait3A_664 = arith.constant 0 : i32
      %dma_wait3A_665 = arith.constant 0 : i32
      %dma_wait3A_666 = tpu.memref_slice %arg10[%dma_wait3A_650, %dma_wait3A_664, %dma_wait3A_665] : memref<3x80x128xf32, #tpu.memory_space<vmem>> -> memref<1x80x128xf32, #tpu.memory_space<vmem>>
      %dma_wait3A_667 = tpu.memref_squeeze %dma_wait3A_666 : memref<1x80x128xf32, #tpu.memory_space<vmem>> -> memref<80x128xf32, #tpu.memory_space<vmem>>
      tpu.wait_dma2 semaphore(%dma_wait3A_660 : memref<!tpu.dma_semaphore, #tpu.memory_space<semaphore_mem>>) src(%dma_wait3A_667 : memref<80x128xf32, #tpu.memory_space<vmem>>) dst(%dma_wait3A_663 : memref<80x128xf32, #tpu.memory_space<hbm>>)
      %add3A_668 = arith.constant 2 : i32
      %add3A_669 = arith.addi %add3A_566, %add3A_668 : i32
      %mul3A_670 = arith.constant 80 : i32
      %mul3A_671 = arith.muli %add3A_669, %mul3A_670 : i32
      %add3A_672 = arith.addi %mul3A_2, %mul3A_671 : i32
      %run_scoped3A_673 = arith.constant 1 : i32
      "tpu.region"() ({
        %run_scoped3A_705 = tpu.sem_alloc : memref<!tpu.dma_semaphore, #tpu.memory_space<semaphore_mem>>
        %dma_start3A_706 = arith.constant 0 : i32
        %dma_start3A_707 = tpu.memref_slice %arg7[%run_scoped3A_673, %dma_start3A_706] : memref<3x80xi32, #tpu.memory_space<vmem>> -> memref<1x80xi32, #tpu.memory_space<vmem>>
        %dma_start3A_708 = tpu.memref_squeeze %dma_start3A_707 : memref<1x80xi32, #tpu.memory_space<vmem>> -> memref<80xi32, #tpu.memory_space<vmem>>
        %dma_start3A_709 = tpu.memref_slice %arg3[%add3A_672] : memref<320000xi32, #tpu.memory_space<hbm>> -> memref<80xi32, #tpu.memory_space<hbm>>
        %dma_start3A_710 = arith.constant 0 : i32
        %dma_start3A_711 = tpu.memref_slice %arg7[%run_scoped3A_673, %dma_start3A_710] : memref<3x80xi32, #tpu.memory_space<vmem>> -> memref<1x80xi32, #tpu.memory_space<vmem>>
        %dma_start3A_712 = tpu.memref_squeeze %dma_start3A_711 : memref<1x80xi32, #tpu.memory_space<vmem>> -> memref<80xi32, #tpu.memory_space<vmem>>
        %dma_start3A_713 = tpu.memref_slice %arg3[%add3A_672] : memref<320000xi32, #tpu.memory_space<hbm>> -> memref<80xi32, #tpu.memory_space<hbm>>
        tpu.enqueue_dma source(%dma_start3A_713 : memref<80xi32, #tpu.memory_space<hbm>>) target(%dma_start3A_712 : memref<80xi32, #tpu.memory_space<vmem>>) target_semaphore(%run_scoped3A_705 : memref<!tpu.dma_semaphore, #tpu.memory_space<semaphore_mem>>)
        %dma_wait3A_714 = arith.constant 0 : i32
        %dma_wait3A_715 = tpu.memref_slice %arg7[%run_scoped3A_673, %dma_wait3A_714] : memref<3x80xi32, #tpu.memory_space<vmem>> -> memref<1x80xi32, #tpu.memory_space<vmem>>
        %dma_wait3A_716 = tpu.memref_squeeze %dma_wait3A_715 : memref<1x80xi32, #tpu.memory_space<vmem>> -> memref<80xi32, #tpu.memory_space<vmem>>
        %dma_wait3A_717 = tpu.memref_slice %arg3[%add3A_672] : memref<320000xi32, #tpu.memory_space<hbm>> -> memref<80xi32, #tpu.memory_space<hbm>>
        %dma_wait3A_718 = arith.constant 0 : i32
        %dma_wait3A_719 = tpu.memref_slice %arg7[%run_scoped3A_673, %dma_wait3A_718] : memref<3x80xi32, #tpu.memory_space<vmem>> -> memref<1x80xi32, #tpu.memory_space<vmem>>
        %dma_wait3A_720 = tpu.memref_squeeze %dma_wait3A_719 : memref<1x80xi32, #tpu.memory_space<vmem>> -> memref<80xi32, #tpu.memory_space<vmem>>
        %dma_wait3A_721 = tpu.memref_slice %arg3[%add3A_672] : memref<320000xi32, #tpu.memory_space<hbm>> -> memref<80xi32, #tpu.memory_space<hbm>>
        tpu.wait_dma2 semaphore(%run_scoped3A_705 : memref<!tpu.dma_semaphore, #tpu.memory_space<semaphore_mem>>) src(%dma_wait3A_721 : memref<80xi32, #tpu.memory_space<hbm>>) dst(%dma_wait3A_720 : memref<80xi32, #tpu.memory_space<vmem>>)
        tpu.yield
      }) : () -> ()
      %run_scoped3A_674 = arith.constant 1 : i32
      "tpu.region"() ({
        %run_scoped3A_705 = tpu.sem_alloc : memref<!tpu.dma_semaphore, #tpu.memory_space<semaphore_mem>>
        %dma_start3A_706 = arith.constant 0 : i32
        %dma_start3A_707 = tpu.memref_slice %arg8[%run_scoped3A_674, %dma_start3A_706] : memref<3x80xi32, #tpu.memory_space<vmem>> -> memref<1x80xi32, #tpu.memory_space<vmem>>
        %dma_start3A_708 = tpu.memref_squeeze %dma_start3A_707 : memref<1x80xi32, #tpu.memory_space<vmem>> -> memref<80xi32, #tpu.memory_space<vmem>>
        %dma_start3A_709 = tpu.memref_slice %arg4[%add3A_672] : memref<320000xi32, #tpu.memory_space<hbm>> -> memref<80xi32, #tpu.memory_space<hbm>>
        %dma_start3A_710 = arith.constant 0 : i32
        %dma_start3A_711 = tpu.memref_slice %arg8[%run_scoped3A_674, %dma_start3A_710] : memref<3x80xi32, #tpu.memory_space<vmem>> -> memref<1x80xi32, #tpu.memory_space<vmem>>
        %dma_start3A_712 = tpu.memref_squeeze %dma_start3A_711 : memref<1x80xi32, #tpu.memory_space<vmem>> -> memref<80xi32, #tpu.memory_space<vmem>>
        %dma_start3A_713 = tpu.memref_slice %arg4[%add3A_672] : memref<320000xi32, #tpu.memory_space<hbm>> -> memref<80xi32, #tpu.memory_space<hbm>>
        tpu.enqueue_dma source(%dma_start3A_713 : memref<80xi32, #tpu.memory_space<hbm>>) target(%dma_start3A_712 : memref<80xi32, #tpu.memory_space<vmem>>) target_semaphore(%run_scoped3A_705 : memref<!tpu.dma_semaphore, #tpu.memory_space<semaphore_mem>>)
        %dma_wait3A_714 = arith.constant 0 : i32
        %dma_wait3A_715 = tpu.memref_slice %arg8[%run_scoped3A_674, %dma_wait3A_714] : memref<3x80xi32, #tpu.memory_space<vmem>> -> memref<1x80xi32, #tpu.memory_space<vmem>>
        %dma_wait3A_716 = tpu.memref_squeeze %dma_wait3A_715 : memref<1x80xi32, #tpu.memory_space<vmem>> -> memref<80xi32, #tpu.memory_space<vmem>>
        %dma_wait3A_717 = tpu.memref_slice %arg4[%add3A_672] : memref<320000xi32, #tpu.memory_space<hbm>> -> memref<80xi32, #tpu.memory_space<hbm>>
        %dma_wait3A_718 = arith.constant 0 : i32
        %dma_wait3A_719 = tpu.memref_slice %arg8[%run_scoped3A_674, %dma_wait3A_718] : memref<3x80xi32, #tpu.memory_space<vmem>> -> memref<1x80xi32, #tpu.memory_space<vmem>>
        %dma_wait3A_720 = tpu.memref_squeeze %dma_wait3A_719 : memref<1x80xi32, #tpu.memory_space<vmem>> -> memref<80xi32, #tpu.memory_space<vmem>>
        %dma_wait3A_721 = tpu.memref_slice %arg4[%add3A_672] : memref<320000xi32, #tpu.memory_space<hbm>> -> memref<80xi32, #tpu.memory_space<hbm>>
        tpu.wait_dma2 semaphore(%run_scoped3A_705 : memref<!tpu.dma_semaphore, #tpu.memory_space<semaphore_mem>>) src(%dma_wait3A_721 : memref<80xi32, #tpu.memory_space<hbm>>) dst(%dma_wait3A_720 : memref<80xi32, #tpu.memory_space<vmem>>)
        tpu.yield
      }) : () -> ()
      %dma_start3A_675 = arith.constant 1 : i32
      %dma_start3A_676 = arith.constant 1 : i32
      %dma_start3A_677 = arith.constant 1 : i32
      %dma_start3A_678 = arith.constant 0 : i32
      %dma_start3A_679 = arith.constant 0 : i32
      %dma_start3A_680 = tpu.memref_slice %arg9[%dma_start3A_676, %dma_start3A_678, %dma_start3A_679] : memref<3x80x128xf32, #tpu.memory_space<vmem>> -> memref<1x80x128xf32, #tpu.memory_space<vmem>>
      %dma_start3A_681 = tpu.memref_squeeze %dma_start3A_680 : memref<1x80x128xf32, #tpu.memory_space<vmem>> -> memref<80x128xf32, #tpu.memory_space<vmem>>
      %dma_start3A_682 = arith.constant 0 : i32
      %dma_start3A_683 = tpu.memref_slice %arg7[%dma_start3A_675, %dma_start3A_682] : memref<3x80xi32, #tpu.memory_space<vmem>> -> memref<1x80xi32, #tpu.memory_space<vmem>>
      %dma_start3A_684 = tpu.memref_squeeze %dma_start3A_683 : memref<1x80xi32, #tpu.memory_space<vmem>> -> memref<80xi32, #tpu.memory_space<vmem>>
      %dma_start3A_685 = arith.constant 0 : i32
      %dma_start3A_686 = arith.constant 0 : i32
      %dma_start3A_687 = tpu.memref_slice %arg2[%dma_start3A_685, %dma_start3A_686] : memref<10000x128xf32, #tpu.memory_space<hbm>> -> memref<10000x128xf32, #tpu.memory_space<hbm>>
      %dma_start3A_688 = tpu.memref_slice %arg11[%dma_start3A_677] : memref<3x!tpu.dma_semaphore, #tpu.memory_space<semaphore_mem>> -> memref<1x!tpu.dma_semaphore, #tpu.memory_space<semaphore_mem>>
      %dma_start3A_689 = tpu.memref_squeeze %dma_start3A_688 : memref<1x!tpu.dma_semaphore, #tpu.memory_space<semaphore_mem>> -> memref<!tpu.dma_semaphore, #tpu.memory_space<semaphore_mem>>
      tpu.enqueue_indirect_dma source(%dma_start3A_687 : memref<10000x128xf32, #tpu.memory_space<hbm>>) target(%dma_start3A_681 : memref<80x128xf32, #tpu.memory_space<vmem>>) offsets(%dma_start3A_684 : memref<80xi32, #tpu.memory_space<vmem>>) semaphore(%dma_start3A_689 : memref<!tpu.dma_semaphore, #tpu.memory_space<semaphore_mem>>)
      %dma_start3A_690 = arith.constant 1 : i32
      %dma_start3A_691 = arith.constant 1 : i32
      %dma_start3A_692 = arith.constant 1 : i32
      %dma_start3A_693 = arith.constant 0 : i32
      %dma_start3A_694 = arith.constant 0 : i32
      %dma_start3A_695 = tpu.memref_slice %arg10[%dma_start3A_691, %dma_start3A_693, %dma_start3A_694] : memref<3x80x128xf32, #tpu.memory_space<vmem>> -> memref<1x80x128xf32, #tpu.memory_space<vmem>>
      %dma_start3A_696 = tpu.memref_squeeze %dma_start3A_695 : memref<1x80x128xf32, #tpu.memory_space<vmem>> -> memref<80x128xf32, #tpu.memory_space<vmem>>
      %dma_start3A_697 = arith.constant 0 : i32
      %dma_start3A_698 = tpu.memref_slice %arg8[%dma_start3A_690, %dma_start3A_697] : memref<3x80xi32, #tpu.memory_space<vmem>> -> memref<1x80xi32, #tpu.memory_space<vmem>>
      %dma_start3A_699 = tpu.memref_squeeze %dma_start3A_698 : memref<1x80xi32, #tpu.memory_space<vmem>> -> memref<80xi32, #tpu.memory_space<vmem>>
      %dma_start3A_700 = arith.constant 0 : i32
      %dma_start3A_701 = arith.constant 0 : i32
      %dma_start3A_702 = tpu.memref_slice %arg2[%dma_start3A_700, %dma_start3A_701] : memref<10000x128xf32, #tpu.memory_space<hbm>> -> memref<10000x128xf32, #tpu.memory_space<hbm>>
      %dma_start3A_703 = tpu.memref_slice %arg12[%dma_start3A_692] : memref<3x!tpu.dma_semaphore, #tpu.memory_space<semaphore_mem>> -> memref<1x!tpu.dma_semaphore, #tpu.memory_space<semaphore_mem>>
      %dma_start3A_704 = tpu.memref_squeeze %dma_start3A_703 : memref<1x!tpu.dma_semaphore, #tpu.memory_space<semaphore_mem>> -> memref<!tpu.dma_semaphore, #tpu.memory_space<semaphore_mem>>
      tpu.enqueue_indirect_dma source(%dma_start3A_702 : memref<10000x128xf32, #tpu.memory_space<hbm>>) target(%dma_start3A_696 : memref<80x128xf32, #tpu.memory_space<vmem>>) offsets(%dma_start3A_699 : memref<80xi32, #tpu.memory_space<vmem>>) semaphore(%dma_start3A_704 : memref<!tpu.dma_semaphore, #tpu.memory_space<semaphore_mem>>)
    }
    %scan3A_72 = arith.constant 41 : i32
    %dma_wait3A = arith.constant 0 : i32
    %dma_wait3A_73 = arith.constant 0 : i32
    %dma_wait3A_74 = arith.constant 0 : i32
    %dma_wait3A_75 = arith.constant 0 : i32
    %dma_wait3A_76 = arith.constant 0 : i32
    %dma_wait3A_77 = tpu.memref_slice %arg9[%dma_wait3A_73, %dma_wait3A_75, %dma_wait3A_76] : memref<3x80x128xf32, #tpu.memory_space<vmem>> -> memref<1x80x128xf32, #tpu.memory_space<vmem>>
    %dma_wait3A_78 = tpu.memref_squeeze %dma_wait3A_77 : memref<1x80x128xf32, #tpu.memory_space<vmem>> -> memref<80x128xf32, #tpu.memory_space<vmem>>
    %dma_wait3A_79 = arith.constant 0 : i32
    %dma_wait3A_80 = tpu.memref_slice %arg7[%dma_wait3A, %dma_wait3A_79] : memref<3x80xi32, #tpu.memory_space<vmem>> -> memref<1x80xi32, #tpu.memory_space<vmem>>
    %dma_wait3A_81 = tpu.memref_squeeze %dma_wait3A_80 : memref<1x80xi32, #tpu.memory_space<vmem>> -> memref<80xi32, #tpu.memory_space<vmem>>
    %dma_wait3A_82 = arith.constant 0 : i32
    %dma_wait3A_83 = arith.constant 0 : i32
    %dma_wait3A_84 = tpu.memref_slice %arg2[%dma_wait3A_82, %dma_wait3A_83] : memref<10000x128xf32, #tpu.memory_space<hbm>> -> memref<10000x128xf32, #tpu.memory_space<hbm>>
    %dma_wait3A_85 = tpu.memref_slice %arg11[%dma_wait3A_74] : memref<3x!tpu.dma_semaphore, #tpu.memory_space<semaphore_mem>> -> memref<1x!tpu.dma_semaphore, #tpu.memory_space<semaphore_mem>>
    %dma_wait3A_86 = tpu.memref_squeeze %dma_wait3A_85 : memref<1x!tpu.dma_semaphore, #tpu.memory_space<semaphore_mem>> -> memref<!tpu.dma_semaphore, #tpu.memory_space<semaphore_mem>>
    tpu.wait_indirect_dma semaphore(%dma_wait3A_86 : memref<!tpu.dma_semaphore, #tpu.memory_space<semaphore_mem>>) src(%dma_wait3A_84 : memref<10000x128xf32, #tpu.memory_space<hbm>>) dst(%dma_wait3A_78 : memref<80x128xf32, #tpu.memory_space<vmem>>)
    %dma_wait3A_87 = arith.constant 0 : i32
    %dma_wait3A_88 = arith.constant 0 : i32
    %dma_wait3A_89 = arith.constant 0 : i32
    %dma_wait3A_90 = arith.constant 0 : i32
    %dma_wait3A_91 = arith.constant 0 : i32
    %dma_wait3A_92 = tpu.memref_slice %arg10[%dma_wait3A_88, %dma_wait3A_90, %dma_wait3A_91] : memref<3x80x128xf32, #tpu.memory_space<vmem>> -> memref<1x80x128xf32, #tpu.memory_space<vmem>>
    %dma_wait3A_93 = tpu.memref_squeeze %dma_wait3A_92 : memref<1x80x128xf32, #tpu.memory_space<vmem>> -> memref<80x128xf32, #tpu.memory_space<vmem>>
    %dma_wait3A_94 = arith.constant 0 : i32
    %dma_wait3A_95 = tpu.memref_slice %arg8[%dma_wait3A_87, %dma_wait3A_94] : memref<3x80xi32, #tpu.memory_space<vmem>> -> memref<1x80xi32, #tpu.memory_space<vmem>>
    %dma_wait3A_96 = tpu.memref_squeeze %dma_wait3A_95 : memref<1x80xi32, #tpu.memory_space<vmem>> -> memref<80xi32, #tpu.memory_space<vmem>>
    %dma_wait3A_97 = arith.constant 0 : i32
    %dma_wait3A_98 = arith.constant 0 : i32
    %dma_wait3A_99 = tpu.memref_slice %arg2[%dma_wait3A_97, %dma_wait3A_98] : memref<10000x128xf32, #tpu.memory_space<hbm>> -> memref<10000x128xf32, #tpu.memory_space<hbm>>
    %dma_wait3A_100 = tpu.memref_slice %arg12[%dma_wait3A_89] : memref<3x!tpu.dma_semaphore, #tpu.memory_space<semaphore_mem>> -> memref<1x!tpu.dma_semaphore, #tpu.memory_space<semaphore_mem>>
    %dma_wait3A_101 = tpu.memref_squeeze %dma_wait3A_100 : memref<1x!tpu.dma_semaphore, #tpu.memory_space<semaphore_mem>> -> memref<!tpu.dma_semaphore, #tpu.memory_space<semaphore_mem>>
    tpu.wait_indirect_dma semaphore(%dma_wait3A_101 : memref<!tpu.dma_semaphore, #tpu.memory_space<semaphore_mem>>) src(%dma_wait3A_99 : memref<10000x128xf32, #tpu.memory_space<hbm>>) dst(%dma_wait3A_93 : memref<80x128xf32, #tpu.memory_space<vmem>>)
    %add3A_102 = arith.constant 9840 : i32
    %add3A_103 = arith.addi %mul3A_2, %add3A_102 : i32
    %dma_start3A_104 = arith.constant 0 : i32
    %dma_start3A_105 = arith.constant 0 : i32
    %dma_start3A_106 = arith.constant 0 : i32
    %dma_start3A_107 = arith.constant 0 : i32
    %dma_start3A_108 = tpu.memref_slice %arg9[%dma_start3A_104, %dma_start3A_106, %dma_start3A_107] : memref<3x80x128xf32, #tpu.memory_space<vmem>> -> memref<1x80x128xf32, #tpu.memory_space<vmem>>
    %dma_start3A_109 = tpu.memref_squeeze %dma_start3A_108 : memref<1x80x128xf32, #tpu.memory_space<vmem>> -> memref<80x128xf32, #tpu.memory_space<vmem>>
    %dma_start3A_110 = arith.constant 0 : i32
    %dma_start3A_111 = tpu.memref_slice %arg5[%add3A_103, %dma_start3A_110] : memref<320000x128xf32, #tpu.memory_space<hbm>> -> memref<80x128xf32, #tpu.memory_space<hbm>>
    %dma_start3A_112 = tpu.memref_slice %arg13[%dma_start3A_105] : memref<3x!tpu.dma_semaphore, #tpu.memory_space<semaphore_mem>> -> memref<1x!tpu.dma_semaphore, #tpu.memory_space<semaphore_mem>>
    %dma_start3A_113 = tpu.memref_squeeze %dma_start3A_112 : memref<1x!tpu.dma_semaphore, #tpu.memory_space<semaphore_mem>> -> memref<!tpu.dma_semaphore, #tpu.memory_space<semaphore_mem>>
    %dma_start3A_114 = arith.constant 0 : i32
    %dma_start3A_115 = tpu.memref_slice %arg5[%add3A_103, %dma_start3A_114] : memref<320000x128xf32, #tpu.memory_space<hbm>> -> memref<80x128xf32, #tpu.memory_space<hbm>>
    %dma_start3A_116 = arith.constant 0 : i32
    %dma_start3A_117 = arith.constant 0 : i32
    %dma_start3A_118 = tpu.memref_slice %arg9[%dma_start3A_104, %dma_start3A_116, %dma_start3A_117] : memref<3x80x128xf32, #tpu.memory_space<vmem>> -> memref<1x80x128xf32, #tpu.memory_space<vmem>>
    %dma_start3A_119 = tpu.memref_squeeze %dma_start3A_118 : memref<1x80x128xf32, #tpu.memory_space<vmem>> -> memref<80x128xf32, #tpu.memory_space<vmem>>
    tpu.enqueue_dma source(%dma_start3A_119 : memref<80x128xf32, #tpu.memory_space<vmem>>) target(%dma_start3A_115 : memref<80x128xf32, #tpu.memory_space<hbm>>) target_semaphore(%dma_start3A_113 : memref<!tpu.dma_semaphore, #tpu.memory_space<semaphore_mem>>)
    %dma_start3A_120 = arith.constant 0 : i32
    %dma_start3A_121 = arith.constant 0 : i32
    %dma_start3A_122 = arith.constant 0 : i32
    %dma_start3A_123 = arith.constant 0 : i32
    %dma_start3A_124 = tpu.memref_slice %arg10[%dma_start3A_120, %dma_start3A_122, %dma_start3A_123] : memref<3x80x128xf32, #tpu.memory_space<vmem>> -> memref<1x80x128xf32, #tpu.memory_space<vmem>>
    %dma_start3A_125 = tpu.memref_squeeze %dma_start3A_124 : memref<1x80x128xf32, #tpu.memory_space<vmem>> -> memref<80x128xf32, #tpu.memory_space<vmem>>
    %dma_start3A_126 = arith.constant 0 : i32
    %dma_start3A_127 = tpu.memref_slice %arg6[%add3A_103, %dma_start3A_126] : memref<320000x128xf32, #tpu.memory_space<hbm>> -> memref<80x128xf32, #tpu.memory_space<hbm>>
    %dma_start3A_128 = tpu.memref_slice %arg14[%dma_start3A_121] : memref<3x!tpu.dma_semaphore, #tpu.memory_space<semaphore_mem>> -> memref<1x!tpu.dma_semaphore, #tpu.memory_space<semaphore_mem>>
    %dma_start3A_129 = tpu.memref_squeeze %dma_start3A_128 : memref<1x!tpu.dma_semaphore, #tpu.memory_space<semaphore_mem>> -> memref<!tpu.dma_semaphore, #tpu.memory_space<semaphore_mem>>
    %dma_start3A_130 = arith.constant 0 : i32
    %dma_start3A_131 = tpu.memref_slice %arg6[%add3A_103, %dma_start3A_130] : memref<320000x128xf32, #tpu.memory_space<hbm>> -> memref<80x128xf32, #tpu.memory_space<hbm>>
    %dma_start3A_132 = arith.constant 0 : i32
    %dma_start3A_133 = arith.constant 0 : i32
    %dma_start3A_134 = tpu.memref_slice %arg10[%dma_start3A_120, %dma_start3A_132, %dma_start3A_133] : memref<3x80x128xf32, #tpu.memory_space<vmem>> -> memref<1x80x128xf32, #tpu.memory_space<vmem>>
    %dma_start3A_135 = tpu.memref_squeeze %dma_start3A_134 : memref<1x80x128xf32, #tpu.memory_space<vmem>> -> memref<80x128xf32, #tpu.memory_space<vmem>>
    tpu.enqueue_dma source(%dma_start3A_135 : memref<80x128xf32, #tpu.memory_space<vmem>>) target(%dma_start3A_131 : memref<80x128xf32, #tpu.memory_space<hbm>>) target_semaphore(%dma_start3A_129 : memref<!tpu.dma_semaphore, #tpu.memory_space<semaphore_mem>>)
    %dma_wait3A_136 = arith.constant 1 : i32
    %dma_wait3A_137 = arith.constant 1 : i32
    %dma_wait3A_138 = arith.constant 1 : i32
    %dma_wait3A_139 = arith.constant 0 : i32
    %dma_wait3A_140 = arith.constant 0 : i32
    %dma_wait3A_141 = tpu.memref_slice %arg9[%dma_wait3A_137, %dma_wait3A_139, %dma_wait3A_140] : memref<3x80x128xf32, #tpu.memory_space<vmem>> -> memref<1x80x128xf32, #tpu.memory_space<vmem>>
    %dma_wait3A_142 = tpu.memref_squeeze %dma_wait3A_141 : memref<1x80x128xf32, #tpu.memory_space<vmem>> -> memref<80x128xf32, #tpu.memory_space<vmem>>
    %dma_wait3A_143 = arith.constant 0 : i32
    %dma_wait3A_144 = tpu.memref_slice %arg7[%dma_wait3A_136, %dma_wait3A_143] : memref<3x80xi32, #tpu.memory_space<vmem>> -> memref<1x80xi32, #tpu.memory_space<vmem>>
    %dma_wait3A_145 = tpu.memref_squeeze %dma_wait3A_144 : memref<1x80xi32, #tpu.memory_space<vmem>> -> memref<80xi32, #tpu.memory_space<vmem>>
    %dma_wait3A_146 = arith.constant 0 : i32
    %dma_wait3A_147 = arith.constant 0 : i32
    %dma_wait3A_148 = tpu.memref_slice %arg2[%dma_wait3A_146, %dma_wait3A_147] : memref<10000x128xf32, #tpu.memory_space<hbm>> -> memref<10000x128xf32, #tpu.memory_space<hbm>>
    %dma_wait3A_149 = tpu.memref_slice %arg11[%dma_wait3A_138] : memref<3x!tpu.dma_semaphore, #tpu.memory_space<semaphore_mem>> -> memref<1x!tpu.dma_semaphore, #tpu.memory_space<semaphore_mem>>
    %dma_wait3A_150 = tpu.memref_squeeze %dma_wait3A_149 : memref<1x!tpu.dma_semaphore, #tpu.memory_space<semaphore_mem>> -> memref<!tpu.dma_semaphore, #tpu.memory_space<semaphore_mem>>
    tpu.wait_indirect_dma semaphore(%dma_wait3A_150 : memref<!tpu.dma_semaphore, #tpu.memory_space<semaphore_mem>>) src(%dma_wait3A_148 : memref<10000x128xf32, #tpu.memory_space<hbm>>) dst(%dma_wait3A_142 : memref<80x128xf32, #tpu.memory_space<vmem>>)
    %dma_wait3A_151 = arith.constant 1 : i32
    %dma_wait3A_152 = arith.constant 1 : i32
    %dma_wait3A_153 = arith.constant 1 : i32
    %dma_wait3A_154 = arith.constant 0 : i32
    %dma_wait3A_155 = arith.constant 0 : i32
    %dma_wait3A_156 = tpu.memref_slice %arg10[%dma_wait3A_152, %dma_wait3A_154, %dma_wait3A_155] : memref<3x80x128xf32, #tpu.memory_space<vmem>> -> memref<1x80x128xf32, #tpu.memory_space<vmem>>
    %dma_wait3A_157 = tpu.memref_squeeze %dma_wait3A_156 : memref<1x80x128xf32, #tpu.memory_space<vmem>> -> memref<80x128xf32, #tpu.memory_space<vmem>>
    %dma_wait3A_158 = arith.constant 0 : i32
    %dma_wait3A_159 = tpu.memref_slice %arg8[%dma_wait3A_151, %dma_wait3A_158] : memref<3x80xi32, #tpu.memory_space<vmem>> -> memref<1x80xi32, #tpu.memory_space<vmem>>
    %dma_wait3A_160 = tpu.memref_squeeze %dma_wait3A_159 : memref<1x80xi32, #tpu.memory_space<vmem>> -> memref<80xi32, #tpu.memory_space<vmem>>
    %dma_wait3A_161 = arith.constant 0 : i32
    %dma_wait3A_162 = arith.constant 0 : i32
    %dma_wait3A_163 = tpu.memref_slice %arg2[%dma_wait3A_161, %dma_wait3A_162] : memref<10000x128xf32, #tpu.memory_space<hbm>> -> memref<10000x128xf32, #tpu.memory_space<hbm>>
    %dma_wait3A_164 = tpu.memref_slice %arg12[%dma_wait3A_153] : memref<3x!tpu.dma_semaphore, #tpu.memory_space<semaphore_mem>> -> memref<1x!tpu.dma_semaphore, #tpu.memory_space<semaphore_mem>>
    %dma_wait3A_165 = tpu.memref_squeeze %dma_wait3A_164 : memref<1x!tpu.dma_semaphore, #tpu.memory_space<semaphore_mem>> -> memref<!tpu.dma_semaphore, #tpu.memory_space<semaphore_mem>>
    tpu.wait_indirect_dma semaphore(%dma_wait3A_165 : memref<!tpu.dma_semaphore, #tpu.memory_space<semaphore_mem>>) src(%dma_wait3A_163 : memref<10000x128xf32, #tpu.memory_space<hbm>>) dst(%dma_wait3A_157 : memref<80x128xf32, #tpu.memory_space<vmem>>)
    %add3A_166 = arith.constant 9920 : i32
    %add3A_167 = arith.addi %mul3A_2, %add3A_166 : i32
    %dma_start3A_168 = arith.constant 1 : i32
    %dma_start3A_169 = arith.constant 1 : i32
    %dma_start3A_170 = arith.constant 0 : i32
    %dma_start3A_171 = arith.constant 0 : i32
    %dma_start3A_172 = tpu.memref_slice %arg9[%dma_start3A_168, %dma_start3A_170, %dma_start3A_171] : memref<3x80x128xf32, #tpu.memory_space<vmem>> -> memref<1x80x128xf32, #tpu.memory_space<vmem>>
    %dma_start3A_173 = tpu.memref_squeeze %dma_start3A_172 : memref<1x80x128xf32, #tpu.memory_space<vmem>> -> memref<80x128xf32, #tpu.memory_space<vmem>>
    %dma_start3A_174 = arith.constant 0 : i32
    %dma_start3A_175 = tpu.memref_slice %arg5[%add3A_167, %dma_start3A_174] : memref<320000x128xf32, #tpu.memory_space<hbm>> -> memref<80x128xf32, #tpu.memory_space<hbm>>
    %dma_start3A_176 = tpu.memref_slice %arg13[%dma_start3A_169] : memref<3x!tpu.dma_semaphore, #tpu.memory_space<semaphore_mem>> -> memref<1x!tpu.dma_semaphore, #tpu.memory_space<semaphore_mem>>
    %dma_start3A_177 = tpu.memref_squeeze %dma_start3A_176 : memref<1x!tpu.dma_semaphore, #tpu.memory_space<semaphore_mem>> -> memref<!tpu.dma_semaphore, #tpu.memory_space<semaphore_mem>>
    %dma_start3A_178 = arith.constant 0 : i32
    %dma_start3A_179 = tpu.memref_slice %arg5[%add3A_167, %dma_start3A_178] : memref<320000x128xf32, #tpu.memory_space<hbm>> -> memref<80x128xf32, #tpu.memory_space<hbm>>
    %dma_start3A_180 = arith.constant 0 : i32
    %dma_start3A_181 = arith.constant 0 : i32
    %dma_start3A_182 = tpu.memref_slice %arg9[%dma_start3A_168, %dma_start3A_180, %dma_start3A_181] : memref<3x80x128xf32, #tpu.memory_space<vmem>> -> memref<1x80x128xf32, #tpu.memory_space<vmem>>
    %dma_start3A_183 = tpu.memref_squeeze %dma_start3A_182 : memref<1x80x128xf32, #tpu.memory_space<vmem>> -> memref<80x128xf32, #tpu.memory_space<vmem>>
    tpu.enqueue_dma source(%dma_start3A_183 : memref<80x128xf32, #tpu.memory_space<vmem>>) target(%dma_start3A_179 : memref<80x128xf32, #tpu.memory_space<hbm>>) target_semaphore(%dma_start3A_177 : memref<!tpu.dma_semaphore, #tpu.memory_space<semaphore_mem>>)
    %dma_start3A_184 = arith.constant 1 : i32
    %dma_start3A_185 = arith.constant 1 : i32
    %dma_start3A_186 = arith.constant 0 : i32
    %dma_start3A_187 = arith.constant 0 : i32
    %dma_start3A_188 = tpu.memref_slice %arg10[%dma_start3A_184, %dma_start3A_186, %dma_start3A_187] : memref<3x80x128xf32, #tpu.memory_space<vmem>> -> memref<1x80x128xf32, #tpu.memory_space<vmem>>
    %dma_start3A_189 = tpu.memref_squeeze %dma_start3A_188 : memref<1x80x128xf32, #tpu.memory_space<vmem>> -> memref<80x128xf32, #tpu.memory_space<vmem>>
    %dma_start3A_190 = arith.constant 0 : i32
    %dma_start3A_191 = tpu.memref_slice %arg6[%add3A_167, %dma_start3A_190] : memref<320000x128xf32, #tpu.memory_space<hbm>> -> memref<80x128xf32, #tpu.memory_space<hbm>>
    %dma_start3A_192 = tpu.memref_slice %arg14[%dma_start3A_185] : memref<3x!tpu.dma_semaphore, #tpu.memory_space<semaphore_mem>> -> memref<1x!tpu.dma_semaphore, #tpu.memory_space<semaphore_mem>>
    %dma_start3A_193 = tpu.memref_squeeze %dma_start3A_192 : memref<1x!tpu.dma_semaphore, #tpu.memory_space<semaphore_mem>> -> memref<!tpu.dma_semaphore, #tpu.memory_space<semaphore_mem>>
    %dma_start3A_194 = arith.constant 0 : i32
    %dma_start3A_195 = tpu.memref_slice %arg6[%add3A_167, %dma_start3A_194] : memref<320000x128xf32, #tpu.memory_space<hbm>> -> memref<80x128xf32, #tpu.memory_space<hbm>>
    %dma_start3A_196 = arith.constant 0 : i32
    %dma_start3A_197 = arith.constant 0 : i32
    %dma_start3A_198 = tpu.memref_slice %arg10[%dma_start3A_184, %dma_start3A_196, %dma_start3A_197] : memref<3x80x128xf32, #tpu.memory_space<vmem>> -> memref<1x80x128xf32, #tpu.memory_space<vmem>>
    %dma_start3A_199 = tpu.memref_squeeze %dma_start3A_198 : memref<1x80x128xf32, #tpu.memory_space<vmem>> -> memref<80x128xf32, #tpu.memory_space<vmem>>
    tpu.enqueue_dma source(%dma_start3A_199 : memref<80x128xf32, #tpu.memory_space<vmem>>) target(%dma_start3A_195 : memref<80x128xf32, #tpu.memory_space<hbm>>) target_semaphore(%dma_start3A_193 : memref<!tpu.dma_semaphore, #tpu.memory_space<semaphore_mem>>)
    %dma_wait3A_200 = arith.constant 2 : i32
    %dma_wait3A_201 = arith.constant 2 : i32
    %dma_wait3A_202 = arith.constant 0 : i32
    %dma_wait3A_203 = arith.constant 0 : i32
    %dma_wait3A_204 = tpu.memref_slice %arg9[%dma_wait3A_200, %dma_wait3A_202, %dma_wait3A_203] : memref<3x80x128xf32, #tpu.memory_space<vmem>> -> memref<1x80x128xf32, #tpu.memory_space<vmem>>
    %dma_wait3A_205 = tpu.memref_squeeze %dma_wait3A_204 : memref<1x80x128xf32, #tpu.memory_space<vmem>> -> memref<80x128xf32, #tpu.memory_space<vmem>>
    %dma_wait3A_206 = arith.constant 0 : i32
    %dma_wait3A_207 = arith.constant 0 : i32
    %dma_wait3A_208 = tpu.memref_slice %arg5[%dma_wait3A_206, %dma_wait3A_207] : memref<320000x128xf32, #tpu.memory_space<hbm>> -> memref<80x128xf32, #tpu.memory_space<hbm>>
    %dma_wait3A_209 = tpu.memref_slice %arg13[%dma_wait3A_201] : memref<3x!tpu.dma_semaphore, #tpu.memory_space<semaphore_mem>> -> memref<1x!tpu.dma_semaphore, #tpu.memory_space<semaphore_mem>>
    %dma_wait3A_210 = tpu.memref_squeeze %dma_wait3A_209 : memref<1x!tpu.dma_semaphore, #tpu.memory_space<semaphore_mem>> -> memref<!tpu.dma_semaphore, #tpu.memory_space<semaphore_mem>>
    %dma_wait3A_211 = arith.constant 0 : i32
    %dma_wait3A_212 = arith.constant 0 : i32
    %dma_wait3A_213 = tpu.memref_slice %arg5[%dma_wait3A_211, %dma_wait3A_212] : memref<320000x128xf32, #tpu.memory_space<hbm>> -> memref<80x128xf32, #tpu.memory_space<hbm>>
    %dma_wait3A_214 = arith.constant 0 : i32
    %dma_wait3A_215 = arith.constant 0 : i32
    %dma_wait3A_216 = tpu.memref_slice %arg9[%dma_wait3A_200, %dma_wait3A_214, %dma_wait3A_215] : memref<3x80x128xf32, #tpu.memory_space<vmem>> -> memref<1x80x128xf32, #tpu.memory_space<vmem>>
    %dma_wait3A_217 = tpu.memref_squeeze %dma_wait3A_216 : memref<1x80x128xf32, #tpu.memory_space<vmem>> -> memref<80x128xf32, #tpu.memory_space<vmem>>
    tpu.wait_dma2 semaphore(%dma_wait3A_210 : memref<!tpu.dma_semaphore, #tpu.memory_space<semaphore_mem>>) src(%dma_wait3A_217 : memref<80x128xf32, #tpu.memory_space<vmem>>) dst(%dma_wait3A_213 : memref<80x128xf32, #tpu.memory_space<hbm>>)
    %dma_wait3A_218 = arith.constant 2 : i32
    %dma_wait3A_219 = arith.constant 2 : i32
    %dma_wait3A_220 = arith.constant 0 : i32
    %dma_wait3A_221 = arith.constant 0 : i32
    %dma_wait3A_222 = tpu.memref_slice %arg10[%dma_wait3A_218, %dma_wait3A_220, %dma_wait3A_221] : memref<3x80x128xf32, #tpu.memory_space<vmem>> -> memref<1x80x128xf32, #tpu.memory_space<vmem>>
    %dma_wait3A_223 = tpu.memref_squeeze %dma_wait3A_222 : memref<1x80x128xf32, #tpu.memory_space<vmem>> -> memref<80x128xf32, #tpu.memory_space<vmem>>
    %dma_wait3A_224 = arith.constant 0 : i32
    %dma_wait3A_225 = arith.constant 0 : i32
    %dma_wait3A_226 = tpu.memref_slice %arg6[%dma_wait3A_224, %dma_wait3A_225] : memref<320000x128xf32, #tpu.memory_space<hbm>> -> memref<80x128xf32, #tpu.memory_space<hbm>>
    %dma_wait3A_227 = tpu.memref_slice %arg14[%dma_wait3A_219] : memref<3x!tpu.dma_semaphore, #tpu.memory_space<semaphore_mem>> -> memref<1x!tpu.dma_semaphore, #tpu.memory_space<semaphore_mem>>
    %dma_wait3A_228 = tpu.memref_squeeze %dma_wait3A_227 : memref<1x!tpu.dma_semaphore, #tpu.memory_space<semaphore_mem>> -> memref<!tpu.dma_semaphore, #tpu.memory_space<semaphore_mem>>
    %dma_wait3A_229 = arith.constant 0 : i32
    %dma_wait3A_230 = arith.constant 0 : i32
    %dma_wait3A_231 = tpu.memref_slice %arg6[%dma_wait3A_229, %dma_wait3A_230] : memref<320000x128xf32, #tpu.memory_space<hbm>> -> memref<80x128xf32, #tpu.memory_space<hbm>>
    %dma_wait3A_232 = arith.constant 0 : i32
    %dma_wait3A_233 = arith.constant 0 : i32
    %dma_wait3A_234 = tpu.memref_slice %arg10[%dma_wait3A_218, %dma_wait3A_232, %dma_wait3A_233] : memref<3x80x128xf32, #tpu.memory_space<vmem>> -> memref<1x80x128xf32, #tpu.memory_space<vmem>>
    %dma_wait3A_235 = tpu.memref_squeeze %dma_wait3A_234 : memref<1x80x128xf32, #tpu.memory_space<vmem>> -> memref<80x128xf32, #tpu.memory_space<vmem>>
    tpu.wait_dma2 semaphore(%dma_wait3A_228 : memref<!tpu.dma_semaphore, #tpu.memory_space<semaphore_mem>>) src(%dma_wait3A_235 : memref<80x128xf32, #tpu.memory_space<vmem>>) dst(%dma_wait3A_231 : memref<80x128xf32, #tpu.memory_space<hbm>>)
    %dma_wait3A_236 = arith.constant 0 : i32
    %dma_wait3A_237 = arith.constant 0 : i32
    %dma_wait3A_238 = arith.constant 0 : i32
    %dma_wait3A_239 = arith.constant 0 : i32
    %dma_wait3A_240 = tpu.memref_slice %arg9[%dma_wait3A_236, %dma_wait3A_238, %dma_wait3A_239] : memref<3x80x128xf32, #tpu.memory_space<vmem>> -> memref<1x80x128xf32, #tpu.memory_space<vmem>>
    %dma_wait3A_241 = tpu.memref_squeeze %dma_wait3A_240 : memref<1x80x128xf32, #tpu.memory_space<vmem>> -> memref<80x128xf32, #tpu.memory_space<vmem>>
    %dma_wait3A_242 = arith.constant 0 : i32
    %dma_wait3A_243 = arith.constant 0 : i32
    %dma_wait3A_244 = tpu.memref_slice %arg5[%dma_wait3A_242, %dma_wait3A_243] : memref<320000x128xf32, #tpu.memory_space<hbm>> -> memref<80x128xf32, #tpu.memory_space<hbm>>
    %dma_wait3A_245 = tpu.memref_slice %arg13[%dma_wait3A_237] : memref<3x!tpu.dma_semaphore, #tpu.memory_space<semaphore_mem>> -> memref<1x!tpu.dma_semaphore, #tpu.memory_space<semaphore_mem>>
    %dma_wait3A_246 = tpu.memref_squeeze %dma_wait3A_245 : memref<1x!tpu.dma_semaphore, #tpu.memory_space<semaphore_mem>> -> memref<!tpu.dma_semaphore, #tpu.memory_space<semaphore_mem>>
    %dma_wait3A_247 = arith.constant 0 : i32
    %dma_wait3A_248 = arith.constant 0 : i32
    %dma_wait3A_249 = tpu.memref_slice %arg5[%dma_wait3A_247, %dma_wait3A_248] : memref<320000x128xf32, #tpu.memory_space<hbm>> -> memref<80x128xf32, #tpu.memory_space<hbm>>
    %dma_wait3A_250 = arith.constant 0 : i32
    %dma_wait3A_251 = arith.constant 0 : i32
    %dma_wait3A_252 = tpu.memref_slice %arg9[%dma_wait3A_236, %dma_wait3A_250, %dma_wait3A_251] : memref<3x80x128xf32, #tpu.memory_space<vmem>> -> memref<1x80x128xf32, #tpu.memory_space<vmem>>
    %dma_wait3A_253 = tpu.memref_squeeze %dma_wait3A_252 : memref<1x80x128xf32, #tpu.memory_space<vmem>> -> memref<80x128xf32, #tpu.memory_space<vmem>>
    tpu.wait_dma2 semaphore(%dma_wait3A_246 : memref<!tpu.dma_semaphore, #tpu.memory_space<semaphore_mem>>) src(%dma_wait3A_253 : memref<80x128xf32, #tpu.memory_space<vmem>>) dst(%dma_wait3A_249 : memref<80x128xf32, #tpu.memory_space<hbm>>)
    %dma_wait3A_254 = arith.constant 0 : i32
    %dma_wait3A_255 = arith.constant 0 : i32
    %dma_wait3A_256 = arith.constant 0 : i32
    %dma_wait3A_257 = arith.constant 0 : i32
    %dma_wait3A_258 = tpu.memref_slice %arg10[%dma_wait3A_254, %dma_wait3A_256, %dma_wait3A_257] : memref<3x80x128xf32, #tpu.memory_space<vmem>> -> memref<1x80x128xf32, #tpu.memory_space<vmem>>
    %dma_wait3A_259 = tpu.memref_squeeze %dma_wait3A_258 : memref<1x80x128xf32, #tpu.memory_space<vmem>> -> memref<80x128xf32, #tpu.memory_space<vmem>>
    %dma_wait3A_260 = arith.constant 0 : i32
    %dma_wait3A_261 = arith.constant 0 : i32
    %dma_wait3A_262 = tpu.memref_slice %arg6[%dma_wait3A_260, %dma_wait3A_261] : memref<320000x128xf32, #tpu.memory_space<hbm>> -> memref<80x128xf32, #tpu.memory_space<hbm>>
    %dma_wait3A_263 = tpu.memref_slice %arg14[%dma_wait3A_255] : memref<3x!tpu.dma_semaphore, #tpu.memory_space<semaphore_mem>> -> memref<1x!tpu.dma_semaphore, #tpu.memory_space<semaphore_mem>>
    %dma_wait3A_264 = tpu.memref_squeeze %dma_wait3A_263 : memref<1x!tpu.dma_semaphore, #tpu.memory_space<semaphore_mem>> -> memref<!tpu.dma_semaphore, #tpu.memory_space<semaphore_mem>>
    %dma_wait3A_265 = arith.constant 0 : i32
    %dma_wait3A_266 = arith.constant 0 : i32
    %dma_wait3A_267 = tpu.memref_slice %arg6[%dma_wait3A_265, %dma_wait3A_266] : memref<320000x128xf32, #tpu.memory_space<hbm>> -> memref<80x128xf32, #tpu.memory_space<hbm>>
    %dma_wait3A_268 = arith.constant 0 : i32
    %dma_wait3A_269 = arith.constant 0 : i32
    %dma_wait3A_270 = tpu.memref_slice %arg10[%dma_wait3A_254, %dma_wait3A_268, %dma_wait3A_269] : memref<3x80x128xf32, #tpu.memory_space<vmem>> -> memref<1x80x128xf32, #tpu.memory_space<vmem>>
    %dma_wait3A_271 = tpu.memref_squeeze %dma_wait3A_270 : memref<1x80x128xf32, #tpu.memory_space<vmem>> -> memref<80x128xf32, #tpu.memory_space<vmem>>
    tpu.wait_dma2 semaphore(%dma_wait3A_264 : memref<!tpu.dma_semaphore, #tpu.memory_space<semaphore_mem>>) src(%dma_wait3A_271 : memref<80x128xf32, #tpu.memory_space<vmem>>) dst(%dma_wait3A_267 : memref<80x128xf32, #tpu.memory_space<hbm>>)
    %dma_wait3A_272 = arith.constant 1 : i32
    %dma_wait3A_273 = arith.constant 1 : i32
    %dma_wait3A_274 = arith.constant 0 : i32
    %dma_wait3A_275 = arith.constant 0 : i32
    %dma_wait3A_276 = tpu.memref_slice %arg9[%dma_wait3A_272, %dma_wait3A_274, %dma_wait3A_275] : memref<3x80x128xf32, #tpu.memory_space<vmem>> -> memref<1x80x128xf32, #tpu.memory_space<vmem>>
    %dma_wait3A_277 = tpu.memref_squeeze %dma_wait3A_276 : memref<1x80x128xf32, #tpu.memory_space<vmem>> -> memref<80x128xf32, #tpu.memory_space<vmem>>
    %dma_wait3A_278 = arith.constant 0 : i32
    %dma_wait3A_279 = arith.constant 0 : i32
    %dma_wait3A_280 = tpu.memref_slice %arg5[%dma_wait3A_278, %dma_wait3A_279] : memref<320000x128xf32, #tpu.memory_space<hbm>> -> memref<80x128xf32, #tpu.memory_space<hbm>>
    %dma_wait3A_281 = tpu.memref_slice %arg13[%dma_wait3A_273] : memref<3x!tpu.dma_semaphore, #tpu.memory_space<semaphore_mem>> -> memref<1x!tpu.dma_semaphore, #tpu.memory_space<semaphore_mem>>
    %dma_wait3A_282 = tpu.memref_squeeze %dma_wait3A_281 : memref<1x!tpu.dma_semaphore, #tpu.memory_space<semaphore_mem>> -> memref<!tpu.dma_semaphore, #tpu.memory_space<semaphore_mem>>
    %dma_wait3A_283 = arith.constant 0 : i32
    %dma_wait3A_284 = arith.constant 0 : i32
    %dma_wait3A_285 = tpu.memref_slice %arg5[%dma_wait3A_283, %dma_wait3A_284] : memref<320000x128xf32, #tpu.memory_space<hbm>> -> memref<80x128xf32, #tpu.memory_space<hbm>>
    %dma_wait3A_286 = arith.constant 0 : i32
    %dma_wait3A_287 = arith.constant 0 : i32
    %dma_wait3A_288 = tpu.memref_slice %arg9[%dma_wait3A_272, %dma_wait3A_286, %dma_wait3A_287] : memref<3x80x128xf32, #tpu.memory_space<vmem>> -> memref<1x80x128xf32, #tpu.memory_space<vmem>>
    %dma_wait3A_289 = tpu.memref_squeeze %dma_wait3A_288 : memref<1x80x128xf32, #tpu.memory_space<vmem>> -> memref<80x128xf32, #tpu.memory_space<vmem>>
    tpu.wait_dma2 semaphore(%dma_wait3A_282 : memref<!tpu.dma_semaphore, #tpu.memory_space<semaphore_mem>>) src(%dma_wait3A_289 : memref<80x128xf32, #tpu.memory_space<vmem>>) dst(%dma_wait3A_285 : memref<80x128xf32, #tpu.memory_space<hbm>>)
    %dma_wait3A_290 = arith.constant 1 : i32
    %dma_wait3A_291 = arith.constant 1 : i32
    %dma_wait3A_292 = arith.constant 0 : i32
    %dma_wait3A_293 = arith.constant 0 : i32
    %dma_wait3A_294 = tpu.memref_slice %arg10[%dma_wait3A_290, %dma_wait3A_292, %dma_wait3A_293] : memref<3x80x128xf32, #tpu.memory_space<vmem>> -> memref<1x80x128xf32, #tpu.memory_space<vmem>>
    %dma_wait3A_295 = tpu.memref_squeeze %dma_wait3A_294 : memref<1x80x128xf32, #tpu.memory_space<vmem>> -> memref<80x128xf32, #tpu.memory_space<vmem>>
    %dma_wait3A_296 = arith.constant 0 : i32
    %dma_wait3A_297 = arith.constant 0 : i32
    %dma_wait3A_298 = tpu.memref_slice %arg6[%dma_wait3A_296, %dma_wait3A_297] : memref<320000x128xf32, #tpu.memory_space<hbm>> -> memref<80x128xf32, #tpu.memory_space<hbm>>
    %dma_wait3A_299 = tpu.memref_slice %arg14[%dma_wait3A_291] : memref<3x!tpu.dma_semaphore, #tpu.memory_space<semaphore_mem>> -> memref<1x!tpu.dma_semaphore, #tpu.memory_space<semaphore_mem>>
    %dma_wait3A_300 = tpu.memref_squeeze %dma_wait3A_299 : memref<1x!tpu.dma_semaphore, #tpu.memory_space<semaphore_mem>> -> memref<!tpu.dma_semaphore, #tpu.memory_space<semaphore_mem>>
    %dma_wait3A_301 = arith.constant 0 : i32
    %dma_wait3A_302 = arith.constant 0 : i32
    %dma_wait3A_303 = tpu.memref_slice %arg6[%dma_wait3A_301, %dma_wait3A_302] : memref<320000x128xf32, #tpu.memory_space<hbm>> -> memref<80x128xf32, #tpu.memory_space<hbm>>
    %dma_wait3A_304 = arith.constant 0 : i32
    %dma_wait3A_305 = arith.constant 0 : i32
    %dma_wait3A_306 = tpu.memref_slice %arg10[%dma_wait3A_290, %dma_wait3A_304, %dma_wait3A_305] : memref<3x80x128xf32, #tpu.memory_space<vmem>> -> memref<1x80x128xf32, #tpu.memory_space<vmem>>
    %dma_wait3A_307 = tpu.memref_squeeze %dma_wait3A_306 : memref<1x80x128xf32, #tpu.memory_space<vmem>> -> memref<80x128xf32, #tpu.memory_space<vmem>>
    tpu.wait_dma2 semaphore(%dma_wait3A_300 : memref<!tpu.dma_semaphore, #tpu.memory_space<semaphore_mem>>) src(%dma_wait3A_307 : memref<80x128xf32, #tpu.memory_space<vmem>>) dst(%dma_wait3A_303 : memref<80x128xf32, #tpu.memory_space<hbm>>)
    return
  }
}

#map = affine_map<(d0, d1) -> (0)>
#map1 = affine_map<(d0, d1) -> (0, 0)>
module attributes {stable_mosaic.version = 14 : i64} {
  func.func @_sc_scatter(%arg0: i32, %arg1: i32, %arg2: memref<320000xf32, #tpu.memory_space<hbm>>, %arg3: memref<320000xi32, #tpu.memory_space<hbm>>, %arg4: memref<320000xf32, #tpu.memory_space<hbm>>, %arg5: memref<320000xf32, #tpu.memory_space<hbm>>, %arg6: memref<320000xf32, #tpu.memory_space<hbm>>, %arg7: memref<10240x16xf32, #tpu.memory_space<hbm>>, %arg8: memref<10240x16xf32, #tpu.memory_space<hbm>>, %arg9: memref<10240x16xf32, #tpu.memory_space<hbm>>, %arg10: memref<2x80xf32, #tpu.memory_space<vmem>>, %arg11: memref<2x80xf32, #tpu.memory_space<vmem>>, %arg12: memref<2x80xf32, #tpu.memory_space<vmem>>, %arg13: memref<2x80xf32, #tpu.memory_space<vmem>>, %arg14: memref<2x80xi32, #tpu.memory_space<vmem>>, %arg15: memref<80x16xf32, #tpu.memory_space<vmem>>, %arg16: memref<10240x16xf32, #tpu.memory_space<vmem_shared>>, %arg17: memref<2x!tpu.dma_semaphore, #tpu.memory_space<semaphore_mem>>, %arg18: memref<2x!tpu.dma_semaphore, #tpu.memory_space<semaphore_mem>>) attributes {dimension_semantics = [#tpu.dimension_semantics<core_parallel>, #tpu.dimension_semantics<subcore_parallel>], iteration_bounds = array<i64: 2, 16>, scalar_prefetch = 0 : i64, scratch_operands = 9 : i64, tpu.core_type = #tpu.core_type<sc_vector_subcore>, window_params = [{transform_indices = #map}, {transform_indices = #map}, {transform_indices = #map}, {transform_indices = #map}, {transform_indices = #map}, {transform_indices = #map1}, {transform_indices = #map1}, {transform_indices = #map1}]} {
    %mul3A = arith.constant 640 : i32
    %mul3A_0 = arith.muli %arg1, %mul3A : i32
    %mul3A_1 = arith.constant 2 : i32
    %mul3A_2 = arith.muli %arg1, %mul3A_1 : i32
    %add3A = arith.addi %mul3A_2, %arg0 : i32
    %mul3A_3 = arith.constant 10000 : i32
    %mul3A_4 = arith.muli %add3A, %mul3A_3 : i32
    %add3A_5 = arith.constant 0 : i32
    %add3A_6 = arith.addi %mul3A_4, %add3A_5 : i32
    %dma_start3A = arith.constant 0 : i32
    %dma_start3A_7 = arith.constant 0 : i32
    %dma_start3A_8 = arith.constant 0 : i32
    %dma_start3A_9 = tpu.memref_slice %arg14[%dma_start3A, %dma_start3A_8] : memref<2x80xi32, #tpu.memory_space<vmem>> -> memref<1x80xi32, #tpu.memory_space<vmem>>
    %dma_start3A_10 = tpu.memref_squeeze %dma_start3A_9 : memref<1x80xi32, #tpu.memory_space<vmem>> -> memref<80xi32, #tpu.memory_space<vmem>>
    %dma_start3A_11 = tpu.memref_slice %arg3[%add3A_6] : memref<320000xi32, #tpu.memory_space<hbm>> -> memref<80xi32, #tpu.memory_space<hbm>>
    %dma_start3A_12 = tpu.memref_slice %arg17[%dma_start3A_7] : memref<2x!tpu.dma_semaphore, #tpu.memory_space<semaphore_mem>> -> memref<1x!tpu.dma_semaphore, #tpu.memory_space<semaphore_mem>>
    %dma_start3A_13 = tpu.memref_squeeze %dma_start3A_12 : memref<1x!tpu.dma_semaphore, #tpu.memory_space<semaphore_mem>> -> memref<!tpu.dma_semaphore, #tpu.memory_space<semaphore_mem>>
    %dma_start3A_14 = arith.constant 0 : i32
    %dma_start3A_15 = tpu.memref_slice %arg14[%dma_start3A, %dma_start3A_14] : memref<2x80xi32, #tpu.memory_space<vmem>> -> memref<1x80xi32, #tpu.memory_space<vmem>>
    %dma_start3A_16 = tpu.memref_squeeze %dma_start3A_15 : memref<1x80xi32, #tpu.memory_space<vmem>> -> memref<80xi32, #tpu.memory_space<vmem>>
    %dma_start3A_17 = tpu.memref_slice %arg3[%add3A_6] : memref<320000xi32, #tpu.memory_space<hbm>> -> memref<80xi32, #tpu.memory_space<hbm>>
    tpu.enqueue_dma source(%dma_start3A_17 : memref<80xi32, #tpu.memory_space<hbm>>) target(%dma_start3A_16 : memref<80xi32, #tpu.memory_space<vmem>>) target_semaphore(%dma_start3A_13 : memref<!tpu.dma_semaphore, #tpu.memory_space<semaphore_mem>>)
    %dma_start3A_18 = arith.constant 0 : i32
    %dma_start3A_19 = arith.constant 0 : i32
    %dma_start3A_20 = arith.constant 0 : i32
    %dma_start3A_21 = tpu.memref_slice %arg10[%dma_start3A_18, %dma_start3A_20] : memref<2x80xf32, #tpu.memory_space<vmem>> -> memref<1x80xf32, #tpu.memory_space<vmem>>
    %dma_start3A_22 = tpu.memref_squeeze %dma_start3A_21 : memref<1x80xf32, #tpu.memory_space<vmem>> -> memref<80xf32, #tpu.memory_space<vmem>>
    %dma_start3A_23 = tpu.memref_slice %arg2[%add3A_6] : memref<320000xf32, #tpu.memory_space<hbm>> -> memref<80xf32, #tpu.memory_space<hbm>>
    %dma_start3A_24 = tpu.memref_slice %arg18[%dma_start3A_19] : memref<2x!tpu.dma_semaphore, #tpu.memory_space<semaphore_mem>> -> memref<1x!tpu.dma_semaphore, #tpu.memory_space<semaphore_mem>>
    %dma_start3A_25 = tpu.memref_squeeze %dma_start3A_24 : memref<1x!tpu.dma_semaphore, #tpu.memory_space<semaphore_mem>> -> memref<!tpu.dma_semaphore, #tpu.memory_space<semaphore_mem>>
    %dma_start3A_26 = arith.constant 0 : i32
    %dma_start3A_27 = tpu.memref_slice %arg10[%dma_start3A_18, %dma_start3A_26] : memref<2x80xf32, #tpu.memory_space<vmem>> -> memref<1x80xf32, #tpu.memory_space<vmem>>
    %dma_start3A_28 = tpu.memref_squeeze %dma_start3A_27 : memref<1x80xf32, #tpu.memory_space<vmem>> -> memref<80xf32, #tpu.memory_space<vmem>>
    %dma_start3A_29 = tpu.memref_slice %arg2[%add3A_6] : memref<320000xf32, #tpu.memory_space<hbm>> -> memref<80xf32, #tpu.memory_space<hbm>>
    tpu.enqueue_dma source(%dma_start3A_29 : memref<80xf32, #tpu.memory_space<hbm>>) target(%dma_start3A_28 : memref<80xf32, #tpu.memory_space<vmem>>) target_semaphore(%dma_start3A_25 : memref<!tpu.dma_semaphore, #tpu.memory_space<semaphore_mem>>)
    %dma_start3A_30 = arith.constant 0 : i32
    %dma_start3A_31 = arith.constant 0 : i32
    %dma_start3A_32 = arith.constant 0 : i32
    %dma_start3A_33 = tpu.memref_slice %arg11[%dma_start3A_30, %dma_start3A_32] : memref<2x80xf32, #tpu.memory_space<vmem>> -> memref<1x80xf32, #tpu.memory_space<vmem>>
    %dma_start3A_34 = tpu.memref_squeeze %dma_start3A_33 : memref<1x80xf32, #tpu.memory_space<vmem>> -> memref<80xf32, #tpu.memory_space<vmem>>
    %dma_start3A_35 = tpu.memref_slice %arg4[%add3A_6] : memref<320000xf32, #tpu.memory_space<hbm>> -> memref<80xf32, #tpu.memory_space<hbm>>
    %dma_start3A_36 = tpu.memref_slice %arg18[%dma_start3A_31] : memref<2x!tpu.dma_semaphore, #tpu.memory_space<semaphore_mem>> -> memref<1x!tpu.dma_semaphore, #tpu.memory_space<semaphore_mem>>
    %dma_start3A_37 = tpu.memref_squeeze %dma_start3A_36 : memref<1x!tpu.dma_semaphore, #tpu.memory_space<semaphore_mem>> -> memref<!tpu.dma_semaphore, #tpu.memory_space<semaphore_mem>>
    %dma_start3A_38 = arith.constant 0 : i32
    %dma_start3A_39 = tpu.memref_slice %arg11[%dma_start3A_30, %dma_start3A_38] : memref<2x80xf32, #tpu.memory_space<vmem>> -> memref<1x80xf32, #tpu.memory_space<vmem>>
    %dma_start3A_40 = tpu.memref_squeeze %dma_start3A_39 : memref<1x80xf32, #tpu.memory_space<vmem>> -> memref<80xf32, #tpu.memory_space<vmem>>
    %dma_start3A_41 = tpu.memref_slice %arg4[%add3A_6] : memref<320000xf32, #tpu.memory_space<hbm>> -> memref<80xf32, #tpu.memory_space<hbm>>
    tpu.enqueue_dma source(%dma_start3A_41 : memref<80xf32, #tpu.memory_space<hbm>>) target(%dma_start3A_40 : memref<80xf32, #tpu.memory_space<vmem>>) target_semaphore(%dma_start3A_37 : memref<!tpu.dma_semaphore, #tpu.memory_space<semaphore_mem>>)
    %dma_start3A_42 = arith.constant 0 : i32
    %dma_start3A_43 = arith.constant 0 : i32
    %dma_start3A_44 = arith.constant 0 : i32
    %dma_start3A_45 = tpu.memref_slice %arg12[%dma_start3A_42, %dma_start3A_44] : memref<2x80xf32, #tpu.memory_space<vmem>> -> memref<1x80xf32, #tpu.memory_space<vmem>>
    %dma_start3A_46 = tpu.memref_squeeze %dma_start3A_45 : memref<1x80xf32, #tpu.memory_space<vmem>> -> memref<80xf32, #tpu.memory_space<vmem>>
    %dma_start3A_47 = tpu.memref_slice %arg5[%add3A_6] : memref<320000xf32, #tpu.memory_space<hbm>> -> memref<80xf32, #tpu.memory_space<hbm>>
    %dma_start3A_48 = tpu.memref_slice %arg18[%dma_start3A_43] : memref<2x!tpu.dma_semaphore, #tpu.memory_space<semaphore_mem>> -> memref<1x!tpu.dma_semaphore, #tpu.memory_space<semaphore_mem>>
    %dma_start3A_49 = tpu.memref_squeeze %dma_start3A_48 : memref<1x!tpu.dma_semaphore, #tpu.memory_space<semaphore_mem>> -> memref<!tpu.dma_semaphore, #tpu.memory_space<semaphore_mem>>
    %dma_start3A_50 = arith.constant 0 : i32
    %dma_start3A_51 = tpu.memref_slice %arg12[%dma_start3A_42, %dma_start3A_50] : memref<2x80xf32, #tpu.memory_space<vmem>> -> memref<1x80xf32, #tpu.memory_space<vmem>>
    %dma_start3A_52 = tpu.memref_squeeze %dma_start3A_51 : memref<1x80xf32, #tpu.memory_space<vmem>> -> memref<80xf32, #tpu.memory_space<vmem>>
    %dma_start3A_53 = tpu.memref_slice %arg5[%add3A_6] : memref<320000xf32, #tpu.memory_space<hbm>> -> memref<80xf32, #tpu.memory_space<hbm>>
    tpu.enqueue_dma source(%dma_start3A_53 : memref<80xf32, #tpu.memory_space<hbm>>) target(%dma_start3A_52 : memref<80xf32, #tpu.memory_space<vmem>>) target_semaphore(%dma_start3A_49 : memref<!tpu.dma_semaphore, #tpu.memory_space<semaphore_mem>>)
    %dma_start3A_54 = arith.constant 0 : i32
    %dma_start3A_55 = arith.constant 0 : i32
    %dma_start3A_56 = arith.constant 0 : i32
    %dma_start3A_57 = tpu.memref_slice %arg13[%dma_start3A_54, %dma_start3A_56] : memref<2x80xf32, #tpu.memory_space<vmem>> -> memref<1x80xf32, #tpu.memory_space<vmem>>
    %dma_start3A_58 = tpu.memref_squeeze %dma_start3A_57 : memref<1x80xf32, #tpu.memory_space<vmem>> -> memref<80xf32, #tpu.memory_space<vmem>>
    %dma_start3A_59 = tpu.memref_slice %arg6[%add3A_6] : memref<320000xf32, #tpu.memory_space<hbm>> -> memref<80xf32, #tpu.memory_space<hbm>>
    %dma_start3A_60 = tpu.memref_slice %arg18[%dma_start3A_55] : memref<2x!tpu.dma_semaphore, #tpu.memory_space<semaphore_mem>> -> memref<1x!tpu.dma_semaphore, #tpu.memory_space<semaphore_mem>>
    %dma_start3A_61 = tpu.memref_squeeze %dma_start3A_60 : memref<1x!tpu.dma_semaphore, #tpu.memory_space<semaphore_mem>> -> memref<!tpu.dma_semaphore, #tpu.memory_space<semaphore_mem>>
    %dma_start3A_62 = arith.constant 0 : i32
    %dma_start3A_63 = tpu.memref_slice %arg13[%dma_start3A_54, %dma_start3A_62] : memref<2x80xf32, #tpu.memory_space<vmem>> -> memref<1x80xf32, #tpu.memory_space<vmem>>
    %dma_start3A_64 = tpu.memref_squeeze %dma_start3A_63 : memref<1x80xf32, #tpu.memory_space<vmem>> -> memref<80xf32, #tpu.memory_space<vmem>>
    %dma_start3A_65 = tpu.memref_slice %arg6[%add3A_6] : memref<320000xf32, #tpu.memory_space<hbm>> -> memref<80xf32, #tpu.memory_space<hbm>>
    tpu.enqueue_dma source(%dma_start3A_65 : memref<80xf32, #tpu.memory_space<hbm>>) target(%dma_start3A_64 : memref<80xf32, #tpu.memory_space<vmem>>) target_semaphore(%dma_start3A_61 : memref<!tpu.dma_semaphore, #tpu.memory_space<semaphore_mem>>)
    "tpu.region"() ({
      %run_scoped3A_275 = tpu.sem_alloc : memref<!tpu.dma_semaphore, #tpu.memory_space<semaphore_mem>>
      %dma_start3A_276 = arith.constant 0 : i32
      %dma_start3A_277 = arith.constant 0 : i32
      %dma_start3A_278 = tpu.memref_slice %arg7[%dma_start3A_276, %dma_start3A_277] : memref<10240x16xf32, #tpu.memory_space<hbm>> -> memref<80x16xf32, #tpu.memory_space<hbm>>
      %dma_start3A_279 = arith.constant 0 : i32
      %dma_start3A_280 = arith.constant 0 : i32
      %dma_start3A_281 = tpu.memref_slice %arg7[%dma_start3A_279, %dma_start3A_280] : memref<10240x16xf32, #tpu.memory_space<hbm>> -> memref<80x16xf32, #tpu.memory_space<hbm>>
      tpu.enqueue_dma source(%dma_start3A_281 : memref<80x16xf32, #tpu.memory_space<hbm>>) target(%arg15 : memref<80x16xf32, #tpu.memory_space<vmem>>) target_semaphore(%run_scoped3A_275 : memref<!tpu.dma_semaphore, #tpu.memory_space<semaphore_mem>>)
      %dma_wait3A_282 = arith.constant 0 : i32
      %dma_wait3A_283 = arith.constant 0 : i32
      %dma_wait3A_284 = tpu.memref_slice %arg7[%dma_wait3A_282, %dma_wait3A_283] : memref<10240x16xf32, #tpu.memory_space<hbm>> -> memref<80x16xf32, #tpu.memory_space<hbm>>
      %dma_wait3A_285 = arith.constant 0 : i32
      %dma_wait3A_286 = arith.constant 0 : i32
      %dma_wait3A_287 = tpu.memref_slice %arg7[%dma_wait3A_285, %dma_wait3A_286] : memref<10240x16xf32, #tpu.memory_space<hbm>> -> memref<80x16xf32, #tpu.memory_space<hbm>>
      tpu.wait_dma2 semaphore(%run_scoped3A_275 : memref<!tpu.dma_semaphore, #tpu.memory_space<semaphore_mem>>) src(%dma_wait3A_287 : memref<80x16xf32, #tpu.memory_space<hbm>>) dst(%arg15 : memref<80x16xf32, #tpu.memory_space<vmem>>)
      tpu.yield
    }) : () -> ()
    "tpu.region"() ({
      %run_scoped3A_275 = tpu.sem_alloc : memref<!tpu.dma_semaphore, #tpu.memory_space<semaphore_mem>>
      %dma_start3A_276 = arith.constant 0 : i32
      %dma_start3A_277 = tpu.memref_slice %arg16[%mul3A_0, %dma_start3A_276] : memref<10240x16xf32, #tpu.memory_space<vmem_shared>> -> memref<640x16xf32, #tpu.memory_space<vmem_shared>>
      %dma_start3A_278 = arith.constant 0 : i32
      %dma_start3A_279 = tpu.memref_slice %arg7[%mul3A_0, %dma_start3A_278] : memref<10240x16xf32, #tpu.memory_space<hbm>> -> memref<640x16xf32, #tpu.memory_space<hbm>>
      tpu.enqueue_dma source(%dma_start3A_279 : memref<640x16xf32, #tpu.memory_space<hbm>>) target(%dma_start3A_277 : memref<640x16xf32, #tpu.memory_space<vmem_shared>>) target_semaphore(%run_scoped3A_275 : memref<!tpu.dma_semaphore, #tpu.memory_space<semaphore_mem>>)
      %dma_wait3A_280 = arith.constant 0 : i32
      %dma_wait3A_281 = tpu.memref_slice %arg16[%mul3A_0, %dma_wait3A_280] : memref<10240x16xf32, #tpu.memory_space<vmem_shared>> -> memref<640x16xf32, #tpu.memory_space<vmem_shared>>
      %dma_wait3A_282 = arith.constant 0 : i32
      %dma_wait3A_283 = tpu.memref_slice %arg7[%mul3A_0, %dma_wait3A_282] : memref<10240x16xf32, #tpu.memory_space<hbm>> -> memref<640x16xf32, #tpu.memory_space<hbm>>
      tpu.wait_dma2 semaphore(%run_scoped3A_275 : memref<!tpu.dma_semaphore, #tpu.memory_space<semaphore_mem>>) src(%dma_wait3A_283 : memref<640x16xf32, #tpu.memory_space<hbm>>) dst(%dma_wait3A_281 : memref<640x16xf32, #tpu.memory_space<vmem_shared>>)
      tpu.yield
    }) : () -> ()
    %barrier3A = arith.constant 0 : index
    tpu.barrier barrier_id(%barrier3A)
    %iota3A = tpu.iota {dimensions = array<i32: 0>} : vector<16xi32>
    %scan3A = arith.constant 0 : i32
    %scan3A_66 = arith.constant 62 : i32
    %scan3A_67 = arith.addi %scan3A, %scan3A_66 : i32
    %scan3A_68 = arith.constant 1 : i32
    scf.for %scan3A_275 = %scan3A to %scan3A_67 step %scan3A_68  : i32 {
      %mul3A_276 = arith.constant 1 : i32
      %mul3A_277 = arith.muli %scan3A_275, %mul3A_276 : i32
      %add3A_278 = arith.constant 0 : i32
      %add3A_279 = arith.addi %add3A_278, %mul3A_277 : i32
      %mul3A_280 = arith.constant 2 : i32
      %mul3A_281 = arith.muli %mul3A_280, %add3A_279 : i32
      %dma_wait3A_282 = arith.constant 0 : i32
      %dma_wait3A_283 = arith.constant 0 : i32
      %dma_wait3A_284 = arith.constant 0 : i32
      %dma_wait3A_285 = tpu.memref_slice %arg14[%dma_wait3A_282, %dma_wait3A_284] : memref<2x80xi32, #tpu.memory_space<vmem>> -> memref<1x80xi32, #tpu.memory_space<vmem>>
      %dma_wait3A_286 = tpu.memref_squeeze %dma_wait3A_285 : memref<1x80xi32, #tpu.memory_space<vmem>> -> memref<80xi32, #tpu.memory_space<vmem>>
      %dma_wait3A_287 = tpu.memref_slice %arg3[%mul3A_4] : memref<320000xi32, #tpu.memory_space<hbm>> -> memref<80xi32, #tpu.memory_space<hbm>>
      %dma_wait3A_288 = tpu.memref_slice %arg17[%dma_wait3A_283] : memref<2x!tpu.dma_semaphore, #tpu.memory_space<semaphore_mem>> -> memref<1x!tpu.dma_semaphore, #tpu.memory_space<semaphore_mem>>
      %dma_wait3A_289 = tpu.memref_squeeze %dma_wait3A_288 : memref<1x!tpu.dma_semaphore, #tpu.memory_space<semaphore_mem>> -> memref<!tpu.dma_semaphore, #tpu.memory_space<semaphore_mem>>
      %dma_wait3A_290 = arith.constant 0 : i32
      %dma_wait3A_291 = tpu.memref_slice %arg14[%dma_wait3A_282, %dma_wait3A_290] : memref<2x80xi32, #tpu.memory_space<vmem>> -> memref<1x80xi32, #tpu.memory_space<vmem>>
      %dma_wait3A_292 = tpu.memref_squeeze %dma_wait3A_291 : memref<1x80xi32, #tpu.memory_space<vmem>> -> memref<80xi32, #tpu.memory_space<vmem>>
      %dma_wait3A_293 = tpu.memref_slice %arg3[%mul3A_4] : memref<320000xi32, #tpu.memory_space<hbm>> -> memref<80xi32, #tpu.memory_space<hbm>>
      tpu.wait_dma2 semaphore(%dma_wait3A_289 : memref<!tpu.dma_semaphore, #tpu.memory_space<semaphore_mem>>) src(%dma_wait3A_293 : memref<80xi32, #tpu.memory_space<hbm>>) dst(%dma_wait3A_292 : memref<80xi32, #tpu.memory_space<vmem>>)
      %dma_wait3A_294 = arith.constant 0 : i32
      %dma_wait3A_295 = arith.constant 0 : i32
      %dma_wait3A_296 = arith.constant 0 : i32
      %dma_wait3A_297 = tpu.memref_slice %arg10[%dma_wait3A_294, %dma_wait3A_296] : memref<2x80xf32, #tpu.memory_space<vmem>> -> memref<1x80xf32, #tpu.memory_space<vmem>>
      %dma_wait3A_298 = tpu.memref_squeeze %dma_wait3A_297 : memref<1x80xf32, #tpu.memory_space<vmem>> -> memref<80xf32, #tpu.memory_space<vmem>>
      %dma_wait3A_299 = tpu.memref_slice %arg2[%mul3A_4] : memref<320000xf32, #tpu.memory_space<hbm>> -> memref<80xf32, #tpu.memory_space<hbm>>
      %dma_wait3A_300 = tpu.memref_slice %arg18[%dma_wait3A_295] : memref<2x!tpu.dma_semaphore, #tpu.memory_space<semaphore_mem>> -> memref<1x!tpu.dma_semaphore, #tpu.memory_space<semaphore_mem>>
      %dma_wait3A_301 = tpu.memref_squeeze %dma_wait3A_300 : memref<1x!tpu.dma_semaphore, #tpu.memory_space<semaphore_mem>> -> memref<!tpu.dma_semaphore, #tpu.memory_space<semaphore_mem>>
      %dma_wait3A_302 = arith.constant 0 : i32
      %dma_wait3A_303 = tpu.memref_slice %arg10[%dma_wait3A_294, %dma_wait3A_302] : memref<2x80xf32, #tpu.memory_space<vmem>> -> memref<1x80xf32, #tpu.memory_space<vmem>>
      %dma_wait3A_304 = tpu.memref_squeeze %dma_wait3A_303 : memref<1x80xf32, #tpu.memory_space<vmem>> -> memref<80xf32, #tpu.memory_space<vmem>>
      %dma_wait3A_305 = tpu.memref_slice %arg2[%mul3A_4] : memref<320000xf32, #tpu.memory_space<hbm>> -> memref<80xf32, #tpu.memory_space<hbm>>
      tpu.wait_dma2 semaphore(%dma_wait3A_301 : memref<!tpu.dma_semaphore, #tpu.memory_space<semaphore_mem>>) src(%dma_wait3A_305 : memref<80xf32, #tpu.memory_space<hbm>>) dst(%dma_wait3A_304 : memref<80xf32, #tpu.memory_space<vmem>>)
      %dma_wait3A_306 = arith.constant 0 : i32
      %dma_wait3A_307 = arith.constant 0 : i32
      %dma_wait3A_308 = arith.constant 0 : i32
      %dma_wait3A_309 = tpu.memref_slice %arg11[%dma_wait3A_306, %dma_wait3A_308] : memref<2x80xf32, #tpu.memory_space<vmem>> -> memref<1x80xf32, #tpu.memory_space<vmem>>
      %dma_wait3A_310 = tpu.memref_squeeze %dma_wait3A_309 : memref<1x80xf32, #tpu.memory_space<vmem>> -> memref<80xf32, #tpu.memory_space<vmem>>
      %dma_wait3A_311 = tpu.memref_slice %arg4[%mul3A_4] : memref<320000xf32, #tpu.memory_space<hbm>> -> memref<80xf32, #tpu.memory_space<hbm>>
      %dma_wait3A_312 = tpu.memref_slice %arg18[%dma_wait3A_307] : memref<2x!tpu.dma_semaphore, #tpu.memory_space<semaphore_mem>> -> memref<1x!tpu.dma_semaphore, #tpu.memory_space<semaphore_mem>>
      %dma_wait3A_313 = tpu.memref_squeeze %dma_wait3A_312 : memref<1x!tpu.dma_semaphore, #tpu.memory_space<semaphore_mem>> -> memref<!tpu.dma_semaphore, #tpu.memory_space<semaphore_mem>>
      %dma_wait3A_314 = arith.constant 0 : i32
      %dma_wait3A_315 = tpu.memref_slice %arg11[%dma_wait3A_306, %dma_wait3A_314] : memref<2x80xf32, #tpu.memory_space<vmem>> -> memref<1x80xf32, #tpu.memory_space<vmem>>
      %dma_wait3A_316 = tpu.memref_squeeze %dma_wait3A_315 : memref<1x80xf32, #tpu.memory_space<vmem>> -> memref<80xf32, #tpu.memory_space<vmem>>
      %dma_wait3A_317 = tpu.memref_slice %arg4[%mul3A_4] : memref<320000xf32, #tpu.memory_space<hbm>> -> memref<80xf32, #tpu.memory_space<hbm>>
      tpu.wait_dma2 semaphore(%dma_wait3A_313 : memref<!tpu.dma_semaphore, #tpu.memory_space<semaphore_mem>>) src(%dma_wait3A_317 : memref<80xf32, #tpu.memory_space<hbm>>) dst(%dma_wait3A_316 : memref<80xf32, #tpu.memory_space<vmem>>)
      %dma_wait3A_318 = arith.constant 0 : i32
      %dma_wait3A_319 = arith.constant 0 : i32
      %dma_wait3A_320 = arith.constant 0 : i32
      %dma_wait3A_321 = tpu.memref_slice %arg12[%dma_wait3A_318, %dma_wait3A_320] : memref<2x80xf32, #tpu.memory_space<vmem>> -> memref<1x80xf32, #tpu.memory_space<vmem>>
      %dma_wait3A_322 = tpu.memref_squeeze %dma_wait3A_321 : memref<1x80xf32, #tpu.memory_space<vmem>> -> memref<80xf32, #tpu.memory_space<vmem>>
      %dma_wait3A_323 = tpu.memref_slice %arg5[%mul3A_4] : memref<320000xf32, #tpu.memory_space<hbm>> -> memref<80xf32, #tpu.memory_space<hbm>>
      %dma_wait3A_324 = tpu.memref_slice %arg18[%dma_wait3A_319] : memref<2x!tpu.dma_semaphore, #tpu.memory_space<semaphore_mem>> -> memref<1x!tpu.dma_semaphore, #tpu.memory_space<semaphore_mem>>
      %dma_wait3A_325 = tpu.memref_squeeze %dma_wait3A_324 : memref<1x!tpu.dma_semaphore, #tpu.memory_space<semaphore_mem>> -> memref<!tpu.dma_semaphore, #tpu.memory_space<semaphore_mem>>
      %dma_wait3A_326 = arith.constant 0 : i32
      %dma_wait3A_327 = tpu.memref_slice %arg12[%dma_wait3A_318, %dma_wait3A_326] : memref<2x80xf32, #tpu.memory_space<vmem>> -> memref<1x80xf32, #tpu.memory_space<vmem>>
      %dma_wait3A_328 = tpu.memref_squeeze %dma_wait3A_327 : memref<1x80xf32, #tpu.memory_space<vmem>> -> memref<80xf32, #tpu.memory_space<vmem>>
      %dma_wait3A_329 = tpu.memref_slice %arg5[%mul3A_4] : memref<320000xf32, #tpu.memory_space<hbm>> -> memref<80xf32, #tpu.memory_space<hbm>>
      tpu.wait_dma2 semaphore(%dma_wait3A_325 : memref<!tpu.dma_semaphore, #tpu.memory_space<semaphore_mem>>) src(%dma_wait3A_329 : memref<80xf32, #tpu.memory_space<hbm>>) dst(%dma_wait3A_328 : memref<80xf32, #tpu.memory_space<vmem>>)
      %dma_wait3A_330 = arith.constant 0 : i32
      %dma_wait3A_331 = arith.constant 0 : i32
      %dma_wait3A_332 = arith.constant 0 : i32
      %dma_wait3A_333 = tpu.memref_slice %arg13[%dma_wait3A_330, %dma_wait3A_332] : memref<2x80xf32, #tpu.memory_space<vmem>> -> memref<1x80xf32, #tpu.memory_space<vmem>>
      %dma_wait3A_334 = tpu.memref_squeeze %dma_wait3A_333 : memref<1x80xf32, #tpu.memory_space<vmem>> -> memref<80xf32, #tpu.memory_space<vmem>>
      %dma_wait3A_335 = tpu.memref_slice %arg6[%mul3A_4] : memref<320000xf32, #tpu.memory_space<hbm>> -> memref<80xf32, #tpu.memory_space<hbm>>
      %dma_wait3A_336 = tpu.memref_slice %arg18[%dma_wait3A_331] : memref<2x!tpu.dma_semaphore, #tpu.memory_space<semaphore_mem>> -> memref<1x!tpu.dma_semaphore, #tpu.memory_space<semaphore_mem>>
      %dma_wait3A_337 = tpu.memref_squeeze %dma_wait3A_336 : memref<1x!tpu.dma_semaphore, #tpu.memory_space<semaphore_mem>> -> memref<!tpu.dma_semaphore, #tpu.memory_space<semaphore_mem>>
      %dma_wait3A_338 = arith.constant 0 : i32
      %dma_wait3A_339 = tpu.memref_slice %arg13[%dma_wait3A_330, %dma_wait3A_338] : memref<2x80xf32, #tpu.memory_space<vmem>> -> memref<1x80xf32, #tpu.memory_space<vmem>>
      %dma_wait3A_340 = tpu.memref_squeeze %dma_wait3A_339 : memref<1x80xf32, #tpu.memory_space<vmem>> -> memref<80xf32, #tpu.memory_space<vmem>>
      %dma_wait3A_341 = tpu.memref_slice %arg6[%mul3A_4] : memref<320000xf32, #tpu.memory_space<hbm>> -> memref<80xf32, #tpu.memory_space<hbm>>
      tpu.wait_dma2 semaphore(%dma_wait3A_337 : memref<!tpu.dma_semaphore, #tpu.memory_space<semaphore_mem>>) src(%dma_wait3A_341 : memref<80xf32, #tpu.memory_space<hbm>>) dst(%dma_wait3A_340 : memref<80xf32, #tpu.memory_space<vmem>>)
      %add3A_342 = arith.constant 1 : i32
      %add3A_343 = arith.addi %mul3A_281, %add3A_342 : i32
      %mul3A_344 = arith.constant 80 : i32
      %mul3A_345 = arith.muli %add3A_343, %mul3A_344 : i32
      %add3A_346 = arith.addi %mul3A_4, %mul3A_345 : i32
      %dma_start3A_347 = arith.constant 1 : i32
      %dma_start3A_348 = arith.constant 1 : i32
      %dma_start3A_349 = arith.constant 0 : i32
      %dma_start3A_350 = tpu.memref_slice %arg14[%dma_start3A_347, %dma_start3A_349] : memref<2x80xi32, #tpu.memory_space<vmem>> -> memref<1x80xi32, #tpu.memory_space<vmem>>
      %dma_start3A_351 = tpu.memref_squeeze %dma_start3A_350 : memref<1x80xi32, #tpu.memory_space<vmem>> -> memref<80xi32, #tpu.memory_space<vmem>>
      %dma_start3A_352 = tpu.memref_slice %arg3[%add3A_346] : memref<320000xi32, #tpu.memory_space<hbm>> -> memref<80xi32, #tpu.memory_space<hbm>>
      %dma_start3A_353 = tpu.memref_slice %arg17[%dma_start3A_348] : memref<2x!tpu.dma_semaphore, #tpu.memory_space<semaphore_mem>> -> memref<1x!tpu.dma_semaphore, #tpu.memory_space<semaphore_mem>>
      %dma_start3A_354 = tpu.memref_squeeze %dma_start3A_353 : memref<1x!tpu.dma_semaphore, #tpu.memory_space<semaphore_mem>> -> memref<!tpu.dma_semaphore, #tpu.memory_space<semaphore_mem>>
      %dma_start3A_355 = arith.constant 0 : i32
      %dma_start3A_356 = tpu.memref_slice %arg14[%dma_start3A_347, %dma_start3A_355] : memref<2x80xi32, #tpu.memory_space<vmem>> -> memref<1x80xi32, #tpu.memory_space<vmem>>
      %dma_start3A_357 = tpu.memref_squeeze %dma_start3A_356 : memref<1x80xi32, #tpu.memory_space<vmem>> -> memref<80xi32, #tpu.memory_space<vmem>>
      %dma_start3A_358 = tpu.memref_slice %arg3[%add3A_346] : memref<320000xi32, #tpu.memory_space<hbm>> -> memref<80xi32, #tpu.memory_space<hbm>>
      tpu.enqueue_dma source(%dma_start3A_358 : memref<80xi32, #tpu.memory_space<hbm>>) target(%dma_start3A_357 : memref<80xi32, #tpu.memory_space<vmem>>) target_semaphore(%dma_start3A_354 : memref<!tpu.dma_semaphore, #tpu.memory_space<semaphore_mem>>)
      %dma_start3A_359 = arith.constant 1 : i32
      %dma_start3A_360 = arith.constant 1 : i32
      %dma_start3A_361 = arith.constant 0 : i32
      %dma_start3A_362 = tpu.memref_slice %arg10[%dma_start3A_359, %dma_start3A_361] : memref<2x80xf32, #tpu.memory_space<vmem>> -> memref<1x80xf32, #tpu.memory_space<vmem>>
      %dma_start3A_363 = tpu.memref_squeeze %dma_start3A_362 : memref<1x80xf32, #tpu.memory_space<vmem>> -> memref<80xf32, #tpu.memory_space<vmem>>
      %dma_start3A_364 = tpu.memref_slice %arg2[%add3A_346] : memref<320000xf32, #tpu.memory_space<hbm>> -> memref<80xf32, #tpu.memory_space<hbm>>
      %dma_start3A_365 = tpu.memref_slice %arg18[%dma_start3A_360] : memref<2x!tpu.dma_semaphore, #tpu.memory_space<semaphore_mem>> -> memref<1x!tpu.dma_semaphore, #tpu.memory_space<semaphore_mem>>
      %dma_start3A_366 = tpu.memref_squeeze %dma_start3A_365 : memref<1x!tpu.dma_semaphore, #tpu.memory_space<semaphore_mem>> -> memref<!tpu.dma_semaphore, #tpu.memory_space<semaphore_mem>>
      %dma_start3A_367 = arith.constant 0 : i32
      %dma_start3A_368 = tpu.memref_slice %arg10[%dma_start3A_359, %dma_start3A_367] : memref<2x80xf32, #tpu.memory_space<vmem>> -> memref<1x80xf32, #tpu.memory_space<vmem>>
      %dma_start3A_369 = tpu.memref_squeeze %dma_start3A_368 : memref<1x80xf32, #tpu.memory_space<vmem>> -> memref<80xf32, #tpu.memory_space<vmem>>
      %dma_start3A_370 = tpu.memref_slice %arg2[%add3A_346] : memref<320000xf32, #tpu.memory_space<hbm>> -> memref<80xf32, #tpu.memory_space<hbm>>
      tpu.enqueue_dma source(%dma_start3A_370 : memref<80xf32, #tpu.memory_space<hbm>>) target(%dma_start3A_369 : memref<80xf32, #tpu.memory_space<vmem>>) target_semaphore(%dma_start3A_366 : memref<!tpu.dma_semaphore, #tpu.memory_space<semaphore_mem>>)
      %dma_start3A_371 = arith.constant 1 : i32
      %dma_start3A_372 = arith.constant 1 : i32
      %dma_start3A_373 = arith.constant 0 : i32
      %dma_start3A_374 = tpu.memref_slice %arg11[%dma_start3A_371, %dma_start3A_373] : memref<2x80xf32, #tpu.memory_space<vmem>> -> memref<1x80xf32, #tpu.memory_space<vmem>>
      %dma_start3A_375 = tpu.memref_squeeze %dma_start3A_374 : memref<1x80xf32, #tpu.memory_space<vmem>> -> memref<80xf32, #tpu.memory_space<vmem>>
      %dma_start3A_376 = tpu.memref_slice %arg4[%add3A_346] : memref<320000xf32, #tpu.memory_space<hbm>> -> memref<80xf32, #tpu.memory_space<hbm>>
      %dma_start3A_377 = tpu.memref_slice %arg18[%dma_start3A_372] : memref<2x!tpu.dma_semaphore, #tpu.memory_space<semaphore_mem>> -> memref<1x!tpu.dma_semaphore, #tpu.memory_space<semaphore_mem>>
      %dma_start3A_378 = tpu.memref_squeeze %dma_start3A_377 : memref<1x!tpu.dma_semaphore, #tpu.memory_space<semaphore_mem>> -> memref<!tpu.dma_semaphore, #tpu.memory_space<semaphore_mem>>
      %dma_start3A_379 = arith.constant 0 : i32
      %dma_start3A_380 = tpu.memref_slice %arg11[%dma_start3A_371, %dma_start3A_379] : memref<2x80xf32, #tpu.memory_space<vmem>> -> memref<1x80xf32, #tpu.memory_space<vmem>>
      %dma_start3A_381 = tpu.memref_squeeze %dma_start3A_380 : memref<1x80xf32, #tpu.memory_space<vmem>> -> memref<80xf32, #tpu.memory_space<vmem>>
      %dma_start3A_382 = tpu.memref_slice %arg4[%add3A_346] : memref<320000xf32, #tpu.memory_space<hbm>> -> memref<80xf32, #tpu.memory_space<hbm>>
      tpu.enqueue_dma source(%dma_start3A_382 : memref<80xf32, #tpu.memory_space<hbm>>) target(%dma_start3A_381 : memref<80xf32, #tpu.memory_space<vmem>>) target_semaphore(%dma_start3A_378 : memref<!tpu.dma_semaphore, #tpu.memory_space<semaphore_mem>>)
      %dma_start3A_383 = arith.constant 1 : i32
      %dma_start3A_384 = arith.constant 1 : i32
      %dma_start3A_385 = arith.constant 0 : i32
      %dma_start3A_386 = tpu.memref_slice %arg12[%dma_start3A_383, %dma_start3A_385] : memref<2x80xf32, #tpu.memory_space<vmem>> -> memref<1x80xf32, #tpu.memory_space<vmem>>
      %dma_start3A_387 = tpu.memref_squeeze %dma_start3A_386 : memref<1x80xf32, #tpu.memory_space<vmem>> -> memref<80xf32, #tpu.memory_space<vmem>>
      %dma_start3A_388 = tpu.memref_slice %arg5[%add3A_346] : memref<320000xf32, #tpu.memory_space<hbm>> -> memref<80xf32, #tpu.memory_space<hbm>>
      %dma_start3A_389 = tpu.memref_slice %arg18[%dma_start3A_384] : memref<2x!tpu.dma_semaphore, #tpu.memory_space<semaphore_mem>> -> memref<1x!tpu.dma_semaphore, #tpu.memory_space<semaphore_mem>>
      %dma_start3A_390 = tpu.memref_squeeze %dma_start3A_389 : memref<1x!tpu.dma_semaphore, #tpu.memory_space<semaphore_mem>> -> memref<!tpu.dma_semaphore, #tpu.memory_space<semaphore_mem>>
      %dma_start3A_391 = arith.constant 0 : i32
      %dma_start3A_392 = tpu.memref_slice %arg12[%dma_start3A_383, %dma_start3A_391] : memref<2x80xf32, #tpu.memory_space<vmem>> -> memref<1x80xf32, #tpu.memory_space<vmem>>
      %dma_start3A_393 = tpu.memref_squeeze %dma_start3A_392 : memref<1x80xf32, #tpu.memory_space<vmem>> -> memref<80xf32, #tpu.memory_space<vmem>>
      %dma_start3A_394 = tpu.memref_slice %arg5[%add3A_346] : memref<320000xf32, #tpu.memory_space<hbm>> -> memref<80xf32, #tpu.memory_space<hbm>>
      tpu.enqueue_dma source(%dma_start3A_394 : memref<80xf32, #tpu.memory_space<hbm>>) target(%dma_start3A_393 : memref<80xf32, #tpu.memory_space<vmem>>) target_semaphore(%dma_start3A_390 : memref<!tpu.dma_semaphore, #tpu.memory_space<semaphore_mem>>)
      %dma_start3A_395 = arith.constant 1 : i32
      %dma_start3A_396 = arith.constant 1 : i32
      %dma_start3A_397 = arith.constant 0 : i32
      %dma_start3A_398 = tpu.memref_slice %arg13[%dma_start3A_395, %dma_start3A_397] : memref<2x80xf32, #tpu.memory_space<vmem>> -> memref<1x80xf32, #tpu.memory_space<vmem>>
      %dma_start3A_399 = tpu.memref_squeeze %dma_start3A_398 : memref<1x80xf32, #tpu.memory_space<vmem>> -> memref<80xf32, #tpu.memory_space<vmem>>
      %dma_start3A_400 = tpu.memref_slice %arg6[%add3A_346] : memref<320000xf32, #tpu.memory_space<hbm>> -> memref<80xf32, #tpu.memory_space<hbm>>
      %dma_start3A_401 = tpu.memref_slice %arg18[%dma_start3A_396] : memref<2x!tpu.dma_semaphore, #tpu.memory_space<semaphore_mem>> -> memref<1x!tpu.dma_semaphore, #tpu.memory_space<semaphore_mem>>
      %dma_start3A_402 = tpu.memref_squeeze %dma_start3A_401 : memref<1x!tpu.dma_semaphore, #tpu.memory_space<semaphore_mem>> -> memref<!tpu.dma_semaphore, #tpu.memory_space<semaphore_mem>>
      %dma_start3A_403 = arith.constant 0 : i32
      %dma_start3A_404 = tpu.memref_slice %arg13[%dma_start3A_395, %dma_start3A_403] : memref<2x80xf32, #tpu.memory_space<vmem>> -> memref<1x80xf32, #tpu.memory_space<vmem>>
      %dma_start3A_405 = tpu.memref_squeeze %dma_start3A_404 : memref<1x80xf32, #tpu.memory_space<vmem>> -> memref<80xf32, #tpu.memory_space<vmem>>
      %dma_start3A_406 = tpu.memref_slice %arg6[%add3A_346] : memref<320000xf32, #tpu.memory_space<hbm>> -> memref<80xf32, #tpu.memory_space<hbm>>
      tpu.enqueue_dma source(%dma_start3A_406 : memref<80xf32, #tpu.memory_space<hbm>>) target(%dma_start3A_405 : memref<80xf32, #tpu.memory_space<vmem>>) target_semaphore(%dma_start3A_402 : memref<!tpu.dma_semaphore, #tpu.memory_space<semaphore_mem>>)
      %add3A_407 = arith.constant 0 : i32
      %add3A_408 = vector.broadcast %add3A_407 : i32 to vector<16xi32>
      %add3A_409 = arith.addi %iota3A, %add3A_408 : vector<16xi32>
      %get3A_410 = arith.constant 0 : i32
      %get3A_411 = arith.index_cast %get3A_410 : i32 to index
      %get3A_412 = arith.constant 0 : index
      %get3A_413 = tpu.vector_load %arg10[%get3A_411, %get3A_412] {strides = array<i32>} : memref<2x80xf32, #tpu.memory_space<vmem>>, vector<16xf32>,
      %get3A_414 = arith.constant 0 : i32
      %get3A_415 = arith.index_cast %get3A_414 : i32 to index
      %get3A_416 = arith.constant 0 : index
      %get3A_417 = tpu.vector_load %arg11[%get3A_415, %get3A_416] {strides = array<i32>} : memref<2x80xf32, #tpu.memory_space<vmem>>, vector<16xf32>,
      %mul3A_418 = arith.mulf %get3A_413, %get3A_417 : vector<16xf32>
      %broadcast_in_dim3A_419 = arith.constant 0 : i32
      %broadcast_in_dim3A_420 = vector.broadcast %broadcast_in_dim3A_419 : i32 to vector<16xi32>
      tpu.vector_store_idx %arg15[%add3A_409, %broadcast_in_dim3A_420], %mul3A_418 : memref<80x16xf32, #tpu.memory_space<vmem>>[vector<16xi32>, vector<16xi32>], vector<16xf32>,
      %get3A_421 = arith.constant 0 : i32
      %get3A_422 = arith.index_cast %get3A_421 : i32 to index
      %get3A_423 = arith.constant 0 : index
      %get3A_424 = tpu.vector_load %arg12[%get3A_422, %get3A_423] {strides = array<i32>} : memref<2x80xf32, #tpu.memory_space<vmem>>, vector<16xf32>,
      %mul3A_425 = arith.mulf %get3A_413, %get3A_424 : vector<16xf32>
      %broadcast_in_dim3A_426 = arith.constant 1 : i32
      %broadcast_in_dim3A_427 = vector.broadcast %broadcast_in_dim3A_426 : i32 to vector<16xi32>
      tpu.vector_store_idx %arg15[%add3A_409, %broadcast_in_dim3A_427], %mul3A_425 : memref<80x16xf32, #tpu.memory_space<vmem>>[vector<16xi32>, vector<16xi32>], vector<16xf32>,
      %get3A_428 = arith.constant 0 : i32
      %get3A_429 = arith.index_cast %get3A_428 : i32 to index
      %get3A_430 = arith.constant 0 : index
      %get3A_431 = tpu.vector_load %arg13[%get3A_429, %get3A_430] {strides = array<i32>} : memref<2x80xf32, #tpu.memory_space<vmem>>, vector<16xf32>,
      %mul3A_432 = arith.mulf %get3A_413, %get3A_431 : vector<16xf32>
      %broadcast_in_dim3A_433 = arith.constant 2 : i32
      %broadcast_in_dim3A_434 = vector.broadcast %broadcast_in_dim3A_433 : i32 to vector<16xi32>
      tpu.vector_store_idx %arg15[%add3A_409, %broadcast_in_dim3A_434], %mul3A_432 : memref<80x16xf32, #tpu.memory_space<vmem>>[vector<16xi32>, vector<16xi32>], vector<16xf32>,
      %add3A_435 = arith.constant 16 : i32
      %add3A_436 = vector.broadcast %add3A_435 : i32 to vector<16xi32>
      %add3A_437 = arith.addi %iota3A, %add3A_436 : vector<16xi32>
      %get3A_438 = arith.constant 0 : i32
      %get3A_439 = arith.index_cast %get3A_438 : i32 to index
      %get3A_440 = arith.constant 16 : index
      %get3A_441 = tpu.vector_load %arg10[%get3A_439, %get3A_440] {strides = array<i32>} : memref<2x80xf32, #tpu.memory_space<vmem>>, vector<16xf32>,
      %get3A_442 = arith.constant 0 : i32
      %get3A_443 = arith.index_cast %get3A_442 : i32 to index
      %get3A_444 = arith.constant 16 : index
      %get3A_445 = tpu.vector_load %arg11[%get3A_443, %get3A_444] {strides = array<i32>} : memref<2x80xf32, #tpu.memory_space<vmem>>, vector<16xf32>,
      %mul3A_446 = arith.mulf %get3A_441, %get3A_445 : vector<16xf32>
      %broadcast_in_dim3A_447 = arith.constant 0 : i32
      %broadcast_in_dim3A_448 = vector.broadcast %broadcast_in_dim3A_447 : i32 to vector<16xi32>
      tpu.vector_store_idx %arg15[%add3A_437, %broadcast_in_dim3A_448], %mul3A_446 : memref<80x16xf32, #tpu.memory_space<vmem>>[vector<16xi32>, vector<16xi32>], vector<16xf32>,
      %get3A_449 = arith.constant 0 : i32
      %get3A_450 = arith.index_cast %get3A_449 : i32 to index
      %get3A_451 = arith.constant 16 : index
      %get3A_452 = tpu.vector_load %arg12[%get3A_450, %get3A_451] {strides = array<i32>} : memref<2x80xf32, #tpu.memory_space<vmem>>, vector<16xf32>,
      %mul3A_453 = arith.mulf %get3A_441, %get3A_452 : vector<16xf32>
      %broadcast_in_dim3A_454 = arith.constant 1 : i32
      %broadcast_in_dim3A_455 = vector.broadcast %broadcast_in_dim3A_454 : i32 to vector<16xi32>
      tpu.vector_store_idx %arg15[%add3A_437, %broadcast_in_dim3A_455], %mul3A_453 : memref<80x16xf32, #tpu.memory_space<vmem>>[vector<16xi32>, vector<16xi32>], vector<16xf32>,
      %get3A_456 = arith.constant 0 : i32
      %get3A_457 = arith.index_cast %get3A_456 : i32 to index
      %get3A_458 = arith.constant 16 : index
      %get3A_459 = tpu.vector_load %arg13[%get3A_457, %get3A_458] {strides = array<i32>} : memref<2x80xf32, #tpu.memory_space<vmem>>, vector<16xf32>,
      %mul3A_460 = arith.mulf %get3A_441, %get3A_459 : vector<16xf32>
      %broadcast_in_dim3A_461 = arith.constant 2 : i32
      %broadcast_in_dim3A_462 = vector.broadcast %broadcast_in_dim3A_461 : i32 to vector<16xi32>
      tpu.vector_store_idx %arg15[%add3A_437, %broadcast_in_dim3A_462], %mul3A_460 : memref<80x16xf32, #tpu.memory_space<vmem>>[vector<16xi32>, vector<16xi32>], vector<16xf32>,
      %add3A_463 = arith.constant 32 : i32
      %add3A_464 = vector.broadcast %add3A_463 : i32 to vector<16xi32>
      %add3A_465 = arith.addi %iota3A, %add3A_464 : vector<16xi32>
      %get3A_466 = arith.constant 0 : i32
      %get3A_467 = arith.index_cast %get3A_466 : i32 to index
      %get3A_468 = arith.constant 32 : index
      %get3A_469 = tpu.vector_load %arg10[%get3A_467, %get3A_468] {strides = array<i32>} : memref<2x80xf32, #tpu.memory_space<vmem>>, vector<16xf32>,
      %get3A_470 = arith.constant 0 : i32
      %get3A_471 = arith.index_cast %get3A_470 : i32 to index
      %get3A_472 = arith.constant 32 : index
      %get3A_473 = tpu.vector_load %arg11[%get3A_471, %get3A_472] {strides = array<i32>} : memref<2x80xf32, #tpu.memory_space<vmem>>, vector<16xf32>,
      %mul3A_474 = arith.mulf %get3A_469, %get3A_473 : vector<16xf32>
      %broadcast_in_dim3A_475 = arith.constant 0 : i32
      %broadcast_in_dim3A_476 = vector.broadcast %broadcast_in_dim3A_475 : i32 to vector<16xi32>
      tpu.vector_store_idx %arg15[%add3A_465, %broadcast_in_dim3A_476], %mul3A_474 : memref<80x16xf32, #tpu.memory_space<vmem>>[vector<16xi32>, vector<16xi32>], vector<16xf32>,
      %get3A_477 = arith.constant 0 : i32
      %get3A_478 = arith.index_cast %get3A_477 : i32 to index
      %get3A_479 = arith.constant 32 : index
      %get3A_480 = tpu.vector_load %arg12[%get3A_478, %get3A_479] {strides = array<i32>} : memref<2x80xf32, #tpu.memory_space<vmem>>, vector<16xf32>,
      %mul3A_481 = arith.mulf %get3A_469, %get3A_480 : vector<16xf32>
      %broadcast_in_dim3A_482 = arith.constant 1 : i32
      %broadcast_in_dim3A_483 = vector.broadcast %broadcast_in_dim3A_482 : i32 to vector<16xi32>
      tpu.vector_store_idx %arg15[%add3A_465, %broadcast_in_dim3A_483], %mul3A_481 : memref<80x16xf32, #tpu.memory_space<vmem>>[vector<16xi32>, vector<16xi32>], vector<16xf32>,
      %get3A_484 = arith.constant 0 : i32
      %get3A_485 = arith.index_cast %get3A_484 : i32 to index
      %get3A_486 = arith.constant 32 : index
      %get3A_487 = tpu.vector_load %arg13[%get3A_485, %get3A_486] {strides = array<i32>} : memref<2x80xf32, #tpu.memory_space<vmem>>, vector<16xf32>,
      %mul3A_488 = arith.mulf %get3A_469, %get3A_487 : vector<16xf32>
      %broadcast_in_dim3A_489 = arith.constant 2 : i32
      %broadcast_in_dim3A_490 = vector.broadcast %broadcast_in_dim3A_489 : i32 to vector<16xi32>
      tpu.vector_store_idx %arg15[%add3A_465, %broadcast_in_dim3A_490], %mul3A_488 : memref<80x16xf32, #tpu.memory_space<vmem>>[vector<16xi32>, vector<16xi32>], vector<16xf32>,
      %add3A_491 = arith.constant 48 : i32
      %add3A_492 = vector.broadcast %add3A_491 : i32 to vector<16xi32>
      %add3A_493 = arith.addi %iota3A, %add3A_492 : vector<16xi32>
      %get3A_494 = arith.constant 0 : i32
      %get3A_495 = arith.index_cast %get3A_494 : i32 to index
      %get3A_496 = arith.constant 48 : index
      %get3A_497 = tpu.vector_load %arg10[%get3A_495, %get3A_496] {strides = array<i32>} : memref<2x80xf32, #tpu.memory_space<vmem>>, vector<16xf32>,
      %get3A_498 = arith.constant 0 : i32
      %get3A_499 = arith.index_cast %get3A_498 : i32 to index
      %get3A_500 = arith.constant 48 : index
      %get3A_501 = tpu.vector_load %arg11[%get3A_499, %get3A_500] {strides = array<i32>} : memref<2x80xf32, #tpu.memory_space<vmem>>, vector<16xf32>,
      %mul3A_502 = arith.mulf %get3A_497, %get3A_501 : vector<16xf32>
      %broadcast_in_dim3A_503 = arith.constant 0 : i32
      %broadcast_in_dim3A_504 = vector.broadcast %broadcast_in_dim3A_503 : i32 to vector<16xi32>
      tpu.vector_store_idx %arg15[%add3A_493, %broadcast_in_dim3A_504], %mul3A_502 : memref<80x16xf32, #tpu.memory_space<vmem>>[vector<16xi32>, vector<16xi32>], vector<16xf32>,
      %get3A_505 = arith.constant 0 : i32
      %get3A_506 = arith.index_cast %get3A_505 : i32 to index
      %get3A_507 = arith.constant 48 : index
      %get3A_508 = tpu.vector_load %arg12[%get3A_506, %get3A_507] {strides = array<i32>} : memref<2x80xf32, #tpu.memory_space<vmem>>, vector<16xf32>,
      %mul3A_509 = arith.mulf %get3A_497, %get3A_508 : vector<16xf32>
      %broadcast_in_dim3A_510 = arith.constant 1 : i32
      %broadcast_in_dim3A_511 = vector.broadcast %broadcast_in_dim3A_510 : i32 to vector<16xi32>
      tpu.vector_store_idx %arg15[%add3A_493, %broadcast_in_dim3A_511], %mul3A_509 : memref<80x16xf32, #tpu.memory_space<vmem>>[vector<16xi32>, vector<16xi32>], vector<16xf32>,
      %get3A_512 = arith.constant 0 : i32
      %get3A_513 = arith.index_cast %get3A_512 : i32 to index
      %get3A_514 = arith.constant 48 : index
      %get3A_515 = tpu.vector_load %arg13[%get3A_513, %get3A_514] {strides = array<i32>} : memref<2x80xf32, #tpu.memory_space<vmem>>, vector<16xf32>,
      %mul3A_516 = arith.mulf %get3A_497, %get3A_515 : vector<16xf32>
      %broadcast_in_dim3A_517 = arith.constant 2 : i32
      %broadcast_in_dim3A_518 = vector.broadcast %broadcast_in_dim3A_517 : i32 to vector<16xi32>
      tpu.vector_store_idx %arg15[%add3A_493, %broadcast_in_dim3A_518], %mul3A_516 : memref<80x16xf32, #tpu.memory_space<vmem>>[vector<16xi32>, vector<16xi32>], vector<16xf32>,
      %add3A_519 = arith.constant 64 : i32
      %add3A_520 = vector.broadcast %add3A_519 : i32 to vector<16xi32>
      %add3A_521 = arith.addi %iota3A, %add3A_520 : vector<16xi32>
      %get3A_522 = arith.constant 0 : i32
      %get3A_523 = arith.index_cast %get3A_522 : i32 to index
      %get3A_524 = arith.constant 64 : index
      %get3A_525 = tpu.vector_load %arg10[%get3A_523, %get3A_524] {strides = array<i32>} : memref<2x80xf32, #tpu.memory_space<vmem>>, vector<16xf32>,
      %get3A_526 = arith.constant 0 : i32
      %get3A_527 = arith.index_cast %get3A_526 : i32 to index
      %get3A_528 = arith.constant 64 : index
      %get3A_529 = tpu.vector_load %arg11[%get3A_527, %get3A_528] {strides = array<i32>} : memref<2x80xf32, #tpu.memory_space<vmem>>, vector<16xf32>,
      %mul3A_530 = arith.mulf %get3A_525, %get3A_529 : vector<16xf32>
      %broadcast_in_dim3A_531 = arith.constant 0 : i32
      %broadcast_in_dim3A_532 = vector.broadcast %broadcast_in_dim3A_531 : i32 to vector<16xi32>
      tpu.vector_store_idx %arg15[%add3A_521, %broadcast_in_dim3A_532], %mul3A_530 : memref<80x16xf32, #tpu.memory_space<vmem>>[vector<16xi32>, vector<16xi32>], vector<16xf32>,
      %get3A_533 = arith.constant 0 : i32
      %get3A_534 = arith.index_cast %get3A_533 : i32 to index
      %get3A_535 = arith.constant 64 : index
      %get3A_536 = tpu.vector_load %arg12[%get3A_534, %get3A_535] {strides = array<i32>} : memref<2x80xf32, #tpu.memory_space<vmem>>, vector<16xf32>,
      %mul3A_537 = arith.mulf %get3A_525, %get3A_536 : vector<16xf32>
      %broadcast_in_dim3A_538 = arith.constant 1 : i32
      %broadcast_in_dim3A_539 = vector.broadcast %broadcast_in_dim3A_538 : i32 to vector<16xi32>
      tpu.vector_store_idx %arg15[%add3A_521, %broadcast_in_dim3A_539], %mul3A_537 : memref<80x16xf32, #tpu.memory_space<vmem>>[vector<16xi32>, vector<16xi32>], vector<16xf32>,
      %get3A_540 = arith.constant 0 : i32
      %get3A_541 = arith.index_cast %get3A_540 : i32 to index
      %get3A_542 = arith.constant 64 : index
      %get3A_543 = tpu.vector_load %arg13[%get3A_541, %get3A_542] {strides = array<i32>} : memref<2x80xf32, #tpu.memory_space<vmem>>, vector<16xf32>,
      %mul3A_544 = arith.mulf %get3A_525, %get3A_543 : vector<16xf32>
      %broadcast_in_dim3A_545 = arith.constant 2 : i32
      %broadcast_in_dim3A_546 = vector.broadcast %broadcast_in_dim3A_545 : i32 to vector<16xi32>
      tpu.vector_store_idx %arg15[%add3A_521, %broadcast_in_dim3A_546], %mul3A_544 : memref<80x16xf32, #tpu.memory_space<vmem>>[vector<16xi32>, vector<16xi32>], vector<16xf32>,
      %run_scoped3A_547 = arith.constant 0 : i32
      "tpu.region"() ({
        %run_scoped3A_818 = tpu.sem_alloc : memref<!tpu.dma_semaphore, #tpu.memory_space<semaphore_mem>>
        %dma_start3A_819 = arith.constant 0 : i32
        %dma_start3A_820 = tpu.memref_slice %arg14[%run_scoped3A_547, %dma_start3A_819] : memref<2x80xi32, #tpu.memory_space<vmem>> -> memref<1x80xi32, #tpu.memory_space<vmem>>
        %dma_start3A_821 = tpu.memref_squeeze %dma_start3A_820 : memref<1x80xi32, #tpu.memory_space<vmem>> -> memref<80xi32, #tpu.memory_space<vmem>>
        %dma_start3A_822 = arith.constant 0 : i32
        %dma_start3A_823 = arith.constant 0 : i32
        %dma_start3A_824 = tpu.memref_slice %arg16[%dma_start3A_822, %dma_start3A_823] : memref<10240x16xf32, #tpu.memory_space<vmem_shared>> -> memref<10240x16xf32, #tpu.memory_space<vmem_shared>>
        tpu.enqueue_indirect_dma source(%arg15 : memref<80x16xf32, #tpu.memory_space<vmem>>) target(%dma_start3A_824 : memref<10240x16xf32, #tpu.memory_space<vmem_shared>>) offsets(%dma_start3A_821 : memref<80xi32, #tpu.memory_space<vmem>>) semaphore(%run_scoped3A_818 : memref<!tpu.dma_semaphore, #tpu.memory_space<semaphore_mem>>) {add = true}
        %dma_wait3A_825 = arith.constant 0 : i32
        %dma_wait3A_826 = tpu.memref_slice %arg14[%run_scoped3A_547, %dma_wait3A_825] : memref<2x80xi32, #tpu.memory_space<vmem>> -> memref<1x80xi32, #tpu.memory_space<vmem>>
        %dma_wait3A_827 = tpu.memref_squeeze %dma_wait3A_826 : memref<1x80xi32, #tpu.memory_space<vmem>> -> memref<80xi32, #tpu.memory_space<vmem>>
        %dma_wait3A_828 = arith.constant 0 : i32
        %dma_wait3A_829 = arith.constant 0 : i32
        %dma_wait3A_830 = tpu.memref_slice %arg16[%dma_wait3A_828, %dma_wait3A_829] : memref<10240x16xf32, #tpu.memory_space<vmem_shared>> -> memref<10240x16xf32, #tpu.memory_space<vmem_shared>>
        tpu.wait_indirect_dma semaphore(%run_scoped3A_818 : memref<!tpu.dma_semaphore, #tpu.memory_space<semaphore_mem>>) src(%arg15 : memref<80x16xf32, #tpu.memory_space<vmem>>) dst(%dma_wait3A_830 : memref<10240x16xf32, #tpu.memory_space<vmem_shared>>)
        tpu.yield
      }) : () -> ()
      %mul3A_548 = arith.constant 2 : i32
      %mul3A_549 = arith.muli %mul3A_548, %add3A_279 : i32
      %add3A_550 = arith.constant 1 : i32
      %add3A_551 = arith.addi %mul3A_549, %add3A_550 : i32
      %dma_wait3A_552 = arith.constant 1 : i32
      %dma_wait3A_553 = arith.constant 1 : i32
      %dma_wait3A_554 = arith.constant 0 : i32
      %dma_wait3A_555 = tpu.memref_slice %arg14[%dma_wait3A_552, %dma_wait3A_554] : memref<2x80xi32, #tpu.memory_space<vmem>> -> memref<1x80xi32, #tpu.memory_space<vmem>>
      %dma_wait3A_556 = tpu.memref_squeeze %dma_wait3A_555 : memref<1x80xi32, #tpu.memory_space<vmem>> -> memref<80xi32, #tpu.memory_space<vmem>>
      %dma_wait3A_557 = tpu.memref_slice %arg3[%mul3A_4] : memref<320000xi32, #tpu.memory_space<hbm>> -> memref<80xi32, #tpu.memory_space<hbm>>
      %dma_wait3A_558 = tpu.memref_slice %arg17[%dma_wait3A_553] : memref<2x!tpu.dma_semaphore, #tpu.memory_space<semaphore_mem>> -> memref<1x!tpu.dma_semaphore, #tpu.memory_space<semaphore_mem>>
      %dma_wait3A_559 = tpu.memref_squeeze %dma_wait3A_558 : memref<1x!tpu.dma_semaphore, #tpu.memory_space<semaphore_mem>> -> memref<!tpu.dma_semaphore, #tpu.memory_space<semaphore_mem>>
      %dma_wait3A_560 = arith.constant 0 : i32
      %dma_wait3A_561 = tpu.memref_slice %arg14[%dma_wait3A_552, %dma_wait3A_560] : memref<2x80xi32, #tpu.memory_space<vmem>> -> memref<1x80xi32, #tpu.memory_space<vmem>>
      %dma_wait3A_562 = tpu.memref_squeeze %dma_wait3A_561 : memref<1x80xi32, #tpu.memory_space<vmem>> -> memref<80xi32, #tpu.memory_space<vmem>>
      %dma_wait3A_563 = tpu.memref_slice %arg3[%mul3A_4] : memref<320000xi32, #tpu.memory_space<hbm>> -> memref<80xi32, #tpu.memory_space<hbm>>
      tpu.wait_dma2 semaphore(%dma_wait3A_559 : memref<!tpu.dma_semaphore, #tpu.memory_space<semaphore_mem>>) src(%dma_wait3A_563 : memref<80xi32, #tpu.memory_space<hbm>>) dst(%dma_wait3A_562 : memref<80xi32, #tpu.memory_space<vmem>>)
      %dma_wait3A_564 = arith.constant 1 : i32
      %dma_wait3A_565 = arith.constant 1 : i32
      %dma_wait3A_566 = arith.constant 0 : i32
      %dma_wait3A_567 = tpu.memref_slice %arg10[%dma_wait3A_564, %dma_wait3A_566] : memref<2x80xf32, #tpu.memory_space<vmem>> -> memref<1x80xf32, #tpu.memory_space<vmem>>
      %dma_wait3A_568 = tpu.memref_squeeze %dma_wait3A_567 : memref<1x80xf32, #tpu.memory_space<vmem>> -> memref<80xf32, #tpu.memory_space<vmem>>
      %dma_wait3A_569 = tpu.memref_slice %arg2[%mul3A_4] : memref<320000xf32, #tpu.memory_space<hbm>> -> memref<80xf32, #tpu.memory_space<hbm>>
      %dma_wait3A_570 = tpu.memref_slice %arg18[%dma_wait3A_565] : memref<2x!tpu.dma_semaphore, #tpu.memory_space<semaphore_mem>> -> memref<1x!tpu.dma_semaphore, #tpu.memory_space<semaphore_mem>>
      %dma_wait3A_571 = tpu.memref_squeeze %dma_wait3A_570 : memref<1x!tpu.dma_semaphore, #tpu.memory_space<semaphore_mem>> -> memref<!tpu.dma_semaphore, #tpu.memory_space<semaphore_mem>>
      %dma_wait3A_572 = arith.constant 0 : i32
      %dma_wait3A_573 = tpu.memref_slice %arg10[%dma_wait3A_564, %dma_wait3A_572] : memref<2x80xf32, #tpu.memory_space<vmem>> -> memref<1x80xf32, #tpu.memory_space<vmem>>
      %dma_wait3A_574 = tpu.memref_squeeze %dma_wait3A_573 : memref<1x80xf32, #tpu.memory_space<vmem>> -> memref<80xf32, #tpu.memory_space<vmem>>
      %dma_wait3A_575 = tpu.memref_slice %arg2[%mul3A_4] : memref<320000xf32, #tpu.memory_space<hbm>> -> memref<80xf32, #tpu.memory_space<hbm>>
      tpu.wait_dma2 semaphore(%dma_wait3A_571 : memref<!tpu.dma_semaphore, #tpu.memory_space<semaphore_mem>>) src(%dma_wait3A_575 : memref<80xf32, #tpu.memory_space<hbm>>) dst(%dma_wait3A_574 : memref<80xf32, #tpu.memory_space<vmem>>)
      %dma_wait3A_576 = arith.constant 1 : i32
      %dma_wait3A_577 = arith.constant 1 : i32
      %dma_wait3A_578 = arith.constant 0 : i32
      %dma_wait3A_579 = tpu.memref_slice %arg11[%dma_wait3A_576, %dma_wait3A_578] : memref<2x80xf32, #tpu.memory_space<vmem>> -> memref<1x80xf32, #tpu.memory_space<vmem>>
      %dma_wait3A_580 = tpu.memref_squeeze %dma_wait3A_579 : memref<1x80xf32, #tpu.memory_space<vmem>> -> memref<80xf32, #tpu.memory_space<vmem>>
      %dma_wait3A_581 = tpu.memref_slice %arg4[%mul3A_4] : memref<320000xf32, #tpu.memory_space<hbm>> -> memref<80xf32, #tpu.memory_space<hbm>>
      %dma_wait3A_582 = tpu.memref_slice %arg18[%dma_wait3A_577] : memref<2x!tpu.dma_semaphore, #tpu.memory_space<semaphore_mem>> -> memref<1x!tpu.dma_semaphore, #tpu.memory_space<semaphore_mem>>
      %dma_wait3A_583 = tpu.memref_squeeze %dma_wait3A_582 : memref<1x!tpu.dma_semaphore, #tpu.memory_space<semaphore_mem>> -> memref<!tpu.dma_semaphore, #tpu.memory_space<semaphore_mem>>
      %dma_wait3A_584 = arith.constant 0 : i32
      %dma_wait3A_585 = tpu.memref_slice %arg11[%dma_wait3A_576, %dma_wait3A_584] : memref<2x80xf32, #tpu.memory_space<vmem>> -> memref<1x80xf32, #tpu.memory_space<vmem>>
      %dma_wait3A_586 = tpu.memref_squeeze %dma_wait3A_585 : memref<1x80xf32, #tpu.memory_space<vmem>> -> memref<80xf32, #tpu.memory_space<vmem>>
      %dma_wait3A_587 = tpu.memref_slice %arg4[%mul3A_4] : memref<320000xf32, #tpu.memory_space<hbm>> -> memref<80xf32, #tpu.memory_space<hbm>>
      tpu.wait_dma2 semaphore(%dma_wait3A_583 : memref<!tpu.dma_semaphore, #tpu.memory_space<semaphore_mem>>) src(%dma_wait3A_587 : memref<80xf32, #tpu.memory_space<hbm>>) dst(%dma_wait3A_586 : memref<80xf32, #tpu.memory_space<vmem>>)
      %dma_wait3A_588 = arith.constant 1 : i32
      %dma_wait3A_589 = arith.constant 1 : i32
      %dma_wait3A_590 = arith.constant 0 : i32
      %dma_wait3A_591 = tpu.memref_slice %arg12[%dma_wait3A_588, %dma_wait3A_590] : memref<2x80xf32, #tpu.memory_space<vmem>> -> memref<1x80xf32, #tpu.memory_space<vmem>>
      %dma_wait3A_592 = tpu.memref_squeeze %dma_wait3A_591 : memref<1x80xf32, #tpu.memory_space<vmem>> -> memref<80xf32, #tpu.memory_space<vmem>>
      %dma_wait3A_593 = tpu.memref_slice %arg5[%mul3A_4] : memref<320000xf32, #tpu.memory_space<hbm>> -> memref<80xf32, #tpu.memory_space<hbm>>
      %dma_wait3A_594 = tpu.memref_slice %arg18[%dma_wait3A_589] : memref<2x!tpu.dma_semaphore, #tpu.memory_space<semaphore_mem>> -> memref<1x!tpu.dma_semaphore, #tpu.memory_space<semaphore_mem>>
      %dma_wait3A_595 = tpu.memref_squeeze %dma_wait3A_594 : memref<1x!tpu.dma_semaphore, #tpu.memory_space<semaphore_mem>> -> memref<!tpu.dma_semaphore, #tpu.memory_space<semaphore_mem>>
      %dma_wait3A_596 = arith.constant 0 : i32
      %dma_wait3A_597 = tpu.memref_slice %arg12[%dma_wait3A_588, %dma_wait3A_596] : memref<2x80xf32, #tpu.memory_space<vmem>> -> memref<1x80xf32, #tpu.memory_space<vmem>>
      %dma_wait3A_598 = tpu.memref_squeeze %dma_wait3A_597 : memref<1x80xf32, #tpu.memory_space<vmem>> -> memref<80xf32, #tpu.memory_space<vmem>>
      %dma_wait3A_599 = tpu.memref_slice %arg5[%mul3A_4] : memref<320000xf32, #tpu.memory_space<hbm>> -> memref<80xf32, #tpu.memory_space<hbm>>
      tpu.wait_dma2 semaphore(%dma_wait3A_595 : memref<!tpu.dma_semaphore, #tpu.memory_space<semaphore_mem>>) src(%dma_wait3A_599 : memref<80xf32, #tpu.memory_space<hbm>>) dst(%dma_wait3A_598 : memref<80xf32, #tpu.memory_space<vmem>>)
      %dma_wait3A_600 = arith.constant 1 : i32
      %dma_wait3A_601 = arith.constant 1 : i32
      %dma_wait3A_602 = arith.constant 0 : i32
      %dma_wait3A_603 = tpu.memref_slice %arg13[%dma_wait3A_600, %dma_wait3A_602] : memref<2x80xf32, #tpu.memory_space<vmem>> -> memref<1x80xf32, #tpu.memory_space<vmem>>
      %dma_wait3A_604 = tpu.memref_squeeze %dma_wait3A_603 : memref<1x80xf32, #tpu.memory_space<vmem>> -> memref<80xf32, #tpu.memory_space<vmem>>
      %dma_wait3A_605 = tpu.memref_slice %arg6[%mul3A_4] : memref<320000xf32, #tpu.memory_space<hbm>> -> memref<80xf32, #tpu.memory_space<hbm>>
      %dma_wait3A_606 = tpu.memref_slice %arg18[%dma_wait3A_601] : memref<2x!tpu.dma_semaphore, #tpu.memory_space<semaphore_mem>> -> memref<1x!tpu.dma_semaphore, #tpu.memory_space<semaphore_mem>>
      %dma_wait3A_607 = tpu.memref_squeeze %dma_wait3A_606 : memref<1x!tpu.dma_semaphore, #tpu.memory_space<semaphore_mem>> -> memref<!tpu.dma_semaphore, #tpu.memory_space<semaphore_mem>>
      %dma_wait3A_608 = arith.constant 0 : i32
      %dma_wait3A_609 = tpu.memref_slice %arg13[%dma_wait3A_600, %dma_wait3A_608] : memref<2x80xf32, #tpu.memory_space<vmem>> -> memref<1x80xf32, #tpu.memory_space<vmem>>
      %dma_wait3A_610 = tpu.memref_squeeze %dma_wait3A_609 : memref<1x80xf32, #tpu.memory_space<vmem>> -> memref<80xf32, #tpu.memory_space<vmem>>
      %dma_wait3A_611 = tpu.memref_slice %arg6[%mul3A_4] : memref<320000xf32, #tpu.memory_space<hbm>> -> memref<80xf32, #tpu.memory_space<hbm>>
      tpu.wait_dma2 semaphore(%dma_wait3A_607 : memref<!tpu.dma_semaphore, #tpu.memory_space<semaphore_mem>>) src(%dma_wait3A_611 : memref<80xf32, #tpu.memory_space<hbm>>) dst(%dma_wait3A_610 : memref<80xf32, #tpu.memory_space<vmem>>)
      %add3A_612 = arith.constant 1 : i32
      %add3A_613 = arith.addi %add3A_551, %add3A_612 : i32
      %mul3A_614 = arith.constant 80 : i32
      %mul3A_615 = arith.muli %add3A_613, %mul3A_614 : i32
      %add3A_616 = arith.addi %mul3A_4, %mul3A_615 : i32
      %dma_start3A_617 = arith.constant 0 : i32
      %dma_start3A_618 = arith.constant 0 : i32
      %dma_start3A_619 = arith.constant 0 : i32
      %dma_start3A_620 = tpu.memref_slice %arg14[%dma_start3A_617, %dma_start3A_619] : memref<2x80xi32, #tpu.memory_space<vmem>> -> memref<1x80xi32, #tpu.memory_space<vmem>>
      %dma_start3A_621 = tpu.memref_squeeze %dma_start3A_620 : memref<1x80xi32, #tpu.memory_space<vmem>> -> memref<80xi32, #tpu.memory_space<vmem>>
      %dma_start3A_622 = tpu.memref_slice %arg3[%add3A_616] : memref<320000xi32, #tpu.memory_space<hbm>> -> memref<80xi32, #tpu.memory_space<hbm>>
      %dma_start3A_623 = tpu.memref_slice %arg17[%dma_start3A_618] : memref<2x!tpu.dma_semaphore, #tpu.memory_space<semaphore_mem>> -> memref<1x!tpu.dma_semaphore, #tpu.memory_space<semaphore_mem>>
      %dma_start3A_624 = tpu.memref_squeeze %dma_start3A_623 : memref<1x!tpu.dma_semaphore, #tpu.memory_space<semaphore_mem>> -> memref<!tpu.dma_semaphore, #tpu.memory_space<semaphore_mem>>
      %dma_start3A_625 = arith.constant 0 : i32
      %dma_start3A_626 = tpu.memref_slice %arg14[%dma_start3A_617, %dma_start3A_625] : memref<2x80xi32, #tpu.memory_space<vmem>> -> memref<1x80xi32, #tpu.memory_space<vmem>>
      %dma_start3A_627 = tpu.memref_squeeze %dma_start3A_626 : memref<1x80xi32, #tpu.memory_space<vmem>> -> memref<80xi32, #tpu.memory_space<vmem>>
      %dma_start3A_628 = tpu.memref_slice %arg3[%add3A_616] : memref<320000xi32, #tpu.memory_space<hbm>> -> memref<80xi32, #tpu.memory_space<hbm>>
      tpu.enqueue_dma source(%dma_start3A_628 : memref<80xi32, #tpu.memory_space<hbm>>) target(%dma_start3A_627 : memref<80xi32, #tpu.memory_space<vmem>>) target_semaphore(%dma_start3A_624 : memref<!tpu.dma_semaphore, #tpu.memory_space<semaphore_mem>>)
      %dma_start3A_629 = arith.constant 0 : i32
      %dma_start3A_630 = arith.constant 0 : i32
      %dma_start3A_631 = arith.constant 0 : i32
      %dma_start3A_632 = tpu.memref_slice %arg10[%dma_start3A_629, %dma_start3A_631] : memref<2x80xf32, #tpu.memory_space<vmem>> -> memref<1x80xf32, #tpu.memory_space<vmem>>
      %dma_start3A_633 = tpu.memref_squeeze %dma_start3A_632 : memref<1x80xf32, #tpu.memory_space<vmem>> -> memref<80xf32, #tpu.memory_space<vmem>>
      %dma_start3A_634 = tpu.memref_slice %arg2[%add3A_616] : memref<320000xf32, #tpu.memory_space<hbm>> -> memref<80xf32, #tpu.memory_space<hbm>>
      %dma_start3A_635 = tpu.memref_slice %arg18[%dma_start3A_630] : memref<2x!tpu.dma_semaphore, #tpu.memory_space<semaphore_mem>> -> memref<1x!tpu.dma_semaphore, #tpu.memory_space<semaphore_mem>>
      %dma_start3A_636 = tpu.memref_squeeze %dma_start3A_635 : memref<1x!tpu.dma_semaphore, #tpu.memory_space<semaphore_mem>> -> memref<!tpu.dma_semaphore, #tpu.memory_space<semaphore_mem>>
      %dma_start3A_637 = arith.constant 0 : i32
      %dma_start3A_638 = tpu.memref_slice %arg10[%dma_start3A_629, %dma_start3A_637] : memref<2x80xf32, #tpu.memory_space<vmem>> -> memref<1x80xf32, #tpu.memory_space<vmem>>
      %dma_start3A_639 = tpu.memref_squeeze %dma_start3A_638 : memref<1x80xf32, #tpu.memory_space<vmem>> -> memref<80xf32, #tpu.memory_space<vmem>>
      %dma_start3A_640 = tpu.memref_slice %arg2[%add3A_616] : memref<320000xf32, #tpu.memory_space<hbm>> -> memref<80xf32, #tpu.memory_space<hbm>>
      tpu.enqueue_dma source(%dma_start3A_640 : memref<80xf32, #tpu.memory_space<hbm>>) target(%dma_start3A_639 : memref<80xf32, #tpu.memory_space<vmem>>) target_semaphore(%dma_start3A_636 : memref<!tpu.dma_semaphore, #tpu.memory_space<semaphore_mem>>)
      %dma_start3A_641 = arith.constant 0 : i32
      %dma_start3A_642 = arith.constant 0 : i32
      %dma_start3A_643 = arith.constant 0 : i32
      %dma_start3A_644 = tpu.memref_slice %arg11[%dma_start3A_641, %dma_start3A_643] : memref<2x80xf32, #tpu.memory_space<vmem>> -> memref<1x80xf32, #tpu.memory_space<vmem>>
      %dma_start3A_645 = tpu.memref_squeeze %dma_start3A_644 : memref<1x80xf32, #tpu.memory_space<vmem>> -> memref<80xf32, #tpu.memory_space<vmem>>
      %dma_start3A_646 = tpu.memref_slice %arg4[%add3A_616] : memref<320000xf32, #tpu.memory_space<hbm>> -> memref<80xf32, #tpu.memory_space<hbm>>
      %dma_start3A_647 = tpu.memref_slice %arg18[%dma_start3A_642] : memref<2x!tpu.dma_semaphore, #tpu.memory_space<semaphore_mem>> -> memref<1x!tpu.dma_semaphore, #tpu.memory_space<semaphore_mem>>
      %dma_start3A_648 = tpu.memref_squeeze %dma_start3A_647 : memref<1x!tpu.dma_semaphore, #tpu.memory_space<semaphore_mem>> -> memref<!tpu.dma_semaphore, #tpu.memory_space<semaphore_mem>>
      %dma_start3A_649 = arith.constant 0 : i32
      %dma_start3A_650 = tpu.memref_slice %arg11[%dma_start3A_641, %dma_start3A_649] : memref<2x80xf32, #tpu.memory_space<vmem>> -> memref<1x80xf32, #tpu.memory_space<vmem>>
      %dma_start3A_651 = tpu.memref_squeeze %dma_start3A_650 : memref<1x80xf32, #tpu.memory_space<vmem>> -> memref<80xf32, #tpu.memory_space<vmem>>
      %dma_start3A_652 = tpu.memref_slice %arg4[%add3A_616] : memref<320000xf32, #tpu.memory_space<hbm>> -> memref<80xf32, #tpu.memory_space<hbm>>
      tpu.enqueue_dma source(%dma_start3A_652 : memref<80xf32, #tpu.memory_space<hbm>>) target(%dma_start3A_651 : memref<80xf32, #tpu.memory_space<vmem>>) target_semaphore(%dma_start3A_648 : memref<!tpu.dma_semaphore, #tpu.memory_space<semaphore_mem>>)
      %dma_start3A_653 = arith.constant 0 : i32
      %dma_start3A_654 = arith.constant 0 : i32
      %dma_start3A_655 = arith.constant 0 : i32
      %dma_start3A_656 = tpu.memref_slice %arg12[%dma_start3A_653, %dma_start3A_655] : memref<2x80xf32, #tpu.memory_space<vmem>> -> memref<1x80xf32, #tpu.memory_space<vmem>>
      %dma_start3A_657 = tpu.memref_squeeze %dma_start3A_656 : memref<1x80xf32, #tpu.memory_space<vmem>> -> memref<80xf32, #tpu.memory_space<vmem>>
      %dma_start3A_658 = tpu.memref_slice %arg5[%add3A_616] : memref<320000xf32, #tpu.memory_space<hbm>> -> memref<80xf32, #tpu.memory_space<hbm>>
      %dma_start3A_659 = tpu.memref_slice %arg18[%dma_start3A_654] : memref<2x!tpu.dma_semaphore, #tpu.memory_space<semaphore_mem>> -> memref<1x!tpu.dma_semaphore, #tpu.memory_space<semaphore_mem>>
      %dma_start3A_660 = tpu.memref_squeeze %dma_start3A_659 : memref<1x!tpu.dma_semaphore, #tpu.memory_space<semaphore_mem>> -> memref<!tpu.dma_semaphore, #tpu.memory_space<semaphore_mem>>
      %dma_start3A_661 = arith.constant 0 : i32
      %dma_start3A_662 = tpu.memref_slice %arg12[%dma_start3A_653, %dma_start3A_661] : memref<2x80xf32, #tpu.memory_space<vmem>> -> memref<1x80xf32, #tpu.memory_space<vmem>>
      %dma_start3A_663 = tpu.memref_squeeze %dma_start3A_662 : memref<1x80xf32, #tpu.memory_space<vmem>> -> memref<80xf32, #tpu.memory_space<vmem>>
      %dma_start3A_664 = tpu.memref_slice %arg5[%add3A_616] : memref<320000xf32, #tpu.memory_space<hbm>> -> memref<80xf32, #tpu.memory_space<hbm>>
      tpu.enqueue_dma source(%dma_start3A_664 : memref<80xf32, #tpu.memory_space<hbm>>) target(%dma_start3A_663 : memref<80xf32, #tpu.memory_space<vmem>>) target_semaphore(%dma_start3A_660 : memref<!tpu.dma_semaphore, #tpu.memory_space<semaphore_mem>>)
      %dma_start3A_665 = arith.constant 0 : i32
      %dma_start3A_666 = arith.constant 0 : i32
      %dma_start3A_667 = arith.constant 0 : i32
      %dma_start3A_668 = tpu.memref_slice %arg13[%dma_start3A_665, %dma_start3A_667] : memref<2x80xf32, #tpu.memory_space<vmem>> -> memref<1x80xf32, #tpu.memory_space<vmem>>
      %dma_start3A_669 = tpu.memref_squeeze %dma_start3A_668 : memref<1x80xf32, #tpu.memory_space<vmem>> -> memref<80xf32, #tpu.memory_space<vmem>>
      %dma_start3A_670 = tpu.memref_slice %arg6[%add3A_616] : memref<320000xf32, #tpu.memory_space<hbm>> -> memref<80xf32, #tpu.memory_space<hbm>>
      %dma_start3A_671 = tpu.memref_slice %arg18[%dma_start3A_666] : memref<2x!tpu.dma_semaphore, #tpu.memory_space<semaphore_mem>> -> memref<1x!tpu.dma_semaphore, #tpu.memory_space<semaphore_mem>>
      %dma_start3A_672 = tpu.memref_squeeze %dma_start3A_671 : memref<1x!tpu.dma_semaphore, #tpu.memory_space<semaphore_mem>> -> memref<!tpu.dma_semaphore, #tpu.memory_space<semaphore_mem>>
      %dma_start3A_673 = arith.constant 0 : i32
      %dma_start3A_674 = tpu.memref_slice %arg13[%dma_start3A_665, %dma_start3A_673] : memref<2x80xf32, #tpu.memory_space<vmem>> -> memref<1x80xf32, #tpu.memory_space<vmem>>
      %dma_start3A_675 = tpu.memref_squeeze %dma_start3A_674 : memref<1x80xf32, #tpu.memory_space<vmem>> -> memref<80xf32, #tpu.memory_space<vmem>>
      %dma_start3A_676 = tpu.memref_slice %arg6[%add3A_616] : memref<320000xf32, #tpu.memory_space<hbm>> -> memref<80xf32, #tpu.memory_space<hbm>>
      tpu.enqueue_dma source(%dma_start3A_676 : memref<80xf32, #tpu.memory_space<hbm>>) target(%dma_start3A_675 : memref<80xf32, #tpu.memory_space<vmem>>) target_semaphore(%dma_start3A_672 : memref<!tpu.dma_semaphore, #tpu.memory_space<semaphore_mem>>)
      %add3A_677 = arith.constant 0 : i32
      %add3A_678 = vector.broadcast %add3A_677 : i32 to vector<16xi32>
      %add3A_679 = arith.addi %iota3A, %add3A_678 : vector<16xi32>
      %get3A_680 = arith.constant 1 : i32
      %get3A_681 = arith.index_cast %get3A_680 : i32 to index
      %get3A_682 = arith.constant 0 : index
      %get3A_683 = tpu.vector_load %arg10[%get3A_681, %get3A_682] {strides = array<i32>} : memref<2x80xf32, #tpu.memory_space<vmem>>, vector<16xf32>,
      %get3A_684 = arith.constant 1 : i32
      %get3A_685 = arith.index_cast %get3A_684 : i32 to index
      %get3A_686 = arith.constant 0 : index
      %get3A_687 = tpu.vector_load %arg11[%get3A_685, %get3A_686] {strides = array<i32>} : memref<2x80xf32, #tpu.memory_space<vmem>>, vector<16xf32>,
      %mul3A_688 = arith.mulf %get3A_683, %get3A_687 : vector<16xf32>
      %broadcast_in_dim3A_689 = arith.constant 0 : i32
      %broadcast_in_dim3A_690 = vector.broadcast %broadcast_in_dim3A_689 : i32 to vector<16xi32>
      tpu.vector_store_idx %arg15[%add3A_679, %broadcast_in_dim3A_690], %mul3A_688 : memref<80x16xf32, #tpu.memory_space<vmem>>[vector<16xi32>, vector<16xi32>], vector<16xf32>,
      %get3A_691 = arith.constant 1 : i32
      %get3A_692 = arith.index_cast %get3A_691 : i32 to index
      %get3A_693 = arith.constant 0 : index
      %get3A_694 = tpu.vector_load %arg12[%get3A_692, %get3A_693] {strides = array<i32>} : memref<2x80xf32, #tpu.memory_space<vmem>>, vector<16xf32>,
      %mul3A_695 = arith.mulf %get3A_683, %get3A_694 : vector<16xf32>
      %broadcast_in_dim3A_696 = arith.constant 1 : i32
      %broadcast_in_dim3A_697 = vector.broadcast %broadcast_in_dim3A_696 : i32 to vector<16xi32>
      tpu.vector_store_idx %arg15[%add3A_679, %broadcast_in_dim3A_697], %mul3A_695 : memref<80x16xf32, #tpu.memory_space<vmem>>[vector<16xi32>, vector<16xi32>], vector<16xf32>,
      %get3A_698 = arith.constant 1 : i32
      %get3A_699 = arith.index_cast %get3A_698 : i32 to index
      %get3A_700 = arith.constant 0 : index
      %get3A_701 = tpu.vector_load %arg13[%get3A_699, %get3A_700] {strides = array<i32>} : memref<2x80xf32, #tpu.memory_space<vmem>>, vector<16xf32>,
      %mul3A_702 = arith.mulf %get3A_683, %get3A_701 : vector<16xf32>
      %broadcast_in_dim3A_703 = arith.constant 2 : i32
      %broadcast_in_dim3A_704 = vector.broadcast %broadcast_in_dim3A_703 : i32 to vector<16xi32>
      tpu.vector_store_idx %arg15[%add3A_679, %broadcast_in_dim3A_704], %mul3A_702 : memref<80x16xf32, #tpu.memory_space<vmem>>[vector<16xi32>, vector<16xi32>], vector<16xf32>,
      %add3A_705 = arith.constant 16 : i32
      %add3A_706 = vector.broadcast %add3A_705 : i32 to vector<16xi32>
      %add3A_707 = arith.addi %iota3A, %add3A_706 : vector<16xi32>
      %get3A_708 = arith.constant 1 : i32
      %get3A_709 = arith.index_cast %get3A_708 : i32 to index
      %get3A_710 = arith.constant 16 : index
      %get3A_711 = tpu.vector_load %arg10[%get3A_709, %get3A_710] {strides = array<i32>} : memref<2x80xf32, #tpu.memory_space<vmem>>, vector<16xf32>,
      %get3A_712 = arith.constant 1 : i32
      %get3A_713 = arith.index_cast %get3A_712 : i32 to index
      %get3A_714 = arith.constant 16 : index
      %get3A_715 = tpu.vector_load %arg11[%get3A_713, %get3A_714] {strides = array<i32>} : memref<2x80xf32, #tpu.memory_space<vmem>>, vector<16xf32>,
      %mul3A_716 = arith.mulf %get3A_711, %get3A_715 : vector<16xf32>
      %broadcast_in_dim3A_717 = arith.constant 0 : i32
      %broadcast_in_dim3A_718 = vector.broadcast %broadcast_in_dim3A_717 : i32 to vector<16xi32>
      tpu.vector_store_idx %arg15[%add3A_707, %broadcast_in_dim3A_718], %mul3A_716 : memref<80x16xf32, #tpu.memory_space<vmem>>[vector<16xi32>, vector<16xi32>], vector<16xf32>,
      %get3A_719 = arith.constant 1 : i32
      %get3A_720 = arith.index_cast %get3A_719 : i32 to index
      %get3A_721 = arith.constant 16 : index
      %get3A_722 = tpu.vector_load %arg12[%get3A_720, %get3A_721] {strides = array<i32>} : memref<2x80xf32, #tpu.memory_space<vmem>>, vector<16xf32>,
      %mul3A_723 = arith.mulf %get3A_711, %get3A_722 : vector<16xf32>
      %broadcast_in_dim3A_724 = arith.constant 1 : i32
      %broadcast_in_dim3A_725 = vector.broadcast %broadcast_in_dim3A_724 : i32 to vector<16xi32>
      tpu.vector_store_idx %arg15[%add3A_707, %broadcast_in_dim3A_725], %mul3A_723 : memref<80x16xf32, #tpu.memory_space<vmem>>[vector<16xi32>, vector<16xi32>], vector<16xf32>,
      %get3A_726 = arith.constant 1 : i32
      %get3A_727 = arith.index_cast %get3A_726 : i32 to index
      %get3A_728 = arith.constant 16 : index
      %get3A_729 = tpu.vector_load %arg13[%get3A_727, %get3A_728] {strides = array<i32>} : memref<2x80xf32, #tpu.memory_space<vmem>>, vector<16xf32>,
      %mul3A_730 = arith.mulf %get3A_711, %get3A_729 : vector<16xf32>
      %broadcast_in_dim3A_731 = arith.constant 2 : i32
      %broadcast_in_dim3A_732 = vector.broadcast %broadcast_in_dim3A_731 : i32 to vector<16xi32>
      tpu.vector_store_idx %arg15[%add3A_707, %broadcast_in_dim3A_732], %mul3A_730 : memref<80x16xf32, #tpu.memory_space<vmem>>[vector<16xi32>, vector<16xi32>], vector<16xf32>,
      %add3A_733 = arith.constant 32 : i32
      %add3A_734 = vector.broadcast %add3A_733 : i32 to vector<16xi32>
      %add3A_735 = arith.addi %iota3A, %add3A_734 : vector<16xi32>
      %get3A_736 = arith.constant 1 : i32
      %get3A_737 = arith.index_cast %get3A_736 : i32 to index
      %get3A_738 = arith.constant 32 : index
      %get3A_739 = tpu.vector_load %arg10[%get3A_737, %get3A_738] {strides = array<i32>} : memref<2x80xf32, #tpu.memory_space<vmem>>, vector<16xf32>,
      %get3A_740 = arith.constant 1 : i32
      %get3A_741 = arith.index_cast %get3A_740 : i32 to index
      %get3A_742 = arith.constant 32 : index
      %get3A_743 = tpu.vector_load %arg11[%get3A_741, %get3A_742] {strides = array<i32>} : memref<2x80xf32, #tpu.memory_space<vmem>>, vector<16xf32>,
      %mul3A_744 = arith.mulf %get3A_739, %get3A_743 : vector<16xf32>
      %broadcast_in_dim3A_745 = arith.constant 0 : i32
      %broadcast_in_dim3A_746 = vector.broadcast %broadcast_in_dim3A_745 : i32 to vector<16xi32>
      tpu.vector_store_idx %arg15[%add3A_735, %broadcast_in_dim3A_746], %mul3A_744 : memref<80x16xf32, #tpu.memory_space<vmem>>[vector<16xi32>, vector<16xi32>], vector<16xf32>,
      %get3A_747 = arith.constant 1 : i32
      %get3A_748 = arith.index_cast %get3A_747 : i32 to index
      %get3A_749 = arith.constant 32 : index
      %get3A_750 = tpu.vector_load %arg12[%get3A_748, %get3A_749] {strides = array<i32>} : memref<2x80xf32, #tpu.memory_space<vmem>>, vector<16xf32>,
      %mul3A_751 = arith.mulf %get3A_739, %get3A_750 : vector<16xf32>
      %broadcast_in_dim3A_752 = arith.constant 1 : i32
      %broadcast_in_dim3A_753 = vector.broadcast %broadcast_in_dim3A_752 : i32 to vector<16xi32>
      tpu.vector_store_idx %arg15[%add3A_735, %broadcast_in_dim3A_753], %mul3A_751 : memref<80x16xf32, #tpu.memory_space<vmem>>[vector<16xi32>, vector<16xi32>], vector<16xf32>,
      %get3A_754 = arith.constant 1 : i32
      %get3A_755 = arith.index_cast %get3A_754 : i32 to index
      %get3A_756 = arith.constant 32 : index
      %get3A_757 = tpu.vector_load %arg13[%get3A_755, %get3A_756] {strides = array<i32>} : memref<2x80xf32, #tpu.memory_space<vmem>>, vector<16xf32>,
      %mul3A_758 = arith.mulf %get3A_739, %get3A_757 : vector<16xf32>
      %broadcast_in_dim3A_759 = arith.constant 2 : i32
      %broadcast_in_dim3A_760 = vector.broadcast %broadcast_in_dim3A_759 : i32 to vector<16xi32>
      tpu.vector_store_idx %arg15[%add3A_735, %broadcast_in_dim3A_760], %mul3A_758 : memref<80x16xf32, #tpu.memory_space<vmem>>[vector<16xi32>, vector<16xi32>], vector<16xf32>,
      %add3A_761 = arith.constant 48 : i32
      %add3A_762 = vector.broadcast %add3A_761 : i32 to vector<16xi32>
      %add3A_763 = arith.addi %iota3A, %add3A_762 : vector<16xi32>
      %get3A_764 = arith.constant 1 : i32
      %get3A_765 = arith.index_cast %get3A_764 : i32 to index
      %get3A_766 = arith.constant 48 : index
      %get3A_767 = tpu.vector_load %arg10[%get3A_765, %get3A_766] {strides = array<i32>} : memref<2x80xf32, #tpu.memory_space<vmem>>, vector<16xf32>,
      %get3A_768 = arith.constant 1 : i32
      %get3A_769 = arith.index_cast %get3A_768 : i32 to index
      %get3A_770 = arith.constant 48 : index
      %get3A_771 = tpu.vector_load %arg11[%get3A_769, %get3A_770] {strides = array<i32>} : memref<2x80xf32, #tpu.memory_space<vmem>>, vector<16xf32>,
      %mul3A_772 = arith.mulf %get3A_767, %get3A_771 : vector<16xf32>
      %broadcast_in_dim3A_773 = arith.constant 0 : i32
      %broadcast_in_dim3A_774 = vector.broadcast %broadcast_in_dim3A_773 : i32 to vector<16xi32>
      tpu.vector_store_idx %arg15[%add3A_763, %broadcast_in_dim3A_774], %mul3A_772 : memref<80x16xf32, #tpu.memory_space<vmem>>[vector<16xi32>, vector<16xi32>], vector<16xf32>,
      %get3A_775 = arith.constant 1 : i32
      %get3A_776 = arith.index_cast %get3A_775 : i32 to index
      %get3A_777 = arith.constant 48 : index
      %get3A_778 = tpu.vector_load %arg12[%get3A_776, %get3A_777] {strides = array<i32>} : memref<2x80xf32, #tpu.memory_space<vmem>>, vector<16xf32>,
      %mul3A_779 = arith.mulf %get3A_767, %get3A_778 : vector<16xf32>
      %broadcast_in_dim3A_780 = arith.constant 1 : i32
      %broadcast_in_dim3A_781 = vector.broadcast %broadcast_in_dim3A_780 : i32 to vector<16xi32>
      tpu.vector_store_idx %arg15[%add3A_763, %broadcast_in_dim3A_781], %mul3A_779 : memref<80x16xf32, #tpu.memory_space<vmem>>[vector<16xi32>, vector<16xi32>], vector<16xf32>,
      %get3A_782 = arith.constant 1 : i32
      %get3A_783 = arith.index_cast %get3A_782 : i32 to index
      %get3A_784 = arith.constant 48 : index
      %get3A_785 = tpu.vector_load %arg13[%get3A_783, %get3A_784] {strides = array<i32>} : memref<2x80xf32, #tpu.memory_space<vmem>>, vector<16xf32>,
      %mul3A_786 = arith.mulf %get3A_767, %get3A_785 : vector<16xf32>
      %broadcast_in_dim3A_787 = arith.constant 2 : i32
      %broadcast_in_dim3A_788 = vector.broadcast %broadcast_in_dim3A_787 : i32 to vector<16xi32>
      tpu.vector_store_idx %arg15[%add3A_763, %broadcast_in_dim3A_788], %mul3A_786 : memref<80x16xf32, #tpu.memory_space<vmem>>[vector<16xi32>, vector<16xi32>], vector<16xf32>,
      %add3A_789 = arith.constant 64 : i32
      %add3A_790 = vector.broadcast %add3A_789 : i32 to vector<16xi32>
      %add3A_791 = arith.addi %iota3A, %add3A_790 : vector<16xi32>
      %get3A_792 = arith.constant 1 : i32
      %get3A_793 = arith.index_cast %get3A_792 : i32 to index
      %get3A_794 = arith.constant 64 : index
      %get3A_795 = tpu.vector_load %arg10[%get3A_793, %get3A_794] {strides = array<i32>} : memref<2x80xf32, #tpu.memory_space<vmem>>, vector<16xf32>,
      %get3A_796 = arith.constant 1 : i32
      %get3A_797 = arith.index_cast %get3A_796 : i32 to index
      %get3A_798 = arith.constant 64 : index
      %get3A_799 = tpu.vector_load %arg11[%get3A_797, %get3A_798] {strides = array<i32>} : memref<2x80xf32, #tpu.memory_space<vmem>>, vector<16xf32>,
      %mul3A_800 = arith.mulf %get3A_795, %get3A_799 : vector<16xf32>
      %broadcast_in_dim3A_801 = arith.constant 0 : i32
      %broadcast_in_dim3A_802 = vector.broadcast %broadcast_in_dim3A_801 : i32 to vector<16xi32>
      tpu.vector_store_idx %arg15[%add3A_791, %broadcast_in_dim3A_802], %mul3A_800 : memref<80x16xf32, #tpu.memory_space<vmem>>[vector<16xi32>, vector<16xi32>], vector<16xf32>,
      %get3A_803 = arith.constant 1 : i32
      %get3A_804 = arith.index_cast %get3A_803 : i32 to index
      %get3A_805 = arith.constant 64 : index
      %get3A_806 = tpu.vector_load %arg12[%get3A_804, %get3A_805] {strides = array<i32>} : memref<2x80xf32, #tpu.memory_space<vmem>>, vector<16xf32>,
      %mul3A_807 = arith.mulf %get3A_795, %get3A_806 : vector<16xf32>
      %broadcast_in_dim3A_808 = arith.constant 1 : i32
      %broadcast_in_dim3A_809 = vector.broadcast %broadcast_in_dim3A_808 : i32 to vector<16xi32>
      tpu.vector_store_idx %arg15[%add3A_791, %broadcast_in_dim3A_809], %mul3A_807 : memref<80x16xf32, #tpu.memory_space<vmem>>[vector<16xi32>, vector<16xi32>], vector<16xf32>,
      %get3A_810 = arith.constant 1 : i32
      %get3A_811 = arith.index_cast %get3A_810 : i32 to index
      %get3A_812 = arith.constant 64 : index
      %get3A_813 = tpu.vector_load %arg13[%get3A_811, %get3A_812] {strides = array<i32>} : memref<2x80xf32, #tpu.memory_space<vmem>>, vector<16xf32>,
      %mul3A_814 = arith.mulf %get3A_795, %get3A_813 : vector<16xf32>
      %broadcast_in_dim3A_815 = arith.constant 2 : i32
      %broadcast_in_dim3A_816 = vector.broadcast %broadcast_in_dim3A_815 : i32 to vector<16xi32>
      tpu.vector_store_idx %arg15[%add3A_791, %broadcast_in_dim3A_816], %mul3A_814 : memref<80x16xf32, #tpu.memory_space<vmem>>[vector<16xi32>, vector<16xi32>], vector<16xf32>,
      %run_scoped3A_817 = arith.constant 1 : i32
      "tpu.region"() ({
        %run_scoped3A_818 = tpu.sem_alloc : memref<!tpu.dma_semaphore, #tpu.memory_space<semaphore_mem>>
        %dma_start3A_819 = arith.constant 0 : i32
        %dma_start3A_820 = tpu.memref_slice %arg14[%run_scoped3A_817, %dma_start3A_819] : memref<2x80xi32, #tpu.memory_space<vmem>> -> memref<1x80xi32, #tpu.memory_space<vmem>>
        %dma_start3A_821 = tpu.memref_squeeze %dma_start3A_820 : memref<1x80xi32, #tpu.memory_space<vmem>> -> memref<80xi32, #tpu.memory_space<vmem>>
        %dma_start3A_822 = arith.constant 0 : i32
        %dma_start3A_823 = arith.constant 0 : i32
        %dma_start3A_824 = tpu.memref_slice %arg16[%dma_start3A_822, %dma_start3A_823] : memref<10240x16xf32, #tpu.memory_space<vmem_shared>> -> memref<10240x16xf32, #tpu.memory_space<vmem_shared>>
        tpu.enqueue_indirect_dma source(%arg15 : memref<80x16xf32, #tpu.memory_space<vmem>>) target(%dma_start3A_824 : memref<10240x16xf32, #tpu.memory_space<vmem_shared>>) offsets(%dma_start3A_821 : memref<80xi32, #tpu.memory_space<vmem>>) semaphore(%run_scoped3A_818 : memref<!tpu.dma_semaphore, #tpu.memory_space<semaphore_mem>>) {add = true}
        %dma_wait3A_825 = arith.constant 0 : i32
        %dma_wait3A_826 = tpu.memref_slice %arg14[%run_scoped3A_817, %dma_wait3A_825] : memref<2x80xi32, #tpu.memory_space<vmem>> -> memref<1x80xi32, #tpu.memory_space<vmem>>
        %dma_wait3A_827 = tpu.memref_squeeze %dma_wait3A_826 : memref<1x80xi32, #tpu.memory_space<vmem>> -> memref<80xi32, #tpu.memory_space<vmem>>
        %dma_wait3A_828 = arith.constant 0 : i32
        %dma_wait3A_829 = arith.constant 0 : i32
        %dma_wait3A_830 = tpu.memref_slice %arg16[%dma_wait3A_828, %dma_wait3A_829] : memref<10240x16xf32, #tpu.memory_space<vmem_shared>> -> memref<10240x16xf32, #tpu.memory_space<vmem_shared>>
        tpu.wait_indirect_dma semaphore(%run_scoped3A_818 : memref<!tpu.dma_semaphore, #tpu.memory_space<semaphore_mem>>) src(%arg15 : memref<80x16xf32, #tpu.memory_space<vmem>>) dst(%dma_wait3A_830 : memref<10240x16xf32, #tpu.memory_space<vmem_shared>>)
        tpu.yield
      }) : () -> ()
    }
    %scan3A_69 = arith.constant 62 : i32
    %dma_wait3A = arith.constant 0 : i32
    %dma_wait3A_70 = arith.constant 0 : i32
    %dma_wait3A_71 = arith.constant 0 : i32
    %dma_wait3A_72 = tpu.memref_slice %arg14[%dma_wait3A, %dma_wait3A_71] : memref<2x80xi32, #tpu.memory_space<vmem>> -> memref<1x80xi32, #tpu.memory_space<vmem>>
    %dma_wait3A_73 = tpu.memref_squeeze %dma_wait3A_72 : memref<1x80xi32, #tpu.memory_space<vmem>> -> memref<80xi32, #tpu.memory_space<vmem>>
    %dma_wait3A_74 = tpu.memref_slice %arg3[%mul3A_4] : memref<320000xi32, #tpu.memory_space<hbm>> -> memref<80xi32, #tpu.memory_space<hbm>>
    %dma_wait3A_75 = tpu.memref_slice %arg17[%dma_wait3A_70] : memref<2x!tpu.dma_semaphore, #tpu.memory_space<semaphore_mem>> -> memref<1x!tpu.dma_semaphore, #tpu.memory_space<semaphore_mem>>
    %dma_wait3A_76 = tpu.memref_squeeze %dma_wait3A_75 : memref<1x!tpu.dma_semaphore, #tpu.memory_space<semaphore_mem>> -> memref<!tpu.dma_semaphore, #tpu.memory_space<semaphore_mem>>
    %dma_wait3A_77 = arith.constant 0 : i32
    %dma_wait3A_78 = tpu.memref_slice %arg14[%dma_wait3A, %dma_wait3A_77] : memref<2x80xi32, #tpu.memory_space<vmem>> -> memref<1x80xi32, #tpu.memory_space<vmem>>
    %dma_wait3A_79 = tpu.memref_squeeze %dma_wait3A_78 : memref<1x80xi32, #tpu.memory_space<vmem>> -> memref<80xi32, #tpu.memory_space<vmem>>
    %dma_wait3A_80 = tpu.memref_slice %arg3[%mul3A_4] : memref<320000xi32, #tpu.memory_space<hbm>> -> memref<80xi32, #tpu.memory_space<hbm>>
    tpu.wait_dma2 semaphore(%dma_wait3A_76 : memref<!tpu.dma_semaphore, #tpu.memory_space<semaphore_mem>>) src(%dma_wait3A_80 : memref<80xi32, #tpu.memory_space<hbm>>) dst(%dma_wait3A_79 : memref<80xi32, #tpu.memory_space<vmem>>)
    %dma_wait3A_81 = arith.constant 0 : i32
    %dma_wait3A_82 = arith.constant 0 : i32
    %dma_wait3A_83 = arith.constant 0 : i32
    %dma_wait3A_84 = tpu.memref_slice %arg10[%dma_wait3A_81, %dma_wait3A_83] : memref<2x80xf32, #tpu.memory_space<vmem>> -> memref<1x80xf32, #tpu.memory_space<vmem>>
    %dma_wait3A_85 = tpu.memref_squeeze %dma_wait3A_84 : memref<1x80xf32, #tpu.memory_space<vmem>> -> memref<80xf32, #tpu.memory_space<vmem>>
    %dma_wait3A_86 = tpu.memref_slice %arg2[%mul3A_4] : memref<320000xf32, #tpu.memory_space<hbm>> -> memref<80xf32, #tpu.memory_space<hbm>>
    %dma_wait3A_87 = tpu.memref_slice %arg18[%dma_wait3A_82] : memref<2x!tpu.dma_semaphore, #tpu.memory_space<semaphore_mem>> -> memref<1x!tpu.dma_semaphore, #tpu.memory_space<semaphore_mem>>
    %dma_wait3A_88 = tpu.memref_squeeze %dma_wait3A_87 : memref<1x!tpu.dma_semaphore, #tpu.memory_space<semaphore_mem>> -> memref<!tpu.dma_semaphore, #tpu.memory_space<semaphore_mem>>
    %dma_wait3A_89 = arith.constant 0 : i32
    %dma_wait3A_90 = tpu.memref_slice %arg10[%dma_wait3A_81, %dma_wait3A_89] : memref<2x80xf32, #tpu.memory_space<vmem>> -> memref<1x80xf32, #tpu.memory_space<vmem>>
    %dma_wait3A_91 = tpu.memref_squeeze %dma_wait3A_90 : memref<1x80xf32, #tpu.memory_space<vmem>> -> memref<80xf32, #tpu.memory_space<vmem>>
    %dma_wait3A_92 = tpu.memref_slice %arg2[%mul3A_4] : memref<320000xf32, #tpu.memory_space<hbm>> -> memref<80xf32, #tpu.memory_space<hbm>>
    tpu.wait_dma2 semaphore(%dma_wait3A_88 : memref<!tpu.dma_semaphore, #tpu.memory_space<semaphore_mem>>) src(%dma_wait3A_92 : memref<80xf32, #tpu.memory_space<hbm>>) dst(%dma_wait3A_91 : memref<80xf32, #tpu.memory_space<vmem>>)
    %dma_wait3A_93 = arith.constant 0 : i32
    %dma_wait3A_94 = arith.constant 0 : i32
    %dma_wait3A_95 = arith.constant 0 : i32
    %dma_wait3A_96 = tpu.memref_slice %arg11[%dma_wait3A_93, %dma_wait3A_95] : memref<2x80xf32, #tpu.memory_space<vmem>> -> memref<1x80xf32, #tpu.memory_space<vmem>>
    %dma_wait3A_97 = tpu.memref_squeeze %dma_wait3A_96 : memref<1x80xf32, #tpu.memory_space<vmem>> -> memref<80xf32, #tpu.memory_space<vmem>>
    %dma_wait3A_98 = tpu.memref_slice %arg4[%mul3A_4] : memref<320000xf32, #tpu.memory_space<hbm>> -> memref<80xf32, #tpu.memory_space<hbm>>
    %dma_wait3A_99 = tpu.memref_slice %arg18[%dma_wait3A_94] : memref<2x!tpu.dma_semaphore, #tpu.memory_space<semaphore_mem>> -> memref<1x!tpu.dma_semaphore, #tpu.memory_space<semaphore_mem>>
    %dma_wait3A_100 = tpu.memref_squeeze %dma_wait3A_99 : memref<1x!tpu.dma_semaphore, #tpu.memory_space<semaphore_mem>> -> memref<!tpu.dma_semaphore, #tpu.memory_space<semaphore_mem>>
    %dma_wait3A_101 = arith.constant 0 : i32
    %dma_wait3A_102 = tpu.memref_slice %arg11[%dma_wait3A_93, %dma_wait3A_101] : memref<2x80xf32, #tpu.memory_space<vmem>> -> memref<1x80xf32, #tpu.memory_space<vmem>>
    %dma_wait3A_103 = tpu.memref_squeeze %dma_wait3A_102 : memref<1x80xf32, #tpu.memory_space<vmem>> -> memref<80xf32, #tpu.memory_space<vmem>>
    %dma_wait3A_104 = tpu.memref_slice %arg4[%mul3A_4] : memref<320000xf32, #tpu.memory_space<hbm>> -> memref<80xf32, #tpu.memory_space<hbm>>
    tpu.wait_dma2 semaphore(%dma_wait3A_100 : memref<!tpu.dma_semaphore, #tpu.memory_space<semaphore_mem>>) src(%dma_wait3A_104 : memref<80xf32, #tpu.memory_space<hbm>>) dst(%dma_wait3A_103 : memref<80xf32, #tpu.memory_space<vmem>>)
    %dma_wait3A_105 = arith.constant 0 : i32
    %dma_wait3A_106 = arith.constant 0 : i32
    %dma_wait3A_107 = arith.constant 0 : i32
    %dma_wait3A_108 = tpu.memref_slice %arg12[%dma_wait3A_105, %dma_wait3A_107] : memref<2x80xf32, #tpu.memory_space<vmem>> -> memref<1x80xf32, #tpu.memory_space<vmem>>
    %dma_wait3A_109 = tpu.memref_squeeze %dma_wait3A_108 : memref<1x80xf32, #tpu.memory_space<vmem>> -> memref<80xf32, #tpu.memory_space<vmem>>
    %dma_wait3A_110 = tpu.memref_slice %arg5[%mul3A_4] : memref<320000xf32, #tpu.memory_space<hbm>> -> memref<80xf32, #tpu.memory_space<hbm>>
    %dma_wait3A_111 = tpu.memref_slice %arg18[%dma_wait3A_106] : memref<2x!tpu.dma_semaphore, #tpu.memory_space<semaphore_mem>> -> memref<1x!tpu.dma_semaphore, #tpu.memory_space<semaphore_mem>>
    %dma_wait3A_112 = tpu.memref_squeeze %dma_wait3A_111 : memref<1x!tpu.dma_semaphore, #tpu.memory_space<semaphore_mem>> -> memref<!tpu.dma_semaphore, #tpu.memory_space<semaphore_mem>>
    %dma_wait3A_113 = arith.constant 0 : i32
    %dma_wait3A_114 = tpu.memref_slice %arg12[%dma_wait3A_105, %dma_wait3A_113] : memref<2x80xf32, #tpu.memory_space<vmem>> -> memref<1x80xf32, #tpu.memory_space<vmem>>
    %dma_wait3A_115 = tpu.memref_squeeze %dma_wait3A_114 : memref<1x80xf32, #tpu.memory_space<vmem>> -> memref<80xf32, #tpu.memory_space<vmem>>
    %dma_wait3A_116 = tpu.memref_slice %arg5[%mul3A_4] : memref<320000xf32, #tpu.memory_space<hbm>> -> memref<80xf32, #tpu.memory_space<hbm>>
    tpu.wait_dma2 semaphore(%dma_wait3A_112 : memref<!tpu.dma_semaphore, #tpu.memory_space<semaphore_mem>>) src(%dma_wait3A_116 : memref<80xf32, #tpu.memory_space<hbm>>) dst(%dma_wait3A_115 : memref<80xf32, #tpu.memory_space<vmem>>)
    %dma_wait3A_117 = arith.constant 0 : i32
    %dma_wait3A_118 = arith.constant 0 : i32
    %dma_wait3A_119 = arith.constant 0 : i32
    %dma_wait3A_120 = tpu.memref_slice %arg13[%dma_wait3A_117, %dma_wait3A_119] : memref<2x80xf32, #tpu.memory_space<vmem>> -> memref<1x80xf32, #tpu.memory_space<vmem>>
    %dma_wait3A_121 = tpu.memref_squeeze %dma_wait3A_120 : memref<1x80xf32, #tpu.memory_space<vmem>> -> memref<80xf32, #tpu.memory_space<vmem>>
    %dma_wait3A_122 = tpu.memref_slice %arg6[%mul3A_4] : memref<320000xf32, #tpu.memory_space<hbm>> -> memref<80xf32, #tpu.memory_space<hbm>>
    %dma_wait3A_123 = tpu.memref_slice %arg18[%dma_wait3A_118] : memref<2x!tpu.dma_semaphore, #tpu.memory_space<semaphore_mem>> -> memref<1x!tpu.dma_semaphore, #tpu.memory_space<semaphore_mem>>
    %dma_wait3A_124 = tpu.memref_squeeze %dma_wait3A_123 : memref<1x!tpu.dma_semaphore, #tpu.memory_space<semaphore_mem>> -> memref<!tpu.dma_semaphore, #tpu.memory_space<semaphore_mem>>
    %dma_wait3A_125 = arith.constant 0 : i32
    %dma_wait3A_126 = tpu.memref_slice %arg13[%dma_wait3A_117, %dma_wait3A_125] : memref<2x80xf32, #tpu.memory_space<vmem>> -> memref<1x80xf32, #tpu.memory_space<vmem>>
    %dma_wait3A_127 = tpu.memref_squeeze %dma_wait3A_126 : memref<1x80xf32, #tpu.memory_space<vmem>> -> memref<80xf32, #tpu.memory_space<vmem>>
    %dma_wait3A_128 = tpu.memref_slice %arg6[%mul3A_4] : memref<320000xf32, #tpu.memory_space<hbm>> -> memref<80xf32, #tpu.memory_space<hbm>>
    tpu.wait_dma2 semaphore(%dma_wait3A_124 : memref<!tpu.dma_semaphore, #tpu.memory_space<semaphore_mem>>) src(%dma_wait3A_128 : memref<80xf32, #tpu.memory_space<hbm>>) dst(%dma_wait3A_127 : memref<80xf32, #tpu.memory_space<vmem>>)
    %add3A_129 = arith.constant 0 : i32
    %add3A_130 = vector.broadcast %add3A_129 : i32 to vector<16xi32>
    %add3A_131 = arith.addi %iota3A, %add3A_130 : vector<16xi32>
    %get3A = arith.constant 0 : i32
    %get3A_132 = arith.index_cast %get3A : i32 to index
    %get3A_133 = arith.constant 0 : index
    %get3A_134 = tpu.vector_load %arg10[%get3A_132, %get3A_133] {strides = array<i32>} : memref<2x80xf32, #tpu.memory_space<vmem>>, vector<16xf32>,
    %get3A_135 = arith.constant 0 : i32
    %get3A_136 = arith.index_cast %get3A_135 : i32 to index
    %get3A_137 = arith.constant 0 : index
    %get3A_138 = tpu.vector_load %arg11[%get3A_136, %get3A_137] {strides = array<i32>} : memref<2x80xf32, #tpu.memory_space<vmem>>, vector<16xf32>,
    %mul3A_139 = arith.mulf %get3A_134, %get3A_138 : vector<16xf32>
    %broadcast_in_dim3A = arith.constant 0 : i32
    %broadcast_in_dim3A_140 = vector.broadcast %broadcast_in_dim3A : i32 to vector<16xi32>
    tpu.vector_store_idx %arg15[%add3A_131, %broadcast_in_dim3A_140], %mul3A_139 : memref<80x16xf32, #tpu.memory_space<vmem>>[vector<16xi32>, vector<16xi32>], vector<16xf32>,
    %get3A_141 = arith.constant 0 : i32
    %get3A_142 = arith.index_cast %get3A_141 : i32 to index
    %get3A_143 = arith.constant 0 : index
    %get3A_144 = tpu.vector_load %arg12[%get3A_142, %get3A_143] {strides = array<i32>} : memref<2x80xf32, #tpu.memory_space<vmem>>, vector<16xf32>,
    %mul3A_145 = arith.mulf %get3A_134, %get3A_144 : vector<16xf32>
    %broadcast_in_dim3A_146 = arith.constant 1 : i32
    %broadcast_in_dim3A_147 = vector.broadcast %broadcast_in_dim3A_146 : i32 to vector<16xi32>
    tpu.vector_store_idx %arg15[%add3A_131, %broadcast_in_dim3A_147], %mul3A_145 : memref<80x16xf32, #tpu.memory_space<vmem>>[vector<16xi32>, vector<16xi32>], vector<16xf32>,
    %get3A_148 = arith.constant 0 : i32
    %get3A_149 = arith.index_cast %get3A_148 : i32 to index
    %get3A_150 = arith.constant 0 : index
    %get3A_151 = tpu.vector_load %arg13[%get3A_149, %get3A_150] {strides = array<i32>} : memref<2x80xf32, #tpu.memory_space<vmem>>, vector<16xf32>,
    %mul3A_152 = arith.mulf %get3A_134, %get3A_151 : vector<16xf32>
    %broadcast_in_dim3A_153 = arith.constant 2 : i32
    %broadcast_in_dim3A_154 = vector.broadcast %broadcast_in_dim3A_153 : i32 to vector<16xi32>
    tpu.vector_store_idx %arg15[%add3A_131, %broadcast_in_dim3A_154], %mul3A_152 : memref<80x16xf32, #tpu.memory_space<vmem>>[vector<16xi32>, vector<16xi32>], vector<16xf32>,
    %add3A_155 = arith.constant 16 : i32
    %add3A_156 = vector.broadcast %add3A_155 : i32 to vector<16xi32>
    %add3A_157 = arith.addi %iota3A, %add3A_156 : vector<16xi32>
    %get3A_158 = arith.constant 0 : i32
    %get3A_159 = arith.index_cast %get3A_158 : i32 to index
    %get3A_160 = arith.constant 16 : index
    %get3A_161 = tpu.vector_load %arg10[%get3A_159, %get3A_160] {strides = array<i32>} : memref<2x80xf32, #tpu.memory_space<vmem>>, vector<16xf32>,
    %get3A_162 = arith.constant 0 : i32
    %get3A_163 = arith.index_cast %get3A_162 : i32 to index
    %get3A_164 = arith.constant 16 : index
    %get3A_165 = tpu.vector_load %arg11[%get3A_163, %get3A_164] {strides = array<i32>} : memref<2x80xf32, #tpu.memory_space<vmem>>, vector<16xf32>,
    %mul3A_166 = arith.mulf %get3A_161, %get3A_165 : vector<16xf32>
    %broadcast_in_dim3A_167 = arith.constant 0 : i32
    %broadcast_in_dim3A_168 = vector.broadcast %broadcast_in_dim3A_167 : i32 to vector<16xi32>
    tpu.vector_store_idx %arg15[%add3A_157, %broadcast_in_dim3A_168], %mul3A_166 : memref<80x16xf32, #tpu.memory_space<vmem>>[vector<16xi32>, vector<16xi32>], vector<16xf32>,
    %get3A_169 = arith.constant 0 : i32
    %get3A_170 = arith.index_cast %get3A_169 : i32 to index
    %get3A_171 = arith.constant 16 : index
    %get3A_172 = tpu.vector_load %arg12[%get3A_170, %get3A_171] {strides = array<i32>} : memref<2x80xf32, #tpu.memory_space<vmem>>, vector<16xf32>,
    %mul3A_173 = arith.mulf %get3A_161, %get3A_172 : vector<16xf32>
    %broadcast_in_dim3A_174 = arith.constant 1 : i32
    %broadcast_in_dim3A_175 = vector.broadcast %broadcast_in_dim3A_174 : i32 to vector<16xi32>
    tpu.vector_store_idx %arg15[%add3A_157, %broadcast_in_dim3A_175], %mul3A_173 : memref<80x16xf32, #tpu.memory_space<vmem>>[vector<16xi32>, vector<16xi32>], vector<16xf32>,
    %get3A_176 = arith.constant 0 : i32
    %get3A_177 = arith.index_cast %get3A_176 : i32 to index
    %get3A_178 = arith.constant 16 : index
    %get3A_179 = tpu.vector_load %arg13[%get3A_177, %get3A_178] {strides = array<i32>} : memref<2x80xf32, #tpu.memory_space<vmem>>, vector<16xf32>,
    %mul3A_180 = arith.mulf %get3A_161, %get3A_179 : vector<16xf32>
    %broadcast_in_dim3A_181 = arith.constant 2 : i32
    %broadcast_in_dim3A_182 = vector.broadcast %broadcast_in_dim3A_181 : i32 to vector<16xi32>
    tpu.vector_store_idx %arg15[%add3A_157, %broadcast_in_dim3A_182], %mul3A_180 : memref<80x16xf32, #tpu.memory_space<vmem>>[vector<16xi32>, vector<16xi32>], vector<16xf32>,
    %add3A_183 = arith.constant 32 : i32
    %add3A_184 = vector.broadcast %add3A_183 : i32 to vector<16xi32>
    %add3A_185 = arith.addi %iota3A, %add3A_184 : vector<16xi32>
    %get3A_186 = arith.constant 0 : i32
    %get3A_187 = arith.index_cast %get3A_186 : i32 to index
    %get3A_188 = arith.constant 32 : index
    %get3A_189 = tpu.vector_load %arg10[%get3A_187, %get3A_188] {strides = array<i32>} : memref<2x80xf32, #tpu.memory_space<vmem>>, vector<16xf32>,
    %get3A_190 = arith.constant 0 : i32
    %get3A_191 = arith.index_cast %get3A_190 : i32 to index
    %get3A_192 = arith.constant 32 : index
    %get3A_193 = tpu.vector_load %arg11[%get3A_191, %get3A_192] {strides = array<i32>} : memref<2x80xf32, #tpu.memory_space<vmem>>, vector<16xf32>,
    %mul3A_194 = arith.mulf %get3A_189, %get3A_193 : vector<16xf32>
    %broadcast_in_dim3A_195 = arith.constant 0 : i32
    %broadcast_in_dim3A_196 = vector.broadcast %broadcast_in_dim3A_195 : i32 to vector<16xi32>
    tpu.vector_store_idx %arg15[%add3A_185, %broadcast_in_dim3A_196], %mul3A_194 : memref<80x16xf32, #tpu.memory_space<vmem>>[vector<16xi32>, vector<16xi32>], vector<16xf32>,
    %get3A_197 = arith.constant 0 : i32
    %get3A_198 = arith.index_cast %get3A_197 : i32 to index
    %get3A_199 = arith.constant 32 : index
    %get3A_200 = tpu.vector_load %arg12[%get3A_198, %get3A_199] {strides = array<i32>} : memref<2x80xf32, #tpu.memory_space<vmem>>, vector<16xf32>,
    %mul3A_201 = arith.mulf %get3A_189, %get3A_200 : vector<16xf32>
    %broadcast_in_dim3A_202 = arith.constant 1 : i32
    %broadcast_in_dim3A_203 = vector.broadcast %broadcast_in_dim3A_202 : i32 to vector<16xi32>
    tpu.vector_store_idx %arg15[%add3A_185, %broadcast_in_dim3A_203], %mul3A_201 : memref<80x16xf32, #tpu.memory_space<vmem>>[vector<16xi32>, vector<16xi32>], vector<16xf32>,
    %get3A_204 = arith.constant 0 : i32
    %get3A_205 = arith.index_cast %get3A_204 : i32 to index
    %get3A_206 = arith.constant 32 : index
    %get3A_207 = tpu.vector_load %arg13[%get3A_205, %get3A_206] {strides = array<i32>} : memref<2x80xf32, #tpu.memory_space<vmem>>, vector<16xf32>,
    %mul3A_208 = arith.mulf %get3A_189, %get3A_207 : vector<16xf32>
    %broadcast_in_dim3A_209 = arith.constant 2 : i32
    %broadcast_in_dim3A_210 = vector.broadcast %broadcast_in_dim3A_209 : i32 to vector<16xi32>
    tpu.vector_store_idx %arg15[%add3A_185, %broadcast_in_dim3A_210], %mul3A_208 : memref<80x16xf32, #tpu.memory_space<vmem>>[vector<16xi32>, vector<16xi32>], vector<16xf32>,
    %add3A_211 = arith.constant 48 : i32
    %add3A_212 = vector.broadcast %add3A_211 : i32 to vector<16xi32>
    %add3A_213 = arith.addi %iota3A, %add3A_212 : vector<16xi32>
    %get3A_214 = arith.constant 0 : i32
    %get3A_215 = arith.index_cast %get3A_214 : i32 to index
    %get3A_216 = arith.constant 48 : index
    %get3A_217 = tpu.vector_load %arg10[%get3A_215, %get3A_216] {strides = array<i32>} : memref<2x80xf32, #tpu.memory_space<vmem>>, vector<16xf32>,
    %get3A_218 = arith.constant 0 : i32
    %get3A_219 = arith.index_cast %get3A_218 : i32 to index
    %get3A_220 = arith.constant 48 : index
    %get3A_221 = tpu.vector_load %arg11[%get3A_219, %get3A_220] {strides = array<i32>} : memref<2x80xf32, #tpu.memory_space<vmem>>, vector<16xf32>,
    %mul3A_222 = arith.mulf %get3A_217, %get3A_221 : vector<16xf32>
    %broadcast_in_dim3A_223 = arith.constant 0 : i32
    %broadcast_in_dim3A_224 = vector.broadcast %broadcast_in_dim3A_223 : i32 to vector<16xi32>
    tpu.vector_store_idx %arg15[%add3A_213, %broadcast_in_dim3A_224], %mul3A_222 : memref<80x16xf32, #tpu.memory_space<vmem>>[vector<16xi32>, vector<16xi32>], vector<16xf32>,
    %get3A_225 = arith.constant 0 : i32
    %get3A_226 = arith.index_cast %get3A_225 : i32 to index
    %get3A_227 = arith.constant 48 : index
    %get3A_228 = tpu.vector_load %arg12[%get3A_226, %get3A_227] {strides = array<i32>} : memref<2x80xf32, #tpu.memory_space<vmem>>, vector<16xf32>,
    %mul3A_229 = arith.mulf %get3A_217, %get3A_228 : vector<16xf32>
    %broadcast_in_dim3A_230 = arith.constant 1 : i32
    %broadcast_in_dim3A_231 = vector.broadcast %broadcast_in_dim3A_230 : i32 to vector<16xi32>
    tpu.vector_store_idx %arg15[%add3A_213, %broadcast_in_dim3A_231], %mul3A_229 : memref<80x16xf32, #tpu.memory_space<vmem>>[vector<16xi32>, vector<16xi32>], vector<16xf32>,
    %get3A_232 = arith.constant 0 : i32
    %get3A_233 = arith.index_cast %get3A_232 : i32 to index
    %get3A_234 = arith.constant 48 : index
    %get3A_235 = tpu.vector_load %arg13[%get3A_233, %get3A_234] {strides = array<i32>} : memref<2x80xf32, #tpu.memory_space<vmem>>, vector<16xf32>,
    %mul3A_236 = arith.mulf %get3A_217, %get3A_235 : vector<16xf32>
    %broadcast_in_dim3A_237 = arith.constant 2 : i32
    %broadcast_in_dim3A_238 = vector.broadcast %broadcast_in_dim3A_237 : i32 to vector<16xi32>
    tpu.vector_store_idx %arg15[%add3A_213, %broadcast_in_dim3A_238], %mul3A_236 : memref<80x16xf32, #tpu.memory_space<vmem>>[vector<16xi32>, vector<16xi32>], vector<16xf32>,
    %add3A_239 = arith.constant 64 : i32
    %add3A_240 = vector.broadcast %add3A_239 : i32 to vector<16xi32>
    %add3A_241 = arith.addi %iota3A, %add3A_240 : vector<16xi32>
    %get3A_242 = arith.constant 0 : i32
    %get3A_243 = arith.index_cast %get3A_242 : i32 to index
    %get3A_244 = arith.constant 64 : index
    %get3A_245 = tpu.vector_load %arg10[%get3A_243, %get3A_244] {strides = array<i32>} : memref<2x80xf32, #tpu.memory_space<vmem>>, vector<16xf32>,
    %get3A_246 = arith.constant 0 : i32
    %get3A_247 = arith.index_cast %get3A_246 : i32 to index
    %get3A_248 = arith.constant 64 : index
    %get3A_249 = tpu.vector_load %arg11[%get3A_247, %get3A_248] {strides = array<i32>} : memref<2x80xf32, #tpu.memory_space<vmem>>, vector<16xf32>,
    %mul3A_250 = arith.mulf %get3A_245, %get3A_249 : vector<16xf32>
    %broadcast_in_dim3A_251 = arith.constant 0 : i32
    %broadcast_in_dim3A_252 = vector.broadcast %broadcast_in_dim3A_251 : i32 to vector<16xi32>
    tpu.vector_store_idx %arg15[%add3A_241, %broadcast_in_dim3A_252], %mul3A_250 : memref<80x16xf32, #tpu.memory_space<vmem>>[vector<16xi32>, vector<16xi32>], vector<16xf32>,
    %get3A_253 = arith.constant 0 : i32
    %get3A_254 = arith.index_cast %get3A_253 : i32 to index
    %get3A_255 = arith.constant 64 : index
    %get3A_256 = tpu.vector_load %arg12[%get3A_254, %get3A_255] {strides = array<i32>} : memref<2x80xf32, #tpu.memory_space<vmem>>, vector<16xf32>,
    %mul3A_257 = arith.mulf %get3A_245, %get3A_256 : vector<16xf32>
    %broadcast_in_dim3A_258 = arith.constant 1 : i32
    %broadcast_in_dim3A_259 = vector.broadcast %broadcast_in_dim3A_258 : i32 to vector<16xi32>
    tpu.vector_store_idx %arg15[%add3A_241, %broadcast_in_dim3A_259], %mul3A_257 : memref<80x16xf32, #tpu.memory_space<vmem>>[vector<16xi32>, vector<16xi32>], vector<16xf32>,
    %get3A_260 = arith.constant 0 : i32
    %get3A_261 = arith.index_cast %get3A_260 : i32 to index
    %get3A_262 = arith.constant 64 : index
    %get3A_263 = tpu.vector_load %arg13[%get3A_261, %get3A_262] {strides = array<i32>} : memref<2x80xf32, #tpu.memory_space<vmem>>, vector<16xf32>,
    %mul3A_264 = arith.mulf %get3A_245, %get3A_263 : vector<16xf32>
    %broadcast_in_dim3A_265 = arith.constant 2 : i32
    %broadcast_in_dim3A_266 = vector.broadcast %broadcast_in_dim3A_265 : i32 to vector<16xi32>
    tpu.vector_store_idx %arg15[%add3A_241, %broadcast_in_dim3A_266], %mul3A_264 : memref<80x16xf32, #tpu.memory_space<vmem>>[vector<16xi32>, vector<16xi32>], vector<16xf32>,
    %run_scoped3A = arith.constant 0 : i32
    "tpu.region"() ({
      %run_scoped3A_275 = tpu.sem_alloc : memref<!tpu.dma_semaphore, #tpu.memory_space<semaphore_mem>>
      %dma_start3A_276 = arith.constant 0 : i32
      %dma_start3A_277 = tpu.memref_slice %arg14[%run_scoped3A, %dma_start3A_276] : memref<2x80xi32, #tpu.memory_space<vmem>> -> memref<1x80xi32, #tpu.memory_space<vmem>>
      %dma_start3A_278 = tpu.memref_squeeze %dma_start3A_277 : memref<1x80xi32, #tpu.memory_space<vmem>> -> memref<80xi32, #tpu.memory_space<vmem>>
      %dma_start3A_279 = arith.constant 0 : i32
      %dma_start3A_280 = arith.constant 0 : i32
      %dma_start3A_281 = tpu.memref_slice %arg16[%dma_start3A_279, %dma_start3A_280] : memref<10240x16xf32, #tpu.memory_space<vmem_shared>> -> memref<10240x16xf32, #tpu.memory_space<vmem_shared>>
      tpu.enqueue_indirect_dma source(%arg15 : memref<80x16xf32, #tpu.memory_space<vmem>>) target(%dma_start3A_281 : memref<10240x16xf32, #tpu.memory_space<vmem_shared>>) offsets(%dma_start3A_278 : memref<80xi32, #tpu.memory_space<vmem>>) semaphore(%run_scoped3A_275 : memref<!tpu.dma_semaphore, #tpu.memory_space<semaphore_mem>>) {add = true}
      %dma_wait3A_282 = arith.constant 0 : i32
      %dma_wait3A_283 = tpu.memref_slice %arg14[%run_scoped3A, %dma_wait3A_282] : memref<2x80xi32, #tpu.memory_space<vmem>> -> memref<1x80xi32, #tpu.memory_space<vmem>>
      %dma_wait3A_284 = tpu.memref_squeeze %dma_wait3A_283 : memref<1x80xi32, #tpu.memory_space<vmem>> -> memref<80xi32, #tpu.memory_space<vmem>>
      %dma_wait3A_285 = arith.constant 0 : i32
      %dma_wait3A_286 = arith.constant 0 : i32
      %dma_wait3A_287 = tpu.memref_slice %arg16[%dma_wait3A_285, %dma_wait3A_286] : memref<10240x16xf32, #tpu.memory_space<vmem_shared>> -> memref<10240x16xf32, #tpu.memory_space<vmem_shared>>
      tpu.wait_indirect_dma semaphore(%run_scoped3A_275 : memref<!tpu.dma_semaphore, #tpu.memory_space<semaphore_mem>>) src(%arg15 : memref<80x16xf32, #tpu.memory_space<vmem>>) dst(%dma_wait3A_287 : memref<10240x16xf32, #tpu.memory_space<vmem_shared>>)
      tpu.yield
    }) : () -> ()
    %barrier3A_267 = arith.constant 0 : index
    tpu.barrier barrier_id(%barrier3A_267)
    %eq3A = arith.constant 0 : i32
    %eq3A_268 = arith.cmpi eq, %arg0, %eq3A : i32
    %convert_element_type3A = arith.extui %eq3A_268 : i1 to i32
    %cond3A = arith.constant 0 : i32
    %cond3A_269 = arith.cmpi ne, %convert_element_type3A, %cond3A : i32
    scf.if %cond3A_269 {
      "tpu.region"() ({
        %run_scoped3A_275 = tpu.sem_alloc : memref<!tpu.dma_semaphore, #tpu.memory_space<semaphore_mem>>
        %dma_start3A_276 = arith.constant 0 : i32
        %dma_start3A_277 = tpu.memref_slice %arg8[%mul3A_0, %dma_start3A_276] : memref<10240x16xf32, #tpu.memory_space<hbm>> -> memref<640x16xf32, #tpu.memory_space<hbm>>
        %dma_start3A_278 = arith.constant 0 : i32
        %dma_start3A_279 = tpu.memref_slice %arg16[%mul3A_0, %dma_start3A_278] : memref<10240x16xf32, #tpu.memory_space<vmem_shared>> -> memref<640x16xf32, #tpu.memory_space<vmem_shared>>
        tpu.enqueue_dma source(%dma_start3A_279 : memref<640x16xf32, #tpu.memory_space<vmem_shared>>) target(%dma_start3A_277 : memref<640x16xf32, #tpu.memory_space<hbm>>) target_semaphore(%run_scoped3A_275 : memref<!tpu.dma_semaphore, #tpu.memory_space<semaphore_mem>>)
        %dma_wait3A_280 = arith.constant 0 : i32
        %dma_wait3A_281 = tpu.memref_slice %arg8[%mul3A_0, %dma_wait3A_280] : memref<10240x16xf32, #tpu.memory_space<hbm>> -> memref<640x16xf32, #tpu.memory_space<hbm>>
        %dma_wait3A_282 = arith.constant 0 : i32
        %dma_wait3A_283 = tpu.memref_slice %arg16[%mul3A_0, %dma_wait3A_282] : memref<10240x16xf32, #tpu.memory_space<vmem_shared>> -> memref<640x16xf32, #tpu.memory_space<vmem_shared>>
        tpu.wait_dma2 semaphore(%run_scoped3A_275 : memref<!tpu.dma_semaphore, #tpu.memory_space<semaphore_mem>>) src(%dma_wait3A_283 : memref<640x16xf32, #tpu.memory_space<vmem_shared>>) dst(%dma_wait3A_281 : memref<640x16xf32, #tpu.memory_space<hbm>>)
        tpu.yield
      }) : () -> ()
    } else {
    }
    %eq3A_270 = arith.constant 1 : i32
    %eq3A_271 = arith.cmpi eq, %arg0, %eq3A_270 : i32
    %convert_element_type3A_272 = arith.extui %eq3A_271 : i1 to i32
    %cond3A_273 = arith.constant 0 : i32
    %cond3A_274 = arith.cmpi ne, %convert_element_type3A_272, %cond3A_273 : i32
    scf.if %cond3A_274 {
      "tpu.region"() ({
        %run_scoped3A_275 = tpu.sem_alloc : memref<!tpu.dma_semaphore, #tpu.memory_space<semaphore_mem>>
        %dma_start3A_276 = arith.constant 0 : i32
        %dma_start3A_277 = tpu.memref_slice %arg9[%mul3A_0, %dma_start3A_276] : memref<10240x16xf32, #tpu.memory_space<hbm>> -> memref<640x16xf32, #tpu.memory_space<hbm>>
        %dma_start3A_278 = arith.constant 0 : i32
        %dma_start3A_279 = tpu.memref_slice %arg16[%mul3A_0, %dma_start3A_278] : memref<10240x16xf32, #tpu.memory_space<vmem_shared>> -> memref<640x16xf32, #tpu.memory_space<vmem_shared>>
        tpu.enqueue_dma source(%dma_start3A_279 : memref<640x16xf32, #tpu.memory_space<vmem_shared>>) target(%dma_start3A_277 : memref<640x16xf32, #tpu.memory_space<hbm>>) target_semaphore(%run_scoped3A_275 : memref<!tpu.dma_semaphore, #tpu.memory_space<semaphore_mem>>)
        %dma_wait3A_280 = arith.constant 0 : i32
        %dma_wait3A_281 = tpu.memref_slice %arg9[%mul3A_0, %dma_wait3A_280] : memref<10240x16xf32, #tpu.memory_space<hbm>> -> memref<640x16xf32, #tpu.memory_space<hbm>>
        %dma_wait3A_282 = arith.constant 0 : i32
        %dma_wait3A_283 = tpu.memref_slice %arg16[%mul3A_0, %dma_wait3A_282] : memref<10240x16xf32, #tpu.memory_space<vmem_shared>> -> memref<640x16xf32, #tpu.memory_space<vmem_shared>>
        tpu.wait_dma2 semaphore(%run_scoped3A_275 : memref<!tpu.dma_semaphore, #tpu.memory_space<semaphore_mem>>) src(%dma_wait3A_283 : memref<640x16xf32, #tpu.memory_space<vmem_shared>>) dst(%dma_wait3A_281 : memref<640x16xf32, #tpu.memory_space<hbm>>)
        tpu.yield
      }) : () -> ()
    } else {
    }
    return
  }
}

module attributes {stable_mosaic.version = 14 : i64} {
  func.func @_mlp_body(%arg0: i32, %arg1: memref<2000x128xf32, #tpu.memory_space<vmem>>, %arg2: memref<2000x128xf32, #tpu.memory_space<vmem>>, %arg3: memref<2000x4xf32, #tpu.memory_space<vmem>>, %arg4: memref<128x128xf32, #tpu.memory_space<vmem>>, %arg5: memref<128x128xf32, #tpu.memory_space<vmem>>, %arg6: memref<4x128xf32, #tpu.memory_space<vmem>>, %arg7: memref<1x128xf32, #tpu.memory_space<vmem>>, %arg8: memref<128x128xf32, #tpu.memory_space<vmem>>, %arg9: memref<1x128xf32, #tpu.memory_space<vmem>>, %arg10: memref<1x128xf32, #tpu.memory_space<vmem>>, %arg11: memref<1x1x2000xf32, #tpu.memory_space<vmem>>) attributes {dimension_semantics = [#tpu.dimension_semantics<arbitrary>], iteration_bounds = array<i64: 160>, scalar_prefetch = 0 : i64, scratch_operands = 0 : i64, tpu.core_type = #tpu.core_type<tc>, window_params = [{transform_indices = @transform_0, window_bounds = array<i64: 2000, 128>}, {transform_indices = @transform_1, window_bounds = array<i64: 2000, 128>}, {transform_indices = @transform_2, window_bounds = array<i64: 2000, 4>}, {pipeline_mode = #tpu.pipeline_mode<synchronous>, transform_indices = @transform_3, window_bounds = array<i64: 128, 128>}, {pipeline_mode = #tpu.pipeline_mode<synchronous>, transform_indices = @transform_4, window_bounds = array<i64: 128, 128>}, {pipeline_mode = #tpu.pipeline_mode<synchronous>, transform_indices = @transform_5, window_bounds = array<i64: 4, 128>}, {pipeline_mode = #tpu.pipeline_mode<synchronous>, transform_indices = @transform_6, window_bounds = array<i64: 1, 128>}, {pipeline_mode = #tpu.pipeline_mode<synchronous>, transform_indices = @transform_7, window_bounds = array<i64: 128, 128>}, {pipeline_mode = #tpu.pipeline_mode<synchronous>, transform_indices = @transform_8, window_bounds = array<i64: 1, 128>}, {pipeline_mode = #tpu.pipeline_mode<synchronous>, transform_indices = @transform_9, window_bounds = array<i64: 1, 128>}, {transform_indices = @transform_10, window_bounds = array<i64: 1, 1, 2000>}]} {
    %get3A = arith.constant 0 : index
    %get3A_0 = arith.constant 0 : index
    %get3A_1 = vector.load %arg1[%get3A, %get3A_0] : memref<2000x128xf32, #tpu.memory_space<vmem>>, vector<2000x128xf32>
    %get3A_2 = arith.constant 0 : index
    %get3A_3 = arith.constant 0 : index
    %get3A_4 = vector.load %arg4[%get3A_2, %get3A_3] : memref<128x128xf32, #tpu.memory_space<vmem>>, vector<128x128xf32>
    %dot_general3A = arith.constant dense<0.000000e+00> : vector<2000x128xf32>
    %dot_general3A_5 = tpu.matmul %get3A_1, %get3A_4, %dot_general3A {dimension_numbers = #tpu.dot_dimension_numbers<[1], [0], [0], [1], [0, 0, 1, 1], [], []>, transpose_lhs_hint = false} : vector<2000x128xf32>, vector<128x128xf32>, vector<2000x128xf32> -> vector<2000x128xf32>
    %get3A_6 = arith.constant 0 : index
    %get3A_7 = arith.constant 0 : index
    %get3A_8 = vector.load %arg2[%get3A_6, %get3A_7] : memref<2000x128xf32, #tpu.memory_space<vmem>>, vector<2000x128xf32>
    %get3A_9 = arith.constant 0 : index
    %get3A_10 = arith.constant 0 : index
    %get3A_11 = vector.load %arg5[%get3A_9, %get3A_10] : memref<128x128xf32, #tpu.memory_space<vmem>>, vector<128x128xf32>
    %dot_general3A_12 = arith.constant dense<0.000000e+00> : vector<2000x128xf32>
    %dot_general3A_13 = tpu.matmul %get3A_8, %get3A_11, %dot_general3A_12 {dimension_numbers = #tpu.dot_dimension_numbers<[1], [0], [0], [1], [0, 0, 1, 1], [], []>, transpose_lhs_hint = false} : vector<2000x128xf32>, vector<128x128xf32>, vector<2000x128xf32> -> vector<2000x128xf32>
    %add3A = arith.addf %dot_general3A_5, %dot_general3A_13 : vector<2000x128xf32>
    %get3A_14 = arith.constant 0 : index
    %get3A_15 = arith.constant 0 : index
    %get3A_16 = vector.load %arg3[%get3A_14, %get3A_15] : memref<2000x4xf32, #tpu.memory_space<vmem>>, vector<2000x4xf32>
    %get3A_17 = arith.constant 0 : index
    %get3A_18 = arith.constant 0 : index
    %get3A_19 = vector.load %arg6[%get3A_17, %get3A_18] : memref<4x128xf32, #tpu.memory_space<vmem>>, vector<4x128xf32>
    %dot_general3A_20 = arith.constant dense<0.000000e+00> : vector<2000x128xf32>
    %dot_general3A_21 = tpu.matmul %get3A_16, %get3A_19, %dot_general3A_20 {dimension_numbers = #tpu.dot_dimension_numbers<[1], [0], [0], [1], [0, 0, 1, 1], [], []>, transpose_lhs_hint = false} : vector<2000x4xf32>, vector<4x128xf32>, vector<2000x128xf32> -> vector<2000x128xf32>
    %add3A_22 = arith.addf %add3A, %dot_general3A_21 : vector<2000x128xf32>
    %get3A_23 = arith.constant 0 : index
    %get3A_24 = arith.constant 0 : index
    %get3A_25 = vector.load %arg7[%get3A_23, %get3A_24] : memref<1x128xf32, #tpu.memory_space<vmem>>, vector<1x128xf32>
    %add3A_26 = vector.broadcast %get3A_25 : vector<1x128xf32> to vector<2000x128xf32>
    %add3A_27 = arith.addf %add3A_22, %add3A_26 : vector<2000x128xf32>
    %neg3A = arith.constant 0.000000e+00 : f32
    %neg3A_28 = vector.broadcast %neg3A : f32 to vector<2000x128xf32>
    %neg3A_29 = arith.subf %neg3A_28, %add3A_27 : vector<2000x128xf32>
    %exp3A = math.exp %neg3A_29 : vector<2000x128xf32>
    %add3A_30 = arith.constant 1.000000e+00 : f32
    %add3A_31 = vector.broadcast %add3A_30 : f32 to vector<2000x128xf32>
    %add3A_32 = arith.addf %add3A_31, %exp3A : vector<2000x128xf32>
    %div3A = arith.divf %add3A_27, %add3A_32 : vector<2000x128xf32>
    %get3A_33 = arith.constant 0 : index
    %get3A_34 = arith.constant 0 : index
    %get3A_35 = vector.load %arg8[%get3A_33, %get3A_34] : memref<128x128xf32, #tpu.memory_space<vmem>>, vector<128x128xf32>
    %dot_general3A_36 = arith.constant dense<0.000000e+00> : vector<2000x128xf32>
    %dot_general3A_37 = tpu.matmul %div3A, %get3A_35, %dot_general3A_36 {dimension_numbers = #tpu.dot_dimension_numbers<[1], [0], [0], [1], [0, 0, 1, 1], [], []>, transpose_lhs_hint = false} : vector<2000x128xf32>, vector<128x128xf32>, vector<2000x128xf32> -> vector<2000x128xf32>
    %get3A_38 = arith.constant 0 : index
    %get3A_39 = arith.constant 0 : index
    %get3A_40 = vector.load %arg9[%get3A_38, %get3A_39] : memref<1x128xf32, #tpu.memory_space<vmem>>, vector<1x128xf32>
    %add3A_41 = vector.broadcast %get3A_40 : vector<1x128xf32> to vector<2000x128xf32>
    %add3A_42 = arith.addf %dot_general3A_37, %add3A_41 : vector<2000x128xf32>
    %neg3A_43 = arith.constant 0.000000e+00 : f32
    %neg3A_44 = vector.broadcast %neg3A_43 : f32 to vector<2000x128xf32>
    %neg3A_45 = arith.subf %neg3A_44, %add3A_42 : vector<2000x128xf32>
    %exp3A_46 = math.exp %neg3A_45 : vector<2000x128xf32>
    %add3A_47 = arith.constant 1.000000e+00 : f32
    %add3A_48 = vector.broadcast %add3A_47 : f32 to vector<2000x128xf32>
    %add3A_49 = arith.addf %add3A_48, %exp3A_46 : vector<2000x128xf32>
    %div3A_50 = arith.divf %add3A_42, %add3A_49 : vector<2000x128xf32>
    %get3A_51 = arith.constant 0 : index
    %get3A_52 = arith.constant 0 : index
    %get3A_53 = vector.load %arg10[%get3A_51, %get3A_52] : memref<1x128xf32, #tpu.memory_space<vmem>>, vector<1x128xf32>
    %dot_general3A_54 = arith.constant dense<0.000000e+00> : vector<1x2000xf32>
    %dot_general3A_55 = tpu.matmul %get3A_53, %div3A_50, %dot_general3A_54 {dimension_numbers = #tpu.dot_dimension_numbers<[1], [1], [0], [0], [0, 0, 1, 0], [], []>, transpose_lhs_hint = false} : vector<1x128xf32>, vector<2000x128xf32>, vector<1x2000xf32> -> vector<1x2000xf32>
    %reshape3A = vector.shape_cast %dot_general3A_55 : vector<1x2000xf32> to vector<1x1x2000xf32>
    %swap3A = arith.constant 0 : index
    %swap3A_56 = arith.constant 0 : index
    %swap3A_57 = arith.constant 0 : index
    %swap3A_58 = vector.load %arg11[%swap3A, %swap3A_56, %swap3A_57] : memref<1x1x2000xf32, #tpu.memory_space<vmem>>, vector<1x1x2000xf32>
    tpu.vector_store %arg11[%swap3A, %swap3A_56, %swap3A_57], %reshape3A {strides = array<i32>} : memref<1x1x2000xf32, #tpu.memory_space<vmem>>, vector<1x1x2000xf32>,
    return
  }
  func.func @transform_0(%arg0: i32) -> (i32, i32) {
    %c0_i32 = arith.constant 0 : i32
    %c0_i32_0 = arith.constant 0 : i32
    return %arg0, %c0_i32 : i32, i32
  }
  func.func @transform_1(%arg0: i32) -> (i32, i32) {
    %c0_i32 = arith.constant 0 : i32
    %c0_i32_0 = arith.constant 0 : i32
    return %arg0, %c0_i32 : i32, i32
  }
  func.func @transform_2(%arg0: i32) -> (i32, i32) {
    %c0_i32 = arith.constant 0 : i32
    %c0_i32_0 = arith.constant 0 : i32
    return %arg0, %c0_i32 : i32, i32
  }
  func.func @transform_3(%arg0: i32) -> (i32, i32) {
    %c0_i32 = arith.constant 0 : i32
    %c0_i32_0 = arith.constant 0 : i32
    %c0_i32_1 = arith.constant 0 : i32
    return %c0_i32, %c0_i32_0 : i32, i32
  }
  func.func @transform_4(%arg0: i32) -> (i32, i32) {
    %c0_i32 = arith.constant 0 : i32
    %c0_i32_0 = arith.constant 0 : i32
    %c0_i32_1 = arith.constant 0 : i32
    return %c0_i32, %c0_i32_0 : i32, i32
  }
  func.func @transform_5(%arg0: i32) -> (i32, i32) {
    %c0_i32 = arith.constant 0 : i32
    %c0_i32_0 = arith.constant 0 : i32
    %c0_i32_1 = arith.constant 0 : i32
    return %c0_i32, %c0_i32_0 : i32, i32
  }
  func.func @transform_6(%arg0: i32) -> (i32, i32) {
    %c0_i32 = arith.constant 0 : i32
    %c0_i32_0 = arith.constant 0 : i32
    %c0_i32_1 = arith.constant 0 : i32
    return %c0_i32, %c0_i32_0 : i32, i32
  }
  func.func @transform_7(%arg0: i32) -> (i32, i32) {
    %c0_i32 = arith.constant 0 : i32
    %c0_i32_0 = arith.constant 0 : i32
    %c0_i32_1 = arith.constant 0 : i32
    return %c0_i32, %c0_i32_0 : i32, i32
  }
  func.func @transform_8(%arg0: i32) -> (i32, i32) {
    %c0_i32 = arith.constant 0 : i32
    %c0_i32_0 = arith.constant 0 : i32
    %c0_i32_1 = arith.constant 0 : i32
    return %c0_i32, %c0_i32_0 : i32, i32
  }
  func.func @transform_9(%arg0: i32) -> (i32, i32) {
    %c0_i32 = arith.constant 0 : i32
    %c0_i32_0 = arith.constant 0 : i32
    %c0_i32_1 = arith.constant 0 : i32
    return %c0_i32, %c0_i32_0 : i32, i32
  }
  func.func @transform_10(%arg0: i32) -> (i32, i32, i32) {
    %c0_i32 = arith.constant 0 : i32
    %c0_i32_0 = arith.constant 0 : i32
    %c0_i32_1 = arith.constant 0 : i32
    return %arg0, %c0_i32, %c0_i32_0 : i32, i32, i32
  }
}

module attributes {stable_mosaic.version = 14 : i64} {
  func.func @_fin_body(%arg0: memref<10000x3xf32, #tpu.memory_space<vmem>>, %arg1: memref<10240x16xf32, #tpu.memory_space<vmem>>, %arg2: memref<10240x16xf32, #tpu.memory_space<vmem>>, %arg3: memref<10000x1xf32, #tpu.memory_space<vmem>>, %arg4: memref<10000x3xf32, #tpu.memory_space<vmem>>) attributes {dimension_semantics = [], scalar_prefetch = 0 : i64, scratch_operands = 0 : i64, tpu.core_type = #tpu.core_type<tc>} {
    %get3A = arith.constant 0 : index
    %get3A_0 = arith.constant 0 : index
    %get3A_1 = vector.load %arg1[%get3A, %get3A_0] : memref<10240x16xf32, #tpu.memory_space<vmem>>, vector<10240x16xf32>
    %get3A_2 = arith.constant 0 : index
    %get3A_3 = arith.constant 0 : index
    %get3A_4 = vector.load %arg2[%get3A_2, %get3A_3] : memref<10240x16xf32, #tpu.memory_space<vmem>>, vector<10240x16xf32>
    %add3A = arith.addf %get3A_1, %get3A_4 : vector<10240x16xf32>
    %get3A_5 = arith.constant 0 : index
    %get3A_6 = arith.constant 0 : index
    %get3A_7 = vector.load %arg0[%get3A_5, %get3A_6] : memref<10000x3xf32, #tpu.memory_space<vmem>>, vector<10000x3xf32>
    %slice3A = vector.extract_strided_slice %add3A {offsets = [0, 0], sizes = [10000, 3], strides = [1, 1]} : vector<10240x16xf32> to vector<10000x3xf32>
    %mul3A = arith.constant 0.00999999977 : f32
    %mul3A_8 = vector.broadcast %mul3A : f32 to vector<10000x3xf32>
    %mul3A_9 = arith.mulf %slice3A, %mul3A_8 : vector<10000x3xf32>
    %add3A_10 = arith.addf %get3A_7, %mul3A_9 : vector<10000x3xf32>
    %get3A_11 = arith.constant 0 : index
    %get3A_12 = arith.constant 0 : index
    %get3A_13 = vector.load %arg3[%get3A_11, %get3A_12] : memref<10000x1xf32, #tpu.memory_space<vmem>>, vector<10000x1xf32>
    %mul3A_14 = vector.broadcast %get3A_13 : vector<10000x1xf32> to vector<10000x3xf32>
    %mul3A_15 = arith.mulf %add3A_10, %mul3A_14 : vector<10000x3xf32>
    %swap3A = arith.constant 0 : index
    %swap3A_16 = arith.constant 0 : index
    %swap3A_17 = vector.load %arg4[%swap3A, %swap3A_16] : memref<10000x3xf32, #tpu.memory_space<vmem>>, vector<10000x3xf32>
    tpu.vector_store %arg4[%swap3A, %swap3A_16], %mul3A_15 {strides = array<i32>} : memref<10000x3xf32, #tpu.memory_space<vmem>>, vector<10000x3xf32>,
    return
  }
}

</mosaic_0001>

<sc_bundles>
// kernel: kernel.6.cloned.1.call-start
scs
__scs_entry_jumppad:
0x0: {  	(pc) =	sbr.rel $0x88, $3  }
0x1: {  	(tag) =	ssettag $0x0;
	lr =	simm.s32 $0x1  }
0x2: {  	[smem:$0x3F95] =	sst lr;
	_ =	strace $0xD0000000  }
0x3: {  	_ = 	snop  }
0x4: {  	_ = 	snop  }
0x5: {  	_ = 	snop  }
0x6: {  	_ = 	snop  }
0x7: {  	_ = 	snop  }
__scs_overlays_trampoline_lowered:
0x8: {  	[smem:$0x3FA4] =	sst s0  }
0x9: {  	[smem:$0x3FA5] =	sst s1  }
0xa: {  	[smem:$0x3FA6] =	sst s2  }
0xb: {  	[smem:$0x3FA7] =	sst s3  }
0xc: {  	[smem:$0x3FA8] =	sst s4  }
0xd: {  	[smem:$0x3FA9] =	sst s5  }
0xe: {  	[smem:$0x3FAA] =	sst s6  }
0xf: {  	[smem:$0x3FAB] =	sst s7  }
0x10: {  	[smem:$0x3FAC] =	sst s8  }
0x11: {  	[smem:$0x3FAD] =	sst s9;
	s0 =	simm.s32 @!p0 $0x0  }
0x12: {  	s1 =	sld [smem:$0x3F93];
	s0 =	simm.s32 @p0 $0x1  }
0x13: {  	[smem:$0x3FAE] =	sst s0;
	s0 =	simm.s32 @!p1 $0x0  }
0x14: {  	s2 =	sld [smem:$0x3F92];
	s0 =	simm.s32 @p1 $0x1  }
0x15: {  	[smem:$0x3FAF] =	sst s0;
	s0 =	simm.s32 @!p2 $0x0  }
0x16: {  	s3 =	sld [smem:$0x3FDB];
	s0 =	simm.s32 @p2 $0x1  }
0x17: {  	s4 =	simm.s32 $0x1BF5;
	[smem:$0x3FB1] =	sst s0  }
0x18: {  	s0 =	sld [smem:$0x3F94];
	_ =	swait.ge [sflag:s4], $0x0  }
0x19: {  	s7 =	sld [smem:$0x3F95]  }
0x1a: {  	s8 =	sadd.s32 $0xFFFFE003, lr  }
0x1b: {  	s9 =	sadd.s32 $0xFFFFFEF7, lr;
	s5 =	simm.s32 $0xFFFFFFFF;
	p2 =	slt.u32 s8, $0xFFFFF086  }
0x1c: {  	p1 =	slt.u32 s9, $0xF7A;
	s5 =	simm.s32 @!p2 $0x0  }
0x1d: {  	s5 =	simm.s32 @p1 $0x1;
	p0 =	seq.s32 s7, s2  }
0x1e: {  	s7 =	smul.u32 @!p0 $0xF7A, s2;
	p2 =	seq.s32 @!p0 s5, $0x0  }
0x1f: {  	s9 =	smul.u32 $0xF7A, s1;
	s8 =	simm.s32 @!p0 $0x1BF5;
	p2 =	por !p2, p0  }
0x20: {  	[sflag:s8] =	ssyncset.s32 @!p0 $0xFFFFF086;
	s6 =	sadd.s32 @!p0 s3, s7;
	s7 =	simm.s32 @!p0 $0x108  }
0x21: {  	s3 =	sadd.s32 s3, s9;
	s6 =	sadd.s32 @!p0 $0x88, s6;
	s7 =	simm.s32 @p2 $0x1082  }
0x22: {  	[simem:s7], [sflag:s8] =	dma.local @!p0 [hbm:s6], $0xF7A  }
0x23: {  	s9 =	sor.u32 $0xD0000000, s2;
	s6 =	simm.s32 $0x108;
	_ =	swait.ge @!p0 [sflag:s8], $0x0  }
0x24: {  	s3 =	sadd.s32 $0x88, s3;
	s6 =	simm.s32 @!p1 $0x1082;
	[sflag:s4] =	ssyncset.s32 $0xFFFFF086  }
0x25: {  	[simem:s6], [sflag:s4] =	dma.local [hbm:s3], $0xF7A  }
0x26: {  	[smem:$0x3F95] =	sst s1;
	(tag) =	ssettag s2;
	_ =	strace s9  }
0x27: {  	s1 =	sld [smem:$0x3FA5]  }
0x28: {  	s2 =	sld [smem:$0x3FA6]  }
0x29: {  	s4 =	sld [smem:$0x3FA8]  }
0x2a: {  	p0 =	seq.s32 s5, $0x0;
	s5 =	sld [smem:$0x3FA9]  }
0x2b: {  	s6 =	sld [smem:$0x3FAA]  }
0x2c: {  	s7 =	sld [smem:$0x3FAB]  }
0x2d: {  	s3 =	simm.s32 $0x108;
	s8 =	sld [smem:$0x3FAC]  }
0x2e: {  	s3 =	simm.s32 @!p0 $0x1082;
	s9 =	sld [smem:$0x3FAD]  }
0x2f: {  	lr =	sadd.s32 s0, s3;
	s0 =	sld [smem:$0x3FA4]  }
0x30: {  	s3 =	sld [smem:$0x3FA7]  }
0x31: {  	[smem:$0x3FB0] =	sst s10  }
0x32: {  	s10 =	sld [smem:$0x3FAE];
	_ =	sdelay $0x3  }
0x33: {  	p0 =	seq.s32 s10, $0x1;
	s10 =	sld [smem:$0x3FB0];
	_ =	sdelay $0x3  }
0x34: {  	[smem:$0x3FB0] =	sst s10  }
0x35: {  	s10 =	sld [smem:$0x3FAF];
	_ =	sdelay $0x3  }
0x36: {  	p1 =	seq.s32 s10, $0x1;
	s10 =	sld [smem:$0x3FB0];
	_ =	sdelay $0x3  }
0x37: {  	[smem:$0x3FB0] =	sst s10  }
0x38: {  	s10 =	sld [smem:$0x3FB1]  }
0x39: {  	_ = 	snop;
	(pc) =	sbr.ind lr, $3  }
0x3a: {  	_ = 	snop  }
0x3b: {  	_ = 	snop  }
0x3c: {  	p2 =	seq.s32 s10, $0x1;
	s10 =	sld [smem:$0x3FB0]  }
0x3d: {  	_ =	shalt  }
0x3e: {  	_ =	shalt  }
0x3f: {  	_ =	shalt  }
0x40: {  	_ =	shalt  }
0x41: {  	_ =	shalt  }
0x42: {  	_ =	shalt  }
0x43: {  	_ =	shalt  }
0x44: {  	_ =	shalt  }
0x45: {  	_ =	shalt  }
0x46: {  	_ =	shalt  }
0x47: {  	_ =	shalt  }
0x48: {  	_ =	shalt  }
0x49: {  	_ =	shalt  }
0x4a: {  	_ =	shalt  }
0x4b: {  	_ =	shalt  }
0x4c: {  	_ =	shalt  }
0x4d: {  	_ =	shalt  }
0x4e: {  	_ =	shalt  }
0x4f: {  	_ =	shalt  }
0x50: {  	_ =	shalt  }
0x51: {  	_ =	shalt  }
0x52: {  	_ =	shalt  }
0x53: {  	_ =	shalt  }
0x54: {  	_ =	shalt  }
0x55: {  	_ =	shalt  }
0x56: {  	_ =	shalt  }
0x57: {  	_ =	shalt  }
0x58: {  	_ =	shalt  }
0x59: {  	_ =	shalt  }
0x5a: {  	_ =	shalt  }
0x5b: {  	_ =	shalt  }
0x5c: {  	_ =	shalt  }
0x5d: {  	_ =	shalt  }
0x5e: {  	_ =	shalt  }
0x5f: {  	_ =	shalt  }
0x60: {  	_ =	shalt  }
0x61: {  	_ =	shalt  }
0x62: {  	_ =	shalt  }
0x63: {  	_ =	shalt  }
0x64: {  	_ =	shalt  }
0x65: {  	_ =	shalt  }
0x66: {  	_ =	shalt  }
0x67: {  	_ =	shalt  }
0x68: {  	_ =	shalt  }
0x69: {  	_ =	shalt  }
0x6a: {  	_ =	shalt  }
0x6b: {  	_ =	shalt  }
0x6c: {  	_ =	shalt  }
0x6d: {  	_ =	shalt  }
0x6e: {  	_ =	shalt  }
0x6f: {  	_ =	shalt  }
0x70: {  	_ =	shalt  }
0x71: {  	_ =	shalt  }
0x72: {  	_ =	shalt  }
0x73: {  	_ =	shalt  }
0x74: {  	_ =	shalt  }
0x75: {  	_ =	shalt  }
0x76: {  	_ =	shalt  }
0x77: {  	_ =	shalt  }
0x78: {  	_ =	shalt  }
0x79: {  	_ =	shalt  }
0x7a: {  	_ =	shalt  }
0x7b: {  	_ =	shalt  }
0x7c: {  	_ =	shalt  }
0x7d: {  	_ =	shalt  }
0x7e: {  	_ =	shalt  }
0x7f: {  	_ =	shalt  }
0x80: {  	_ =	shalt  }
0x81: {  	_ =	shalt  }
0x82: {  	_ =	shalt  }
0x83: {  	_ =	shalt  }
0x84: {  	_ =	shalt  }
0x85: {  	_ =	shalt  }
0x86: {  	_ =	shalt  }
0x87: {  	_ =	shalt  }
.Lfunc_end0:
.L_simem_size_0:
called_computation_lowered:
.L_overlay_start_0:
0x88: {  	s2 =	sld [smem:$0x3FD9]  }
0x89: {  	s3 =	sld [smem:$0x3FFE];
	_ =	sdelay $0x1  }
0x8a: {  	s1 =	srdreg.scid  }
0x8b: {  	s0 =	sand.u32 $0x1, s1  }
0x8c: {  	s17 =	sshll.u32 s0, $0xA;
	s2 =	sadd.s32 s3, s2  }
0x8d: {  	s2 =	sadd.s32 s2, s17  }
0x8e: {  	[smem:$0x3FBC] =	sst s2  }
0x8f: {  	_ = 	snop  }
0x90: {  	s2 =	sld [smem:$0x3FC9];
	(tm) =	ssettm $0x1  }
0x91: {  	s18 =	sld [smem:$0x3FFB];
	_ =	sdelay $0x3  }
0x92: {  	_ =	strace s18  }
0x93: {  	s3 =	sld [smem:$0x3FFC];
	_ =	sdelay $0x3  }
0x94: {  	_ =	strace s3  }
0x95: {  	s3 =	sld [smem:$0x3FFD];
	_ =	sdelay $0x3  }
0x96: {  	_ =	strace s3  }
0x97: {  	_ =	strace $0x8FFFFFFF  }
0x98: {  	s19 =	sld [smem:$0x3FDB];
	_ =	sdelay $0x1  }
0x99: {  	s4 =	simm.s32 $_scs_section_size  }
0x9a: {  	s5 =	simm.s32 $_size__tile_overlayer_lowered;
	s6 =	simm.s32 $_tile_overlayer_lowered  }
0x9b: {  	s22 =	simm.s32 $0x1BFF;
	s21 =	sshll.u32 s6, $0x1;
	s3 =	sadd.s32 s4, s19  }
0x9c: {  	s7 =	simm.s32 $0x0;
	s20 =	sshll.u32 s5, $0x1;
	s5 =	sadd.s32 s21, s3  }
0x9d: {  	[timem:s7], [sflag:s22] =	dma.local [hbm:s5], s20  }
0x9e: {  	_ =	swait.ge [sflag:s22], s20  }
0x9f: {  	s4 =	ssub.s32 $0x0, s20;
	[sflag:s22] =	ssyncset.done $0x0  }
0xa0: {  	[sflag:s22] =	ssyncadd.s32 s4;
	_ =	sdelay $0x1  }
0xa1: {  	s23 =	simm.s32 $0x1B8B  }
0xa2: {  	_ =	swait.ge [sflag:s23], $0x1  }
0xa3: {  	[sflag:s23] =	ssyncset.done $0x0  }
0xa4: {  	s25 =	simm.s32 $0x1B8E;
	s24 =	sld [smem:$0x3FFE];
	[sflag:s23] =	ssyncadd.s32 $0xFFFFFFFF  }
0xa5: {  	s26 =	simm.s32 $execute0_lowered;
	[smem:$0x3FD2] =	sst s25  }
0xa6: {  	s5 =	sshll.u32 s26, $0x1;
	_ =	strace $0x80000046;
	[dreg:$0x1] =	wrdreg $0xFFFFFFFF  }
0xa7: {  	s28 =	simm.s32 $_size_execute0_lowered;
	s3 =	sadd.s32 s3, s5;
	[dreg:$0x0] =	wrdreg $0x0  }
0xa8: {  	s5 =	sshll.u32 s28, $0x1;
	[dreg:$0x2] =	wrdreg s3  }
0xa9: {  	[dreg:$0x3] =	wrdreg s5  }
0xaa: {  	[dreg:$0x4] =	wrdreg $0xC0  }
0xab: {  	_ =	task [dreg:s7], $0x5FFFF  }
0xac: {  	[dreg:$0x1] =	wrdreg $0xFFFFFFFF  }
0xad: {  	[dreg:$0x0] =	wrdreg $0x60  }
0xae: {  	[dreg:$0x2] =	wrdreg s2  }
0xaf: {  	[dreg:$0x3] =	wrdreg s24  }
0xb0: {  	[dreg:$0x4] =	wrdreg $0x9  }
0xb1: {  	_ =	task.clear_ibuf [dreg:s7], $0x5FFFF;
	_ =	strace $0x90000046  }
0xb2: {  	s29 =	simm.s32 $0x9;
	_ =	strace $0x80000048  }
0xb3: {  	_ =	swait.ge [sflag:s29], $0x1  }
0xb4: {  	[sflag:s29] =	ssyncadd.s32 $0xFFFFFFFF  }
0xb5: {  	_ =	strace $0x90000048  }
0xb6: {  	_ =	sfence  }
0xb7: {  	s30 =	sld [smem:$0x0];
	_ =	sdelay $0x2  }
0xb8: {  	s31 =	sshll.u32 s1, $0xD;
	s1 =	sshrl.u32 s1, $0x2  }
0xb9: {  	s3 =	sand.u32 $0x4000, s31;
	s1 =	sadd.s32 s1, s30  }
0xba: {  	s0 =	sor.u32 s3, s0;
	s1 =	sshll.u32 s1, $0x11  }
0xbb: {  	s0 =	sor.u32 s1, s0  }
0xbc: {  	s0 =	sadd.s32 $0x8F2B, s0  }
0xbd: {  	[sflag:s0] =	ssyncadd.remote.s32 $0x1  }
0xbe: {  	_ =	sfence.sel $0xFFFF  }
0xbf: {  	[dreg:$0x0] =	wrdreg $0xFFFFFFFF;
	(pc) =	sbr.abs _section_cstart, $3  }
0xc0: {  	[dreg:$0x1] =	wrdreg $0xFFFFFFFF  }
0xc1: {  	_ =	task.clear_ibuf [dreg:s7], $0x2FFFF;
	_ =	strace $0x9FFFFFFF  }
0xc2: {  	(tm) =	ssettm $0x7FFFFFFF  }
0xc3: {  	_ =	shalt  }
tec
execute0_lowered:
.L_overlay_start_1:
0x0: {  	(tag) =	ssettag $0x1  }
0x1: {  	s2 =	rddreg [dreg:$0x0]  }
0x2: {  	s0 =	rddreg [dreg:$0x1]  }
0x3: {  	s1 =	srdreg.scid;
	s10 =	stileid.u32  }
0x4: {  	s3 =	simm.s32 $0x0;
	s30 =	simm.s32 $0x80;
	s29 =	simm.s32 $0x100  }
0x5: {  	s28 =	simm.s32 $0xA400;
	s31 =	simm.s32 $0x7C00;
	s1 =	sand.u32 $0x1, s1  }
0x6: {  	s4 =	sshll.u32 s10, $0x1;
	[smem:$0x7FF] =	sst s3;
	s9 =	smul.u32 $0x4E20, s10  }
0x7: {  	s24 =	sadd.s32 $0xAE00, s0;
	s23 =	sadd.s32 $0x1000, s0;
	s17 =	smul.u32 $0x4E200, s10  }
0x8: {  	s6 =	sadd.s32 $0x14C00, s0;
	s0 =	sadd.s32 $0x4F6C00, s0;
	s16 =	smul.u32 $0x2710, s1  }
0x9: {  	s4 =	sor.u32 s1, s4;
	s7 =	ssub.s32 $0x2, s1;
	s1 =	smul.u32 $0x27100, s1  }
0xa: {  	s10 =	simm.s32 $0x3;
	_ =	strace $0x80000047;
	s5 =	smul.u32 $0x2710, s4  }
0xb: {  	s8 =	sshrl.u32 s7, $0x1;
	s4 =	smul.u32 $0x138800, s4;
	s21 =	sadd.s32 s17, s6  }
0xc: {  	s7 =	ssub.s32 s7, s8;
	s20 =	sadd.s32 s16, s9;
	s9 =	simm.s32 $0xA  }
0xd: {  	s5 =	sshrl.u32 s5, $0x3;
	s4 =	sshrl.u32 s4, $0x3;
	s19 =	smax.u32 s7, $0x1  }
0xe: {  	s22 =	sadd.s32 $0x140, s20;
	s25 =	sadd.s32 $0xF0, s20;
	s26 =	sadd.s32 $0xA0, s20  }
0xf: {  	s20 =	simm.s32 $0x50;
	s7 =	simm.s32 $0x5400;
	[dreg:$0xd] =	wrdreg s19  }
0x10: {  	s11 =	sadd.s32 s24, s5;
	s12 =	sadd.s32 s23, s5;
	[dreg:$0xe] =	wrdreg s25  }
0x11: {  	s5 =	sadd.s32 $0xA, s5;
	s14 =	sadd.s32 $0x26700, s4;
	[dreg:$0x5] =	wrdreg s11  }
0x12: {  	s4 =	sadd.s32 $0x26C00, s4;
	[dreg:$0x6] =	wrdreg s12;
	s13 =	sadd.s32 s24, s5  }
0x13: {  	s5 =	sadd.s32 s23, s5;
	s15 =	sadd.s32 s6, s14;
	[dreg:$0x7] =	wrdreg s13  }
0x14: {  	s8 =	sadd.s32 s0, s14;
	s18 =	sadd.s32 s6, s4;
	[dreg:$0x8] =	wrdreg s5  }
0x15: {  	s4 =	sadd.s32 s0, s4;
	s0 =	sadd.s32 s17, s0;
	[dreg:$0x9] =	wrdreg s15  }
0x16: {  	s17 =	sshrl.u32 s26, $0x3;
	s26 =	simm.s32 $0x100;
	[dreg:$0xa] =	wrdreg s8  }
0x17: {  	s6 =	simm.s32 $0x300;
	s11 =	simm.s32 $0x6;
	[dreg:$0xb] =	wrdreg s18  }
0x18: {  	s12 =	simm.s32 $0x8;
	[dreg:$0xc] =	wrdreg s4;
	s5 =	sadd.s32 s1, s21  }
0x19: {  	s15 =	sshrl.u32 s22, $0x3;
	s0 =	sadd.s32 s1, s0;
	s18 =	simm.s32 $0xD  }
0x1a: {  	s22 =	simm.s32 $0x200;
	s8 =	simm.s32 $0xCC00;
	[dreg:$0x3] =	wrdreg s5  }
0x1b: {  	s13 =	simm.s32 $0xB;
	[dreg:$0x4] =	wrdreg s0;
	s0 =	simm.s32 $0x0  }
.LBB2_1:
0x1c: {  	[dreg:$0xf] =	wrdreg s0  }
0x1d: {  	s4 =	rddreg [dreg:$0x5]  }
0x1e: {  	[tilespmem:s3], [sflag:$0xD] =	stream.linear.gather [hbm4b:s4+s3], $0x50, $0x38;
	[tilespmem:$0xF400] =	vst v63  }
0x1f: {  	_ =	swait.ge [sflag:s18], $0x50  }
0x20: {  	[sflag:s18] =	ssyncset.done $0x0  }
0x21: {  	s0 =	rddreg [dreg:$0x6];
	[sflag:s18] =	ssyncadd.s32 $0xFFFFFFB0  }
0x22: {  	[tilespmem:s22], [sflag:$0xD] =	stream.linear.gather [hbm4b:s0+s3], $0x50, $0x38;
	[tilespmem:$0xF400] =	vst v63  }
0x23: {  	_ =	swait.ge [sflag:s18], $0x50  }
0x24: {  	[sflag:s18] =	ssyncset.done $0x0  }
0x25: {  	s21 =	simm.s32 $0x400;
	[sflag:s18] =	ssyncadd.s32 $0xFFFFFFB0  }
0x26: {  	[tilespmem:s21], [sflag:$0x1] =	stream.indirect.gather [hbm4b:s2+s20], $0x80, s3, s20, $0xb8;
	[tilespmem:$0xF400] =	vst v63  }
0x27: {  	s25 =	simm.s32 $0x7C00  }
0x28: {  	[tilespmem:s25], [sflag:$0x4] =	stream.indirect.gather [hbm4b:s2+s20], $0x80, s22, s20, $0xb8;
	[tilespmem:$0xF400] =	vst v63  }
0x29: {  	s1 =	rddreg [dreg:$0x7]  }
0x2a: {  	[tilespmem:s30], [sflag:$0xD] =	stream.linear.gather [hbm4b:s1+s3], $0x50, $0x38;
	[tilespmem:$0xF400] =	vst v63  }
0x2b: {  	_ =	swait.ge [sflag:s18], $0x50  }
0x2c: {  	[sflag:s18] =	ssyncset.done $0x0  }
0x2d: {  	s0 =	simm.s32 $0x280;
	s5 =	rddreg [dreg:$0x8];
	[sflag:s18] =	ssyncadd.s32 $0xFFFFFFB0  }
0x2e: {  	[tilespmem:s0], [sflag:$0xD] =	stream.linear.gather [hbm4b:s5+s3], $0x50, $0x38;
	[tilespmem:$0xF400] =	vst v63  }
0x2f: {  	_ =	swait.ge [sflag:s18], $0x50  }
0x30: {  	[sflag:s18] =	ssyncset.done $0x0  }
0x31: {  	s1 =	simm.s32 $0x2C00;
	[sflag:s18] =	ssyncadd.s32 $0xFFFFFFB0  }
0x32: {  	[tilespmem:s1], [sflag:$0x2] =	stream.indirect.gather [hbm4b:s2+s20], $0x80, s30, s20, $0xb8;
	[tilespmem:$0xF400] =	vst v63  }
0x33: {  	s19 =	simm.s32 $0xA400;
	s14 =	simm.s32 $0x1  }
0x34: {  	[tilespmem:s19], [sflag:$0x5] =	stream.indirect.gather [hbm4b:s2+s20], $0x80, s0, s20, $0xb8;
	[tilespmem:$0xF400] =	vst v63  }
0x35: {  	_ =	swait.ge [sflag:s14], $0x2800  }
0x36: {  	[sflag:s14] =	ssyncset.done $0x0  }
0x37: {  	[sflag:s14] =	ssyncadd.s32 $0xFFFFD800;
	s14 =	simm.s32 $0x4  }
0x38: {  	_ =	swait.ge [sflag:s14], $0x2800  }
0x39: {  	p0 =	por $0x1, $0x1;
	s16 =	rddreg [dreg:$0x3];
	[sflag:s14] =	ssyncset.done $0x0  }
0x3a: {  	s5 =	rddreg [dreg:$0x4];
	[sflag:s14] =	ssyncadd.s32 $0xFFFFD800;
	s4 =	sadd.s32 $0x0, s16  }
0x3b: {  	[hbm4b:s4+s3] =	stream.linear.scatter [tilespmem:s21], [sflag:$0x7], $0x2800, $0x38;
	[tilespmem:$0xF400] =	vst v63  }
0x3c: {  	s5 =	sadd.s32 $0x0, s5;
	s14 =	simm.s32 @!p0 $0x9  }
0x3d: {  	[hbm4b:s5+s3] =	stream.linear.scatter [tilespmem:s25], [sflag:$0xA], $0x2800, $0x38;
	[tilespmem:$0xF400] =	vst v63  }
0x3e: {  	_ =	swait.ge @!p0 [sflag:s14], $0x2800  }
0x3f: {  	[sflag:s14] =	ssyncset.done @!p0 $0x0  }
0x40: {  	s16 =	simm.s32 @!p0 $0xC;
	[sflag:s14] =	ssyncadd.s32 @!p0 $0xFFFFD800  }
0x41: {  	_ =	swait.ge @!p0 [sflag:s16], $0x2800  }
0x42: {  	[sflag:s16] =	ssyncset.done @!p0 $0x0  }
0x43: {  	s14 =	sadd.s32 s24, s17;
	[sflag:s16] =	ssyncadd.s32 @!p0 $0xFFFFD800  }
0x44: {  	[tilespmem:s26], [sflag:$0xD] =	stream.linear.gather [hbm4b:s14+s3], $0x50, $0x38;
	[tilespmem:$0xF400] =	vst v63  }
0x45: {  	_ =	swait.ge [sflag:s18], $0x50  }
0x46: {  	[sflag:s18] =	ssyncset.done $0x0  }
0x47: {  	s16 =	sadd.s32 s23, s17;
	[sflag:s18] =	ssyncadd.s32 $0xFFFFFFB0  }
0x48: {  	[tilespmem:s6], [sflag:$0xD] =	stream.linear.gather [hbm4b:s16+s3], $0x50, $0x38;
	[tilespmem:$0xF400] =	vst v63  }
0x49: {  	_ =	swait.ge [sflag:s18], $0x50  }
0x4a: {  	[sflag:s18] =	ssyncset.done $0x0  }
0x4b: {  	[sflag:s18] =	ssyncadd.s32 $0xFFFFFFB0  }
0x4c: {  	[tilespmem:s7], [sflag:$0x3] =	stream.indirect.gather [hbm4b:s2+s20], $0x80, s26, s20, $0xb8;
	[tilespmem:$0xF400] =	vst v63  }
0x4d: {  	s14 =	simm.s32 $0x2  }
0x4e: {  	[tilespmem:s8], [sflag:$0x6] =	stream.indirect.gather [hbm4b:s2+s20], $0x80, s6, s20, $0xb8;
	[tilespmem:$0xF400] =	vst v63  }
0x4f: {  	_ =	swait.ge [sflag:s14], $0x2800  }
0x50: {  	[sflag:s14] =	ssyncset.done $0x0  }
0x51: {  	s16 =	simm.s32 $0x5;
	[sflag:s14] =	ssyncadd.s32 $0xFFFFD800  }
0x52: {  	_ =	swait.ge [sflag:s16], $0x2800  }
0x53: {  	[sflag:s16] =	ssyncset.done $0x0  }
0x54: {  	s26 =	sadd.s32 $0x500, s4;
	[sflag:s16] =	ssyncadd.s32 $0xFFFFD800  }
0x55: {  	[hbm4b:s26+s3] =	stream.linear.scatter [tilespmem:s1], [sflag:$0x8], $0x2800, $0x38;
	[tilespmem:$0xF400] =	vst v63  }
0x56: {  	s16 =	sadd.s32 $0x500, s5  }
0x57: {  	[hbm4b:s16+s3] =	stream.linear.scatter [tilespmem:s19], [sflag:$0xB], $0x2800, $0x38;
	[tilespmem:$0xF400] =	vst v63  }
0x58: {  	s19 =	simm.s32 $0x7  }
0x59: {  	_ =	swait.ge [sflag:s19], $0x2800  }
0x5a: {  	[sflag:s19] =	ssyncset.done $0x0  }
0x5b: {  	[sflag:s19] =	ssyncadd.s32 $0xFFFFD800  }
0x5c: {  	_ =	swait.ge [sflag:s9], $0x2800  }
0x5d: {  	s19 =	rddreg [dreg:$0xe]  }
0x5e: {  	[sflag:s9] =	ssyncset.done $0x0;
	s26 =	sshrl.u32 s19, $0x3  }
0x5f: {  	[sflag:s9] =	ssyncadd.s32 $0xFFFFD800;
	s6 =	sadd.s32 s24, s26  }
0x60: {  	[tilespmem:s3], [sflag:$0xD] =	stream.linear.gather [hbm4b:s6+s3], $0x50, $0x38;
	[tilespmem:$0xF400] =	vst v63  }
0x61: {  	_ =	swait.ge [sflag:s18], $0x50  }
0x62: {  	[sflag:s18] =	ssyncset.done $0x0  }
0x63: {  	s14 =	sadd.s32 s23, s26;
	[sflag:s18] =	ssyncadd.s32 $0xFFFFFFB0  }
0x64: {  	[tilespmem:s22], [sflag:$0xD] =	stream.linear.gather [hbm4b:s14+s3], $0x50, $0x38;
	[tilespmem:$0xF400] =	vst v63  }
0x65: {  	_ =	swait.ge [sflag:s18], $0x50  }
0x66: {  	[sflag:s18] =	ssyncset.done $0x0  }
0x67: {  	[sflag:s18] =	ssyncadd.s32 $0xFFFFFFB0  }
0x68: {  	[tilespmem:s21], [sflag:$0x1] =	stream.indirect.gather [hbm4b:s2+s20], $0x80, s3, s20, $0xb8;
	[tilespmem:$0xF400] =	vst v63  }
0x69: {  	_ = 	snop  }
0x6a: {  	[tilespmem:s25], [sflag:$0x4] =	stream.indirect.gather [hbm4b:s2+s20], $0x80, s22, s20, $0xb8;
	[tilespmem:$0xF400] =	vst v63  }
0x6b: {  	_ =	swait.ge [sflag:s10], $0x2800  }
0x6c: {  	[sflag:s10] =	ssyncset.done $0x0  }
0x6d: {  	[sflag:s10] =	ssyncadd.s32 $0xFFFFD800  }
0x6e: {  	_ =	swait.ge [sflag:s11], $0x2800  }
0x6f: {  	[sflag:s11] =	ssyncset.done $0x0  }
0x70: {  	s4 =	sadd.s32 $0xA00, s4;
	[sflag:s11] =	ssyncadd.s32 $0xFFFFD800  }
0x71: {  	[hbm4b:s4+s3] =	stream.linear.scatter [tilespmem:s7], [sflag:$0x9], $0x2800, $0x38;
	[tilespmem:$0xF400] =	vst v63  }
0x72: {  	s22 =	sadd.s32 $0xA00, s5  }
0x73: {  	[hbm4b:s22+s3] =	stream.linear.scatter [tilespmem:s8], [sflag:$0xC], $0x2800, $0x38;
	[tilespmem:$0xF400] =	vst v63  }
0x74: {  	_ =	swait.ge [sflag:s12], $0x2800  }
0x75: {  	[sflag:s12] =	ssyncset.done $0x0  }
0x76: {  	[sflag:s12] =	ssyncadd.s32 $0xFFFFD800  }
0x77: {  	_ =	swait.ge [sflag:s13], $0x2800  }
0x78: {  	[sflag:s13] =	ssyncset.done $0x0  }
0x79: {  	s25 =	sadd.s32 s24, s15;
	[sflag:s13] =	ssyncadd.s32 $0xFFFFD800  }
0x7a: {  	[tilespmem:s30], [sflag:$0xD] =	stream.linear.gather [hbm4b:s25+s3], $0x50, $0x38;
	[tilespmem:$0xF400] =	vst v63  }
0x7b: {  	_ =	swait.ge [sflag:s18], $0x50  }
0x7c: {  	[sflag:s18] =	ssyncset.done $0x0  }
0x7d: {  	s16 =	simm.s32 $0xF00;
	s26 =	sadd.s32 s23, s15;
	[sflag:s18] =	ssyncadd.s32 $0xFFFFFFB0  }
0x7e: {  	[tilespmem:s0], [sflag:$0xD] =	stream.linear.gather [hbm4b:s26+s3], $0x50, $0x38;
	[tilespmem:$0xF400] =	vst v63  }
0x7f: {  	s6 =	simm.s32 $0x300;
	s14 =	sadd.s32 $0xF0, s19;
	_ =	swait.ge [sflag:s18], $0x50  }
0x80: {  	s5 =	smov.u32 s23;
	s4 =	smov.u32 s24;
	[sflag:s18] =	ssyncset.done $0x0  }
0x81: {  	s7 =	simm.s32 $0x5400;
	s8 =	simm.s32 $0xCC00;
	[sflag:s18] =	ssyncadd.s32 $0xFFFFFFB0  }
0x82: {  	[tilespmem:s1], [sflag:$0x2] =	stream.indirect.gather [hbm4b:s2+s20], $0x80, s30, s20, $0xb8;
	[tilespmem:$0xF400] =	vst v63  }
.LBB2_2:
0x83: {  	s0 =	simm.s32 $0x280;
	s1 =	simm.s32 $0x1  }
0x84: {  	[tilespmem:s28], [sflag:$0x5] =	stream.indirect.gather [hbm4b:s2+s20], $0x80, s0, s20, $0xb8;
	[tilespmem:$0xF400] =	vst v63  }
0x85: {  	_ =	swait.ge [sflag:s1], $0x2800  }
0x86: {  	[sflag:s1] =	ssyncset.done $0x0  }
0x87: {  	s25 =	simm.s32 $0x4;
	[sflag:s1] =	ssyncadd.s32 $0xFFFFD800  }
0x88: {  	s22 =	smov.u32 s16;
	s30 =	simm.s32 $0x400;
	_ =	swait.ge [sflag:s25], $0x2800  }
0x89: {  	p1 =	seq.s32 s22, $0x0;
	s19 =	rddreg [dreg:$0x3];
	[sflag:s25] =	ssyncset.done $0x0  }
0x8a: {  	s21 =	rddreg [dreg:$0x4];
	[sflag:s25] =	ssyncadd.s32 $0xFFFFD800;
	s19 =	sadd.s32 s22, s19  }
0x8b: {  	[hbm4b:s19+s3] =	stream.linear.scatter [tilespmem:s30], [sflag:$0x7], $0x2800, $0x38;
	[tilespmem:$0xF400] =	vst v63  }
0x8c: {  	s21 =	sadd.s32 s22, s21;
	s22 =	simm.s32 @!p1 $0x9  }
0x8d: {  	[hbm4b:s21+s3] =	stream.linear.scatter [tilespmem:s31], [sflag:$0xA], $0x2800, $0x38;
	[tilespmem:$0xF400] =	vst v63  }
0x8e: {  	_ =	swait.ge @!p1 [sflag:s22], $0x2800  }
0x8f: {  	[sflag:s22] =	ssyncset.done @!p1 $0x0  }
0x90: {  	s25 =	smov.u32 s23;
	s23 =	simm.s32 @!p1 $0xC;
	[sflag:s22] =	ssyncadd.s32 @!p1 $0xFFFFD800  }
0x91: {  	_ =	swait.ge @!p1 [sflag:s23], $0x2800  }
0x92: {  	s4 =	sadd.s32 $0x1E, s4;
	[sflag:s23] =	ssyncset.done @!p1 $0x0  }
0x93: {  	s1 =	sadd.s32 s4, s17;
	[sflag:s23] =	ssyncadd.s32 @!p1 $0xFFFFD800  }
0x94: {  	[tilespmem:s29], [sflag:$0xD] =	stream.linear.gather [hbm4b:s1+s3], $0x50, $0x38;
	[tilespmem:$0xF400] =	vst v63  }
0x95: {  	_ =	swait.ge [sflag:s18], $0x50  }
0x96: {  	s5 =	sadd.s32 $0x1E, s5;
	[sflag:s18] =	ssyncset.done $0x0  }
0x97: {  	s1 =	sadd.s32 s5, s17;
	[sflag:s18] =	ssyncadd.s32 $0xFFFFFFB0  }
0x98: {  	[tilespmem:s6], [sflag:$0xD] =	stream.linear.gather [hbm4b:s1+s3], $0x50, $0x38;
	[tilespmem:$0xF400] =	vst v63  }
0x99: {  	_ =	swait.ge [sflag:s18], $0x50  }
0x9a: {  	[sflag:s18] =	ssyncset.done $0x0  }
0x9b: {  	[sflag:s18] =	ssyncadd.s32 $0xFFFFFFB0  }
0x9c: {  	[tilespmem:s7], [sflag:$0x3] =	stream.indirect.gather [hbm4b:s2+s20], $0x80, s29, s20, $0xb8;
	[tilespmem:$0xF400] =	vst v63  }
0x9d: {  	s22 =	simm.s32 $0x2  }
0x9e: {  	[tilespmem:s8], [sflag:$0x6] =	stream.indirect.gather [hbm4b:s2+s20], $0x80, s6, s20, $0xb8;
	[tilespmem:$0xF400] =	vst v63  }
0x9f: {  	_ =	swait.ge [sflag:s22], $0x2800  }
0xa0: {  	[sflag:s22] =	ssyncset.done $0x0  }
0xa1: {  	s23 =	simm.s32 $0x5;
	[sflag:s22] =	ssyncadd.s32 $0xFFFFD800  }
0xa2: {  	_ =	swait.ge [sflag:s23], $0x2800  }
0xa3: {  	[sflag:s23] =	ssyncset.done $0x0  }
0xa4: {  	s1 =	simm.s32 $0x2C00;
	s22 =	sadd.s32 $0x500, s19;
	[sflag:s23] =	ssyncadd.s32 $0xFFFFD800  }
0xa5: {  	[hbm4b:s22+s3] =	stream.linear.scatter [tilespmem:s1], [sflag:$0x8], $0x2800, $0x38;
	[tilespmem:$0xF400] =	vst v63  }
0xa6: {  	s23 =	sadd.s32 $0x500, s21  }
0xa7: {  	[hbm4b:s23+s3] =	stream.linear.scatter [tilespmem:s28], [sflag:$0xB], $0x2800, $0x38;
	[tilespmem:$0xF400] =	vst v63  }
0xa8: {  	s23 =	simm.s32 $0x7  }
0xa9: {  	_ =	swait.ge [sflag:s23], $0x2800  }
0xaa: {  	[sflag:s23] =	ssyncset.done $0x0  }
0xab: {  	[sflag:s23] =	ssyncadd.s32 $0xFFFFD800  }
0xac: {  	_ =	swait.ge [sflag:s9], $0x2800  }
0xad: {  	s22 =	sshrl.u32 s14, $0x3;
	[sflag:s9] =	ssyncset.done $0x0  }
0xae: {  	s23 =	sadd.s32 s24, s22;
	[sflag:s9] =	ssyncadd.s32 $0xFFFFD800  }
0xaf: {  	[tilespmem:s3], [sflag:$0xD] =	stream.linear.gather [hbm4b:s23+s3], $0x50, $0x38;
	[tilespmem:$0xF400] =	vst v63  }
0xb0: {  	_ =	swait.ge [sflag:s18], $0x50  }
0xb1: {  	[sflag:s18] =	ssyncset.done $0x0  }
0xb2: {  	s26 =	simm.s32 $0x200;
	s22 =	sadd.s32 s25, s22;
	[sflag:s18] =	ssyncadd.s32 $0xFFFFFFB0  }
0xb3: {  	[tilespmem:s26], [sflag:$0xD] =	stream.linear.gather [hbm4b:s22+s3], $0x50, $0x38;
	[tilespmem:$0xF400] =	vst v63  }
0xb4: {  	_ =	swait.ge [sflag:s18], $0x50  }
0xb5: {  	[sflag:s18] =	ssyncset.done $0x0  }
0xb6: {  	[sflag:s18] =	ssyncadd.s32 $0xFFFFFFB0  }
0xb7: {  	[tilespmem:s30], [sflag:$0x1] =	stream.indirect.gather [hbm4b:s2+s20], $0x80, s3, s20, $0xb8;
	[tilespmem:$0xF400] =	vst v63  }
0xb8: {  	s22 =	simm.s32 $0x200  }
0xb9: {  	[tilespmem:s31], [sflag:$0x4] =	stream.indirect.gather [hbm4b:s2+s20], $0x80, s22, s20, $0xb8;
	[tilespmem:$0xF400] =	vst v63  }
0xba: {  	_ =	swait.ge [sflag:s10], $0x2800  }
0xbb: {  	[sflag:s10] =	ssyncset.done $0x0  }
0xbc: {  	[sflag:s10] =	ssyncadd.s32 $0xFFFFD800  }
0xbd: {  	_ =	swait.ge [sflag:s11], $0x2800  }
0xbe: {  	[sflag:s11] =	ssyncset.done $0x0  }
0xbf: {  	s19 =	sadd.s32 $0xA00, s19;
	[sflag:s11] =	ssyncadd.s32 $0xFFFFD800  }
0xc0: {  	[hbm4b:s19+s3] =	stream.linear.scatter [tilespmem:s7], [sflag:$0x9], $0x2800, $0x38;
	[tilespmem:$0xF400] =	vst v63  }
0xc1: {  	s21 =	sadd.s32 $0xA00, s21  }
0xc2: {  	[hbm4b:s21+s3] =	stream.linear.scatter [tilespmem:s8], [sflag:$0xC], $0x2800, $0x38;
	[tilespmem:$0xF400] =	vst v63  }
0xc3: {  	_ =	swait.ge [sflag:s12], $0x2800  }
0xc4: {  	[sflag:s12] =	ssyncset.done $0x0  }
0xc5: {  	[sflag:s12] =	ssyncadd.s32 $0xFFFFD800  }
0xc6: {  	_ =	swait.ge [sflag:s13], $0x2800  }
0xc7: {  	[sflag:s13] =	ssyncset.done $0x0  }
0xc8: {  	s30 =	simm.s32 $0x80;
	s21 =	sadd.s32 s4, s15;
	[sflag:s13] =	ssyncadd.s32 $0xFFFFD800  }
0xc9: {  	[tilespmem:s30], [sflag:$0xD] =	stream.linear.gather [hbm4b:s21+s3], $0x50, $0x38;
	[tilespmem:$0xF400] =	vst v63  }
0xca: {  	_ =	swait.ge [sflag:s18], $0x50  }
0xcb: {  	s16 =	sadd.s32 $0xF00, s16;
	[sflag:s18] =	ssyncset.done $0x0  }
0xcc: {  	p0 =	sne.s32 s16, $0x26700;
	s19 =	sadd.s32 s5, s15;
	[sflag:s18] =	ssyncadd.s32 $0xFFFFFFB0  }
0xcd: {  	[tilespmem:s0], [sflag:$0xD] =	stream.linear.gather [hbm4b:s19+s3], $0x50, $0x38;
	[tilespmem:$0xF400] =	vst v63  }
.Ltmp0:
0xce: {  	_ = 	snop;
	(pc) =	sbr.rel @p0 .LBB2_2-.Ltmp0, $4  }
0xcf: {  	s14 =	sadd.s32 $0xF0, s14;
	s23 =	smov.u32 s25;
	_ =	swait.ge [sflag:s18], $0x50  }
0xd0: {  	s25 =	simm.s32 $0x400;
	s26 =	simm.s32 $0x7C00;
	[sflag:s18] =	ssyncset.done $0x0  }
0xd1: {  	s21 =	simm.s32 $0x280;
	s0 =	simm.s32 $0x2C00;
	[sflag:s18] =	ssyncadd.s32 $0xFFFFFFB0  }
0xd2: {  	[tilespmem:s1], [sflag:$0x2] =	stream.indirect.gather [hbm4b:s2+s20], $0x80, s30, s20, $0xb8;
	[tilespmem:$0xF400] =	vst v63  }
0xd3: {  	s1 =	simm.s32 $0xA400;
	s4 =	simm.s32 $0x1  }
0xd4: {  	[tilespmem:s1], [sflag:$0x5] =	stream.indirect.gather [hbm4b:s2+s20], $0x80, s21, s20, $0xb8;
	[tilespmem:$0xF400] =	vst v63  }
0xd5: {  	_ =	swait.ge [sflag:s4], $0x2800  }
0xd6: {  	[sflag:s4] =	ssyncset.done $0x0  }
0xd7: {  	s19 =	simm.s32 $0x4;
	[sflag:s4] =	ssyncadd.s32 $0xFFFFD800  }
0xd8: {  	_ =	swait.ge [sflag:s19], $0x2800  }
0xd9: {  	[sflag:s19] =	ssyncset.done $0x0  }
0xda: {  	s21 =	rddreg [dreg:$0x9];
	[sflag:s19] =	ssyncadd.s32 $0xFFFFD800  }
0xdb: {  	[hbm4b:s21+s3] =	stream.linear.scatter [tilespmem:s25], [sflag:$0x7], $0x2800, $0x38;
	[tilespmem:$0xF400] =	vst v63  }
0xdc: {  	s6 =	simm.s32 $0x2;
	s5 =	rddreg [dreg:$0xa]  }
0xdd: {  	[hbm4b:s5+s3] =	stream.linear.scatter [tilespmem:s26], [sflag:$0xA], $0x2800, $0x38;
	[tilespmem:$0xF400] =	vst v63  }
0xde: {  	_ =	swait.ge [sflag:s6], $0x2800  }
0xdf: {  	[sflag:s6] =	ssyncset.done $0x0  }
0xe0: {  	s7 =	simm.s32 $0x5;
	[sflag:s6] =	ssyncadd.s32 $0xFFFFD800  }
0xe1: {  	_ =	swait.ge [sflag:s7], $0x2800  }
0xe2: {  	[sflag:s7] =	ssyncset.done $0x0  }
0xe3: {  	s8 =	rddreg [dreg:$0xb];
	[sflag:s7] =	ssyncadd.s32 $0xFFFFD800  }
0xe4: {  	[hbm4b:s8+s3] =	stream.linear.scatter [tilespmem:s0], [sflag:$0x8], $0x2800, $0x38;
	[tilespmem:$0xF400] =	vst v63  }
0xe5: {  	s16 =	simm.s32 $0x9;
	s14 =	rddreg [dreg:$0xc]  }
0xe6: {  	[hbm4b:s14+s3] =	stream.linear.scatter [tilespmem:s1], [sflag:$0xB], $0x2800, $0x38;
	[tilespmem:$0xF400] =	vst v63  }
0xe7: {  	_ =	swait.ge [sflag:s16], $0x2800  }
0xe8: {  	[sflag:s16] =	ssyncset.done $0x0  }
0xe9: {  	s19 =	simm.s32 $0xC;
	[sflag:s16] =	ssyncadd.s32 $0xFFFFD800  }
0xea: {  	_ =	swait.ge [sflag:s19], $0x2800  }
0xeb: {  	[sflag:s19] =	ssyncset.done $0x0  }
0xec: {  	s21 =	simm.s32 $0x7;
	[sflag:s19] =	ssyncadd.s32 $0xFFFFD800  }
0xed: {  	_ =	swait.ge [sflag:s21], $0x2800  }
0xee: {  	[sflag:s21] =	ssyncset.done $0x0  }
0xef: {  	[sflag:s21] =	ssyncadd.s32 $0xFFFFD800  }
0xf0: {  	_ =	swait.ge [sflag:s9], $0x2800  }
0xf1: {  	[sflag:s9] =	ssyncset.done $0x0  }
0xf2: {  	[sflag:s9] =	ssyncadd.s32 $0xFFFFD800  }
0xf3: {  	_ =	swait.ge [sflag:s12], $0x2800  }
0xf4: {  	[sflag:s12] =	ssyncset.done $0x0  }
0xf5: {  	[sflag:s12] =	ssyncadd.s32 $0xFFFFD800  }
0xf6: {  	_ =	swait.ge [sflag:s13], $0x2800  }
0xf7: {  	s25 =	rddreg [dreg:$0xf]  }
0xf8: {  	s26 =	rddreg [dreg:$0xd];
	s0 =	sadd.s32 $0x1, s25  }
0xf9: {  	p0 =	sne.s32 s0, s26  }
.Ltmp1:
0xfa: {  	_ = 	snop;
	(pc) =	sbr.rel @p0 .LBB2_1-.Ltmp1, $3  }
0xfb: {  	_ =	sdelay $0x1  }
0xfc: {  	s6 =	simm.s32 $0x300;
	s7 =	simm.s32 $0x5400;
	[sflag:s13] =	ssyncset.done $0x0  }
0xfd: {  	s8 =	simm.s32 $0xCC00;
	[sflag:s13] =	ssyncadd.s32 $0xFFFFD800;
	s26 =	simm.s32 $0x100  }
0xfe: {  	_ =	sfence.sel $0x180000  }
0xff: {  	[bflag:$0x0] =	sbarrier.arrive $0xFFFF  }
0x100: {  	_ =	strace $0x90000047  }
0x101: {  	s0 =	stileid.u32;
	[bflag:$0x2] =	sbarrier.arrive $0xFFFF  }
0x102: {  	p0 =	sne.s32 s0, $0x0;
	s0 =	rddreg [dreg:$0x2]  }
0x103: {  	s0 =	sadd.s32 @!p0 $0x100000, s0  }
0x104: {  	[sflag:s0] =	ssyncadd.tile.s32 @!p0 $0x1;
	_ =	shalt  }
.Lfunc_end2:
_tile_overlayer_lowered:
.L_overlay_start_2:
0x105: {  	(tag) =	ssettag $0x2  }
0x106: {  	s0 =	rddreg [dreg:$0x0];
	s2 =	stileid.u32  }
0x107: {  	s1 =	rddreg [dreg:$0x1];
	p0 =	sne.s32 s2, $0x0  }
0x108: {  	s3 =	rddreg [dreg:$0x2];
	[bflag:$0x3] =	sbarrier.arrive $0xFFFF;
	s2 =	simm.s32 @!p0 $0x1C0D  }
0x109: {  	[timem:s3], [sflag:s2] =	dma.local @!p0 [hbm:s0], s1  }
0x10a: {  	s0 =	simm.s32 @!p0 $0xD  }
0x10b: {  	_ =	swait.ge @!p0 [sflag:s0], s1  }
0x10c: {  	s1 =	ssub.s32 @!p0 $0x0, s1;
	[sflag:s0] =	ssyncset.done @!p0 $0x0  }
0x10d: {  	[sflag:s0] =	ssyncadd.s32 @!p0 s1  }
0x10e: {  	[bflag:$0x3] =	sbarrier.arrive $0xFFFF  }
0x10f: {  	_ =	shalt  }

// kernel: kernel.9.cloned.1.call-start
scs
__scs_entry_jumppad:
0x0: {  	(pc) =	sbr.rel $0x88, $3  }
0x1: {  	(tag) =	ssettag $0x0;
	lr =	simm.s32 $0x1  }
0x2: {  	[smem:$0x3F95] =	sst lr;
	_ =	strace $0xD0000000  }
0x3: {  	_ = 	snop  }
0x4: {  	_ = 	snop  }
0x5: {  	_ = 	snop  }
0x6: {  	_ = 	snop  }
0x7: {  	_ = 	snop  }
__scs_overlays_trampoline_lowered:
0x8: {  	[smem:$0x3FA4] =	sst s0  }
0x9: {  	[smem:$0x3FA5] =	sst s1  }
0xa: {  	[smem:$0x3FA6] =	sst s2  }
0xb: {  	[smem:$0x3FA7] =	sst s3  }
0xc: {  	[smem:$0x3FA8] =	sst s4  }
0xd: {  	[smem:$0x3FA9] =	sst s5  }
0xe: {  	[smem:$0x3FAA] =	sst s6  }
0xf: {  	[smem:$0x3FAB] =	sst s7  }
0x10: {  	[smem:$0x3FAC] =	sst s8  }
0x11: {  	[smem:$0x3FAD] =	sst s9;
	s0 =	simm.s32 @!p0 $0x0  }
0x12: {  	s1 =	sld [smem:$0x3F93];
	s0 =	simm.s32 @p0 $0x1  }
0x13: {  	[smem:$0x3FAE] =	sst s0;
	s0 =	simm.s32 @!p1 $0x0  }
0x14: {  	s2 =	sld [smem:$0x3F92];
	s0 =	simm.s32 @p1 $0x1  }
0x15: {  	[smem:$0x3FAF] =	sst s0;
	s0 =	simm.s32 @!p2 $0x0  }
0x16: {  	s3 =	sld [smem:$0x3FDB];
	s0 =	simm.s32 @p2 $0x1  }
0x17: {  	s4 =	simm.s32 $0x1BF5;
	[smem:$0x3FB1] =	sst s0  }
0x18: {  	s0 =	sld [smem:$0x3F94];
	_ =	swait.ge [sflag:s4], $0x0  }
0x19: {  	s7 =	sld [smem:$0x3F95]  }
0x1a: {  	s8 =	sadd.s32 $0xFFFFE003, lr  }
0x1b: {  	s9 =	sadd.s32 $0xFFFFFEF7, lr;
	s5 =	simm.s32 $0xFFFFFFFF;
	p2 =	slt.u32 s8, $0xFFFFF086  }
0x1c: {  	p1 =	slt.u32 s9, $0xF7A;
	s5 =	simm.s32 @!p2 $0x0  }
0x1d: {  	s5 =	simm.s32 @p1 $0x1;
	p0 =	seq.s32 s7, s2  }
0x1e: {  	s7 =	smul.u32 @!p0 $0xF7A, s2;
	p2 =	seq.s32 @!p0 s5, $0x0  }
0x1f: {  	s9 =	smul.u32 $0xF7A, s1;
	s8 =	simm.s32 @!p0 $0x1BF5;
	p2 =	por !p2, p0  }
0x20: {  	[sflag:s8] =	ssyncset.s32 @!p0 $0xFFFFF086;
	s6 =	sadd.s32 @!p0 s3, s7;
	s7 =	simm.s32 @!p0 $0x108  }
0x21: {  	s3 =	sadd.s32 s3, s9;
	s6 =	sadd.s32 @!p0 $0x88, s6;
	s7 =	simm.s32 @p2 $0x1082  }
0x22: {  	[simem:s7], [sflag:s8] =	dma.local @!p0 [hbm:s6], $0xF7A  }
0x23: {  	s9 =	sor.u32 $0xD0000000, s2;
	s6 =	simm.s32 $0x108;
	_ =	swait.ge @!p0 [sflag:s8], $0x0  }
0x24: {  	s3 =	sadd.s32 $0x88, s3;
	s6 =	simm.s32 @!p1 $0x1082;
	[sflag:s4] =	ssyncset.s32 $0xFFFFF086  }
0x25: {  	[simem:s6], [sflag:s4] =	dma.local [hbm:s3], $0xF7A  }
0x26: {  	[smem:$0x3F95] =	sst s1;
	(tag) =	ssettag s2;
	_ =	strace s9  }
0x27: {  	s1 =	sld [smem:$0x3FA5]  }
0x28: {  	s2 =	sld [smem:$0x3FA6]  }
0x29: {  	s4 =	sld [smem:$0x3FA8]  }
0x2a: {  	p0 =	seq.s32 s5, $0x0;
	s5 =	sld [smem:$0x3FA9]  }
0x2b: {  	s6 =	sld [smem:$0x3FAA]  }
0x2c: {  	s7 =	sld [smem:$0x3FAB]  }
0x2d: {  	s3 =	simm.s32 $0x108;
	s8 =	sld [smem:$0x3FAC]  }
0x2e: {  	s3 =	simm.s32 @!p0 $0x1082;
	s9 =	sld [smem:$0x3FAD]  }
0x2f: {  	lr =	sadd.s32 s0, s3;
	s0 =	sld [smem:$0x3FA4]  }
0x30: {  	s3 =	sld [smem:$0x3FA7]  }
0x31: {  	[smem:$0x3FB0] =	sst s10  }
0x32: {  	s10 =	sld [smem:$0x3FAE];
	_ =	sdelay $0x3  }
0x33: {  	p0 =	seq.s32 s10, $0x1;
	s10 =	sld [smem:$0x3FB0];
	_ =	sdelay $0x3  }
0x34: {  	[smem:$0x3FB0] =	sst s10  }
0x35: {  	s10 =	sld [smem:$0x3FAF];
	_ =	sdelay $0x3  }
0x36: {  	p1 =	seq.s32 s10, $0x1;
	s10 =	sld [smem:$0x3FB0];
	_ =	sdelay $0x3  }
0x37: {  	[smem:$0x3FB0] =	sst s10  }
0x38: {  	s10 =	sld [smem:$0x3FB1]  }
0x39: {  	_ = 	snop;
	(pc) =	sbr.ind lr, $3  }
0x3a: {  	_ = 	snop  }
0x3b: {  	_ = 	snop  }
0x3c: {  	p2 =	seq.s32 s10, $0x1;
	s10 =	sld [smem:$0x3FB0]  }
0x3d: {  	_ =	shalt  }
0x3e: {  	_ =	shalt  }
0x3f: {  	_ =	shalt  }
0x40: {  	_ =	shalt  }
0x41: {  	_ =	shalt  }
0x42: {  	_ =	shalt  }
0x43: {  	_ =	shalt  }
0x44: {  	_ =	shalt  }
0x45: {  	_ =	shalt  }
0x46: {  	_ =	shalt  }
0x47: {  	_ =	shalt  }
0x48: {  	_ =	shalt  }
0x49: {  	_ =	shalt  }
0x4a: {  	_ =	shalt  }
0x4b: {  	_ =	shalt  }
0x4c: {  	_ =	shalt  }
0x4d: {  	_ =	shalt  }
0x4e: {  	_ =	shalt  }
0x4f: {  	_ =	shalt  }
0x50: {  	_ =	shalt  }
0x51: {  	_ =	shalt  }
0x52: {  	_ =	shalt  }
0x53: {  	_ =	shalt  }
0x54: {  	_ =	shalt  }
0x55: {  	_ =	shalt  }
0x56: {  	_ =	shalt  }
0x57: {  	_ =	shalt  }
0x58: {  	_ =	shalt  }
0x59: {  	_ =	shalt  }
0x5a: {  	_ =	shalt  }
0x5b: {  	_ =	shalt  }
0x5c: {  	_ =	shalt  }
0x5d: {  	_ =	shalt  }
0x5e: {  	_ =	shalt  }
0x5f: {  	_ =	shalt  }
0x60: {  	_ =	shalt  }
0x61: {  	_ =	shalt  }
0x62: {  	_ =	shalt  }
0x63: {  	_ =	shalt  }
0x64: {  	_ =	shalt  }
0x65: {  	_ =	shalt  }
0x66: {  	_ =	shalt  }
0x67: {  	_ =	shalt  }
0x68: {  	_ =	shalt  }
0x69: {  	_ =	shalt  }
0x6a: {  	_ =	shalt  }
0x6b: {  	_ =	shalt  }
0x6c: {  	_ =	shalt  }
0x6d: {  	_ =	shalt  }
0x6e: {  	_ =	shalt  }
0x6f: {  	_ =	shalt  }
0x70: {  	_ =	shalt  }
0x71: {  	_ =	shalt  }
0x72: {  	_ =	shalt  }
0x73: {  	_ =	shalt  }
0x74: {  	_ =	shalt  }
0x75: {  	_ =	shalt  }
0x76: {  	_ =	shalt  }
0x77: {  	_ =	shalt  }
0x78: {  	_ =	shalt  }
0x79: {  	_ =	shalt  }
0x7a: {  	_ =	shalt  }
0x7b: {  	_ =	shalt  }
0x7c: {  	_ =	shalt  }
0x7d: {  	_ =	shalt  }
0x7e: {  	_ =	shalt  }
0x7f: {  	_ =	shalt  }
0x80: {  	_ =	shalt  }
0x81: {  	_ =	shalt  }
0x82: {  	_ =	shalt  }
0x83: {  	_ =	shalt  }
0x84: {  	_ =	shalt  }
0x85: {  	_ =	shalt  }
0x86: {  	_ =	shalt  }
0x87: {  	_ =	shalt  }
.Lfunc_end0:
.L_simem_size_0:
called_computation.1_lowered:
.L_overlay_start_0:
0x88: {  	s2 =	sld [smem:$0x3FD9]  }
0x89: {  	s3 =	sld [smem:$0x3FFE];
	_ =	sdelay $0x1  }
0x8a: {  	s1 =	srdreg.scid  }
0x8b: {  	s0 =	sand.u32 $0x1, s1  }
0x8c: {  	s16 =	sshll.u32 s0, $0xA;
	s2 =	sadd.s32 s3, s2  }
0x8d: {  	s2 =	sadd.s32 s2, s16  }
0x8e: {  	[smem:$0x3FBC] =	sst s2  }
0x8f: {  	_ = 	snop  }
0x90: {  	(tm) =	ssettm $0x1  }
0x91: {  	s17 =	sld [smem:$0x3FFB];
	_ =	sdelay $0x3  }
0x92: {  	_ =	strace s17  }
0x93: {  	s2 =	sld [smem:$0x3FFC];
	_ =	sdelay $0x3  }
0x94: {  	_ =	strace s2  }
0x95: {  	s2 =	sld [smem:$0x3FFD];
	_ =	sdelay $0x3  }
0x96: {  	_ =	strace s2  }
0x97: {  	_ =	strace $0x8FFFFFFF  }
0x98: {  	s18 =	sld [smem:$0x3FDB];
	_ =	sdelay $0x1  }
0x99: {  	s19 =	simm.s32 $_scs_section_size  }
0x9a: {  	s4 =	simm.s32 $_size__tile_overlayer_lowered;
	s5 =	simm.s32 $_tile_overlayer_lowered  }
0x9b: {  	s22 =	simm.s32 $0x1BFF;
	s21 =	sshll.u32 s5, $0x1;
	s2 =	sadd.s32 s19, s18  }
0x9c: {  	s6 =	simm.s32 $0x0;
	s20 =	sshll.u32 s4, $0x1;
	s4 =	sadd.s32 s21, s2  }
0x9d: {  	[timem:s6], [sflag:s22] =	dma.local [hbm:s4], s20  }
0x9e: {  	_ =	swait.ge [sflag:s22], s20  }
0x9f: {  	s3 =	ssub.s32 $0x0, s20;
	[sflag:s22] =	ssyncset.done $0x0  }
0xa0: {  	[sflag:s22] =	ssyncadd.s32 s3;
	_ =	sdelay $0x1  }
0xa1: {  	s23 =	simm.s32 $0x1B8B  }
0xa2: {  	_ =	swait.ge [sflag:s23], $0x1  }
0xa3: {  	[sflag:s23] =	ssyncset.done $0x0  }
0xa4: {  	s25 =	simm.s32 $0x1B8E;
	s24 =	sld [smem:$0x3FFE];
	[sflag:s23] =	ssyncadd.s32 $0xFFFFFFFF  }
0xa5: {  	s26 =	simm.s32 $execute0_lowered;
	[smem:$0x3FD2] =	sst s25  }
0xa6: {  	s4 =	sshll.u32 s26, $0x1;
	_ =	strace $0x80000049;
	[dreg:$0x1] =	wrdreg $0xFFFFFFFF  }
0xa7: {  	s28 =	simm.s32 $_size_execute0_lowered;
	s2 =	sadd.s32 s2, s4;
	[dreg:$0x0] =	wrdreg $0x0  }
0xa8: {  	s4 =	sshll.u32 s28, $0x1;
	[dreg:$0x2] =	wrdreg s2  }
0xa9: {  	[dreg:$0x3] =	wrdreg s4  }
0xaa: {  	[dreg:$0x4] =	wrdreg $0xC0  }
0xab: {  	_ =	task [dreg:s6], $0x5FFFF  }
0xac: {  	[dreg:$0x1] =	wrdreg $0xFFFFFFFF  }
0xad: {  	[dreg:$0x0] =	wrdreg $0x60  }
0xae: {  	[dreg:$0x2] =	wrdreg s24  }
0xaf: {  	[dreg:$0x3] =	wrdreg $0x2D000  }
0xb0: {  	[dreg:$0x4] =	wrdreg $0x9  }
0xb1: {  	_ =	task.clear_ibuf [dreg:s6], $0x5FFFF;
	_ =	strace $0x90000049  }
0xb2: {  	s29 =	simm.s32 $0x9;
	_ =	strace $0x8000004B  }
0xb3: {  	_ =	swait.ge [sflag:s29], $0x1  }
0xb4: {  	[sflag:s29] =	ssyncadd.s32 $0xFFFFFFFF  }
0xb5: {  	_ =	strace $0x9000004B  }
0xb6: {  	_ =	sfence  }
0xb7: {  	s30 =	sld [smem:$0x0];
	_ =	sdelay $0x2  }
0xb8: {  	s31 =	sshll.u32 s1, $0xD;
	s1 =	sshrl.u32 s1, $0x2  }
0xb9: {  	s3 =	sand.u32 $0x4000, s31;
	s1 =	sadd.s32 s1, s30  }
0xba: {  	s0 =	sor.u32 s3, s0;
	s1 =	sshll.u32 s1, $0x11  }
0xbb: {  	s0 =	sor.u32 s1, s0  }
0xbc: {  	s0 =	sadd.s32 $0x8F2B, s0  }
0xbd: {  	[sflag:s0] =	ssyncadd.remote.s32 $0x1  }
0xbe: {  	_ =	sfence.sel $0xFFFF  }
0xbf: {  	[dreg:$0x0] =	wrdreg $0xFFFFFFFF;
	(pc) =	sbr.abs _section_cstart, $3  }
0xc0: {  	[dreg:$0x1] =	wrdreg $0xFFFFFFFF  }
0xc1: {  	_ =	task.clear_ibuf [dreg:s6], $0x2FFFF;
	_ =	strace $0x9FFFFFFF  }
0xc2: {  	(tm) =	ssettm $0x7FFFFFFF  }
0xc3: {  	_ =	shalt  }
tec
execute0_lowered:
.L_overlay_start_1:
0x0: {  	(tag) =	ssettag $0x1  }
0x1: {  	s0 =	rddreg [dreg:$0x0]  }
0x2: {  	s1 =	rddreg [dreg:$0x1];
	s2 =	simm.s32 $0x0;
	s3 =	srdreg.scid  }
0x3: {  	s15 =	stileid.u32;
	s28 =	simm.s32 $0x3;
	s29 =	simm.s32 $0x480  }
0x4: {  	s30 =	simm.s32 $0x50;
	s31 =	simm.s32 $0x2;
	[smem:$0x7FF] =	sst s2  }
0x5: {  	s4 =	sadd.s32 $0x1000, s0;
	s5 =	sadd.s32 $0xAE00, s0;
	s3 =	sand.u32 $0x1, s3  }
0x6: {  	s8 =	sshll.u32 s15, $0x1;
	s6 =	sadd.s32 $0xECE800, s0;
	s13 =	smul.u32 $0x4E20, s15  }
0x7: {  	s7 =	sadd.s32 $0xEC4A00, s0;
	s20 =	sadd.s32 $0x14C00, s0;
	s23 =	smul.u32 $0x50000, s15  }
0x8: {  	s18 =	smul.u32 $0x2800, s15;
	_ =	strace $0x8000004A;
	s9 =	sor.u32 s3, s8  }
0x9: {  	s8 =	sadd.s32 $0xEBAC00, s0;
	s10 =	ssub.s32 $0x2, s3;
	s21 =	smul.u32 $0x2710, s3  }
0xa: {  	[dreg:$0xc] =	wrdreg s20;
	p0 =	seq.s32 s3, $0x1;
	s3 =	simm.s32 $0x0  }
0xb: {  	s11 =	smul.u32 $0x2710, s9;
	s12 =	sshrl.u32 s10, $0x1;
	s25 =	sshrl.u32 s23, $0x2  }
0xc: {  	s9 =	sadd.s32 s20, s18;
	s23 =	simm.s32 $0x80;
	s10 =	ssub.s32 s10, s12  }
0xd: {  	s12 =	sadd.s32 s21, s13;
	[dreg:$0x13] =	wrdreg s9;
	s11 =	sshrl.u32 s11, $0x3  }
0xe: {  	[dreg:$0x8] =	wrdreg s23;
	s23 =	simm.s32 $0x300;
	s14 =	sadd.s32 s5, s11  }
0xf: {  	s26 =	sadd.s32 $0x50, s12;
	s22 =	sadd.s32 s4, s11;
	[dreg:$0xd] =	wrdreg s14  }
0x10: {  	s17 =	smax.u32 s10, $0x1;
	s16 =	sadd.s32 s6, s11;
	[dreg:$0xe] =	wrdreg s22  }
0x11: {  	s10 =	simm.s32 $0x64C00;
	s24 =	sadd.s32 s7, s11;
	[dreg:$0xf] =	wrdreg s16  }
0x12: {  	s12 =	sadd.s32 $0xA0, s12;
	s11 =	sadd.s32 s8, s11;
	[dreg:$0x10] =	wrdreg s24  }
0x13: {  	s15 =	sshrl.u32 s26, $0x3;
	s26 =	simm.s32 $0x380;
	[dreg:$0x11] =	wrdreg s11  }
0x14: {  	s10 =	simm.s32 @!p0 $0x3CC00;
	s14 =	sadd.s32 s25, s1;
	[dreg:$0xb] =	wrdreg s26  }
0x15: {  	v0 =	vlaneseq.u32;
	s16 =	sadd.s32 s15, s8;
	s19 =	sadd.s32 s15, s7;
	[dreg:$0x12] =	wrdreg s14  }
0x16: {  	v0 =	vmul.u32 $0x80, v0;
	s20 =	sadd.s32 s15, s6;
	s21 =	sadd.s32 s15, s4;
	[dreg:$0x3] =	wrdreg s16  }
0x17: {  	s0 =	sadd.s32 s10, s0;
	s22 =	sadd.s32 s15, s5;
	[dreg:$0x4] =	wrdreg s19  }
0x18: {  	v1 =	vor.u32 $0x1, v0;
	v2 =	vor.u32 $0x2, v0;
	s24 =	simm.s32 $0x180;
	s25 =	simm.s32 $0x280;
	[dreg:$0x5] =	wrdreg s20  }
0x19: {  	v3 =	vor.u32 $0x800, v0;
	v4 =	vor.u32 $0x801, v0;
	v5 =	vor.u32 $0x802, v0;
	s26 =	simm.s32 $0x1;
	[dreg:$0x6] =	wrdreg s21;
	s18 =	sadd.s32 s0, s18  }
0x1a: {  	v6 =	vor.u32 $0x1000, v0;
	v7 =	vor.u32 $0x1001, v0;
	v8 =	vor.u32 $0x1002, v0;
	[dreg:$0x7] =	wrdreg s22;
	s20 =	simm.s32 $0x400;
	s21 =	simm.s32 $0x100  }
0x1b: {  	v9 =	vor.u32 $0x1800, v0;
	v10 =	vor.u32 $0x1801, v0;
	v11 =	vor.u32 $0x1802, v0;
	s22 =	simm.s32 $0x200;
	[dreg:$0x9] =	wrdreg s24;
	s24 =	simm.s32 $0x500  }
0x1c: {  	v12 =	vor.u32 $0x2000, v0;
	v13 =	vor.u32 $0x2001, v0;
	v14 =	vor.u32 $0x2002, v0;
	[dreg:$0xa] =	wrdreg s25;
	s25 =	simm.s32 $0x5;
	s0 =	simm.s32 $0x4  }
.LBB2_1:
0x1d: {  	s9 =	rddreg [dreg:$0xd]  }
0x1e: {  	[tilespmem:s20], [sflag:$0x1] =	stream.linear.gather [hbm4b:s9+s2], $0x50, $0x38;
	[tilespmem:$0x5500] =	vst v63  }
0x1f: {  	s19 =	rddreg [dreg:$0xe]  }
0x20: {  	[tilespmem:s2], [sflag:$0x3] =	stream.linear.gather [hbm4b:s19+s2], $0x50, $0x38;
	[tilespmem:$0x5500] =	vst v63  }
0x21: {  	s10 =	rddreg [dreg:$0xf]  }
0x22: {  	[tilespmem:s21], [sflag:$0x3] =	stream.linear.gather [hbm4b:s10+s2], $0x50, $0x38;
	[tilespmem:$0x5500] =	vst v63  }
0x23: {  	s11 =	rddreg [dreg:$0x10]  }
0x24: {  	[tilespmem:s22], [sflag:$0x3] =	stream.linear.gather [hbm4b:s11+s2], $0x50, $0x38;
	[tilespmem:$0x5500] =	vst v63  }
0x25: {  	s13 =	rddreg [dreg:$0x11]  }
0x26: {  	[tilespmem:s23], [sflag:$0x3] =	stream.linear.gather [hbm4b:s13+s2], $0x50, $0x38;
	[tilespmem:$0x5500] =	vst v63  }
0x27: {  	s14 =	rddreg [dreg:$0xc];
	s15 =	stileid.u32  }
0x28: {  	[tilespmem:s24], [sflag:$0x5] =	stream.linear.gather [hbm4b:s14+s2], $0x2800, $0x38;
	[tilespmem:$0x5500] =	vst v63  }
0x29: {  	s10 =	sshll.u32 s15, $0x6;
	_ =	swait.ge [sflag:s25], $0x2800  }
0x2a: {  	s10 =	sor.u32 $0x1C05, s10;
	[sflag:s25] =	ssyncset.done $0x0;
	s16 =	rddreg [dreg:$0x12]  }
0x2b: {  	s19 =	rddreg [dreg:$0x13];
	[sflag:s25] =	ssyncadd.s32 $0xFFFFD800;
	s11 =	sshrl.u32 s16, $0x3  }
0x2c: {  	[spmem:s11], [sflag:s10] =	dma.local [hbm:s19], $0x2800  }
0x2d: {  	_ =	swait.ge [sflag:s25], $0x2800  }
0x2e: {  	[sflag:s25] =	ssyncset.done $0x0  }
0x2f: {  	[sflag:s25] =	ssyncadd.s32 $0xFFFFD800  }
0x30: {  	s13 =	simm.s32 $0x0;
	s19 =	smov.u32 s12;
	[bflag:$0x0] =	sbarrier.arrive $0xFFFF  }
.LBB2_2:
0x31: {  	_ =	swait.ge [sflag:s26], $0x50  }
0x32: {  	[sflag:s26] =	ssyncset.done $0x0  }
0x33: {  	[sflag:s26] =	ssyncadd.s32 $0xFFFFFFB0  }
0x34: {  	_ =	swait.ge [sflag:s28], $0x50  }
0x35: {  	[sflag:s28] =	ssyncset.done $0x0  }
0x36: {  	[sflag:s28] =	ssyncadd.s32 $0xFFFFFFB0  }
0x37: {  	_ =	swait.ge [sflag:s28], $0x50  }
0x38: {  	[sflag:s28] =	ssyncset.done $0x0  }
0x39: {  	[sflag:s28] =	ssyncadd.s32 $0xFFFFFFB0  }
0x3a: {  	_ =	swait.ge [sflag:s28], $0x50  }
0x3b: {  	[sflag:s28] =	ssyncset.done $0x0  }
0x3c: {  	[sflag:s28] =	ssyncadd.s32 $0xFFFFFFB0  }
0x3d: {  	_ =	swait.ge [sflag:s28], $0x50  }
0x3e: {  	s9 =	rddreg [dreg:$0x7]  }
0x3f: {  	s16 =	rddreg [dreg:$0x6]  }
0x40: {  	[sflag:s28] =	ssyncset.done $0x0;
	s14 =	rddreg [dreg:$0x8]  }
0x41: {  	s15 =	rddreg [dreg:$0x5];
	[sflag:s28] =	ssyncadd.s32 $0xFFFFFFB0;
	s9 =	sadd.s32 s13, s9  }
0x42: {  	[tilespmem:s29], [sflag:$0x2] =	stream.linear.gather [hbm4b:s9+s2], $0x50, $0x38;
	[tilespmem:$0x5500] =	vst v63  }
0x43: {  	s9 =	sadd.s32 s13, s16;
	s16 =	rddreg [dreg:$0x9]  }
0x44: {  	[tilespmem:s14], [sflag:$0x4] =	stream.linear.gather [hbm4b:s9+s2], $0x50, $0x38;
	[tilespmem:$0x5500] =	vst v63  }
0x45: {  	s15 =	sadd.s32 s13, s15;
	s14 =	rddreg [dreg:$0xa]  }
0x46: {  	[tilespmem:s16], [sflag:$0x4] =	stream.linear.gather [hbm4b:s15+s2], $0x50, $0x38;
	[tilespmem:$0x5500] =	vst v63  }
0x47: {  	s16 =	rddreg [dreg:$0x4]  }
0x48: {  	s15 =	rddreg [dreg:$0x3];
	s9 =	sadd.s32 s13, s16  }
0x49: {  	[tilespmem:s14], [sflag:$0x4] =	stream.linear.gather [hbm4b:s9+s2], $0x50, $0x38;
	[tilespmem:$0x5500] =	vst v63  }
0x4a: {  	s16 =	rddreg [dreg:$0xb];
	s14 =	sadd.s32 s13, s15  }
0x4b: {  	[tilespmem:s16], [sflag:$0x4] =	stream.linear.gather [hbm4b:s14+s2], $0x50, $0x38;
	[tilespmem:$0x5500] =	vst v63  }
0x4c: {  	v15 =	vld [tilespmem:$0x0]  }
0x4d: {  	v16 =	vld [tilespmem:$0x100];
	_ =	sdelay $0x4  }
0x4e: {  	v16 =	vmul.f32 v16, v15;
	_ =	sdelay $0x1  }
0x4f: {  	[tilespmem:v0+s24+$0x0] =	vst.idx.msk $0xffff, v16  }
0x50: {  	v16 =	vld [tilespmem:$0x200];
	_ =	sdelay $0x4  }
0x51: {  	v16 =	vmul.f32 v16, v15;
	_ =	sdelay $0x1  }
0x52: {  	[tilespmem:v1+s24+$0x0] =	vst.idx.msk $0xffff, v16  }
0x53: {  	v16 =	vld [tilespmem:$0x300];
	_ =	sdelay $0x4  }
0x54: {  	v15 =	vmul.f32 v16, v15;
	_ =	sdelay $0x1  }
0x55: {  	[tilespmem:v2+s24+$0x0] =	vst.idx.msk $0xffff, v15  }
0x56: {  	v15 =	vld [tilespmem:$0x10]  }
0x57: {  	v55 =	vld [tilespmem:$0x110];
	_ =	sdelay $0x4  }
0x58: {  	v16 =	vmul.f32 v55, v15;
	_ =	sdelay $0x1  }
0x59: {  	[tilespmem:v3+s24+$0x0] =	vst.idx.msk $0xffff, v16  }
0x5a: {  	v16 =	vld [tilespmem:$0x210];
	_ =	sdelay $0x4  }
0x5b: {  	v16 =	vmul.f32 v16, v15;
	_ =	sdelay $0x1  }
0x5c: {  	[tilespmem:v4+s24+$0x0] =	vst.idx.msk $0xffff, v16  }
0x5d: {  	v16 =	vld [tilespmem:$0x310];
	_ =	sdelay $0x4  }
0x5e: {  	v15 =	vmul.f32 v16, v15;
	_ =	sdelay $0x1  }
0x5f: {  	[tilespmem:v5+s24+$0x0] =	vst.idx.msk $0xffff, v15  }
0x60: {  	v15 =	vld [tilespmem:$0x20]  }
0x61: {  	v56 =	vld [tilespmem:$0x120];
	_ =	sdelay $0x4  }
0x62: {  	v16 =	vmul.f32 v56, v15;
	_ =	sdelay $0x1  }
0x63: {  	[tilespmem:v6+s24+$0x0] =	vst.idx.msk $0xffff, v16  }
0x64: {  	v16 =	vld [tilespmem:$0x220];
	_ =	sdelay $0x4  }
0x65: {  	v16 =	vmul.f32 v16, v15;
	_ =	sdelay $0x1  }
0x66: {  	[tilespmem:v7+s24+$0x0] =	vst.idx.msk $0xffff, v16  }
0x67: {  	v16 =	vld [tilespmem:$0x320];
	_ =	sdelay $0x4  }
0x68: {  	v15 =	vmul.f32 v16, v15;
	_ =	sdelay $0x1  }
0x69: {  	[tilespmem:v8+s24+$0x0] =	vst.idx.msk $0xffff, v15  }
0x6a: {  	v15 =	vld [tilespmem:$0x30]  }
0x6b: {  	v57 =	vld [tilespmem:$0x130];
	_ =	sdelay $0x4  }
0x6c: {  	v16 =	vmul.f32 v57, v15;
	_ =	sdelay $0x1  }
0x6d: {  	[tilespmem:v9+s24+$0x0] =	vst.idx.msk $0xffff, v16  }
0x6e: {  	v16 =	vld [tilespmem:$0x230];
	_ =	sdelay $0x4  }
0x6f: {  	v16 =	vmul.f32 v16, v15;
	_ =	sdelay $0x1  }
0x70: {  	[tilespmem:v10+s24+$0x0] =	vst.idx.msk $0xffff, v16  }
0x71: {  	v16 =	vld [tilespmem:$0x330];
	_ =	sdelay $0x4  }
0x72: {  	v15 =	vmul.f32 v16, v15;
	_ =	sdelay $0x1  }
0x73: {  	[tilespmem:v11+s24+$0x0] =	vst.idx.msk $0xffff, v15  }
0x74: {  	v15 =	vld [tilespmem:$0x40]  }
0x75: {  	v58 =	vld [tilespmem:$0x140];
	_ =	sdelay $0x4  }
0x76: {  	v16 =	vmul.f32 v58, v15;
	_ =	sdelay $0x1  }
0x77: {  	[tilespmem:v12+s24+$0x0] =	vst.idx.msk $0xffff, v16  }
0x78: {  	v16 =	vld [tilespmem:$0x240];
	_ =	sdelay $0x4  }
0x79: {  	v16 =	vmul.f32 v16, v15;
	_ =	sdelay $0x1  }
0x7a: {  	[tilespmem:v13+s24+$0x0] =	vst.idx.msk $0xffff, v16  }
0x7b: {  	v16 =	vld [tilespmem:$0x340];
	_ =	sdelay $0x4  }
0x7c: {  	v15 =	vmul.f32 v16, v15;
	_ =	sdelay $0x1  }
0x7d: {  	[tilespmem:v14+s24+$0x0] =	vst.idx.msk $0xffff, v15  }
0x7e: {  	[spmem:s1] =	stream.indirect.scatter.add.f32 [tilespmem:s24], [sflag:$0x5], $0x10, s20, s30, $0xb8;
	[tilespmem:$0x5500] =	vst v63  }
0x7f: {  	_ =	swait.ge [sflag:s25], $0x500  }
0x80: {  	[sflag:s25] =	ssyncset.done $0x0  }
0x81: {  	[sflag:s25] =	ssyncadd.s32 $0xFFFFFB00  }
0x82: {  	_ =	swait.ge [sflag:s31], $0x50  }
0x83: {  	[sflag:s31] =	ssyncset.done $0x0  }
0x84: {  	[sflag:s31] =	ssyncadd.s32 $0xFFFFFFB0  }
0x85: {  	_ =	swait.ge [sflag:s0], $0x50  }
0x86: {  	[sflag:s0] =	ssyncset.done $0x0  }
0x87: {  	[sflag:s0] =	ssyncadd.s32 $0xFFFFFFB0  }
0x88: {  	_ =	swait.ge [sflag:s0], $0x50  }
0x89: {  	[sflag:s0] =	ssyncset.done $0x0  }
0x8a: {  	[sflag:s0] =	ssyncadd.s32 $0xFFFFFFB0  }
0x8b: {  	_ =	swait.ge [sflag:s0], $0x50  }
0x8c: {  	[sflag:s0] =	ssyncset.done $0x0  }
0x8d: {  	[sflag:s0] =	ssyncadd.s32 $0xFFFFFFB0  }
0x8e: {  	_ =	swait.ge [sflag:s0], $0x50  }
0x8f: {  	s9 =	sshrl.u32 s19, $0x3;
	[sflag:s0] =	ssyncset.done $0x0  }
0x90: {  	s15 =	sadd.s32 s5, s9;
	[sflag:s0] =	ssyncadd.s32 $0xFFFFFFB0  }
0x91: {  	[tilespmem:s20], [sflag:$0x1] =	stream.linear.gather [hbm4b:s15+s2], $0x50, $0x38;
	[tilespmem:$0x5500] =	vst v63  }
0x92: {  	s16 =	sadd.s32 s4, s9  }
0x93: {  	[tilespmem:s2], [sflag:$0x3] =	stream.linear.gather [hbm4b:s16+s2], $0x50, $0x38;
	[tilespmem:$0x5500] =	vst v63  }
0x94: {  	s15 =	sadd.s32 s6, s9  }
0x95: {  	[tilespmem:s21], [sflag:$0x3] =	stream.linear.gather [hbm4b:s15+s2], $0x50, $0x38;
	[tilespmem:$0x5500] =	vst v63  }
0x96: {  	s16 =	sadd.s32 s7, s9  }
0x97: {  	[tilespmem:s22], [sflag:$0x3] =	stream.linear.gather [hbm4b:s16+s2], $0x50, $0x38;
	[tilespmem:$0x5500] =	vst v63  }
0x98: {  	s9 =	sadd.s32 s8, s9  }
0x99: {  	[tilespmem:s23], [sflag:$0x3] =	stream.linear.gather [hbm4b:s9+s2], $0x50, $0x38;
	[tilespmem:$0x5500] =	vst v63  }
0x9a: {  	v15 =	vld [tilespmem:$0x80]  }
0x9b: {  	v59 =	vld [tilespmem:$0x180];
	_ =	sdelay $0x4  }
0x9c: {  	v16 =	vmul.f32 v59, v15;
	_ =	sdelay $0x1  }
0x9d: {  	[tilespmem:v0+s24+$0x0] =	vst.idx.msk $0xffff, v16  }
0x9e: {  	v16 =	vld [tilespmem:$0x280];
	_ =	sdelay $0x4  }
0x9f: {  	v16 =	vmul.f32 v16, v15;
	_ =	sdelay $0x1  }
0xa0: {  	[tilespmem:v1+s24+$0x0] =	vst.idx.msk $0xffff, v16  }
0xa1: {  	v16 =	vld [tilespmem:$0x380];
	_ =	sdelay $0x4  }
0xa2: {  	v15 =	vmul.f32 v16, v15;
	_ =	sdelay $0x1  }
0xa3: {  	[tilespmem:v2+s24+$0x0] =	vst.idx.msk $0xffff, v15  }
0xa4: {  	v15 =	vld [tilespmem:$0x90]  }
0xa5: {  	v60 =	vld [tilespmem:$0x190];
	_ =	sdelay $0x4  }
0xa6: {  	v16 =	vmul.f32 v60, v15;
	_ =	sdelay $0x1  }
0xa7: {  	[tilespmem:v3+s24+$0x0] =	vst.idx.msk $0xffff, v16  }
0xa8: {  	v16 =	vld [tilespmem:$0x290];
	_ =	sdelay $0x4  }
0xa9: {  	v16 =	vmul.f32 v16, v15;
	_ =	sdelay $0x1  }
0xaa: {  	[tilespmem:v4+s24+$0x0] =	vst.idx.msk $0xffff, v16  }
0xab: {  	v16 =	vld [tilespmem:$0x390];
	_ =	sdelay $0x4  }
0xac: {  	v15 =	vmul.f32 v16, v15;
	_ =	sdelay $0x1  }
0xad: {  	[tilespmem:v5+s24+$0x0] =	vst.idx.msk $0xffff, v15  }
0xae: {  	v15 =	vld [tilespmem:$0xA0]  }
0xaf: {  	v61 =	vld [tilespmem:$0x1A0];
	_ =	sdelay $0x4  }
0xb0: {  	v16 =	vmul.f32 v61, v15;
	_ =	sdelay $0x1  }
0xb1: {  	[tilespmem:v6+s24+$0x0] =	vst.idx.msk $0xffff, v16  }
0xb2: {  	v16 =	vld [tilespmem:$0x2A0];
	_ =	sdelay $0x4  }
0xb3: {  	v16 =	vmul.f32 v16, v15;
	_ =	sdelay $0x1  }
0xb4: {  	[tilespmem:v7+s24+$0x0] =	vst.idx.msk $0xffff, v16  }
0xb5: {  	v16 =	vld [tilespmem:$0x3A0];
	_ =	sdelay $0x4  }
0xb6: {  	v15 =	vmul.f32 v16, v15;
	_ =	sdelay $0x1  }
0xb7: {  	[tilespmem:v8+s24+$0x0] =	vst.idx.msk $0xffff, v15  }
0xb8: {  	v15 =	vld [tilespmem:$0xB0]  }
0xb9: {  	v62 =	vld [tilespmem:$0x1B0];
	_ =	sdelay $0x4  }
0xba: {  	v16 =	vmul.f32 v62, v15;
	_ =	sdelay $0x1  }
0xbb: {  	[tilespmem:v9+s24+$0x0] =	vst.idx.msk $0xffff, v16  }
0xbc: {  	v16 =	vld [tilespmem:$0x2B0];
	_ =	sdelay $0x4  }
0xbd: {  	v16 =	vmul.f32 v16, v15;
	_ =	sdelay $0x1  }
0xbe: {  	[tilespmem:v10+s24+$0x0] =	vst.idx.msk $0xffff, v16  }
0xbf: {  	v16 =	vld [tilespmem:$0x3B0];
	_ =	sdelay $0x4  }
0xc0: {  	v15 =	vmul.f32 v16, v15;
	_ =	sdelay $0x1  }
0xc1: {  	[tilespmem:v11+s24+$0x0] =	vst.idx.msk $0xffff, v15  }
0xc2: {  	v15 =	vld [tilespmem:$0xC0]  }
0xc3: {  	v63 =	vld [tilespmem:$0x1C0];
	_ =	sdelay $0x4  }
0xc4: {  	v16 =	vmul.f32 v63, v15;
	_ =	sdelay $0x1  }
0xc5: {  	[tilespmem:v12+s24+$0x0] =	vst.idx.msk $0xffff, v16  }
0xc6: {  	v16 =	vld [tilespmem:$0x2C0];
	_ =	sdelay $0x4  }
0xc7: {  	v16 =	vmul.f32 v16, v15;
	_ =	sdelay $0x1  }
0xc8: {  	[tilespmem:v13+s24+$0x0] =	vst.idx.msk $0xffff, v16  }
0xc9: {  	v16 =	vld [tilespmem:$0x3C0];
	_ =	sdelay $0x4  }
0xca: {  	v15 =	vmul.f32 v16, v15  }
0xcb: {  	p0 =	sne.s32 s13, $0x4C4  }
.Ltmp0:
0xcc: {  	[tilespmem:v14+s24+$0x0] =	vst.idx.msk $0xffff, v15;
	(pc) =	sbr.rel @p0 .LBB2_2-.Ltmp0, $4  }
0xcd: {  	[spmem:s1] =	stream.indirect.scatter.add.f32 [tilespmem:s24], [sflag:$0x5], $0x10, s29, s30, $0xb8;
	[tilespmem:$0x5500] =	vst v63  }
0xce: {  	_ =	swait.ge [sflag:s25], $0x500  }
0xcf: {  	[sflag:s25] =	ssyncset.done $0x0  }
0xd0: {  	s19 =	sadd.s32 $0xA0, s19;
	s13 =	sadd.s32 $0x14, s13;
	[sflag:s25] =	ssyncadd.s32 $0xFFFFFB00  }
0xd1: {  	_ =	swait.ge [sflag:s26], $0x50  }
0xd2: {  	[sflag:s26] =	ssyncset.done $0x0  }
0xd3: {  	[sflag:s26] =	ssyncadd.s32 $0xFFFFFFB0  }
0xd4: {  	_ =	swait.ge [sflag:s28], $0x50  }
0xd5: {  	[sflag:s28] =	ssyncset.done $0x0  }
0xd6: {  	[sflag:s28] =	ssyncadd.s32 $0xFFFFFFB0  }
0xd7: {  	_ =	swait.ge [sflag:s28], $0x50  }
0xd8: {  	[sflag:s28] =	ssyncset.done $0x0  }
0xd9: {  	[sflag:s28] =	ssyncadd.s32 $0xFFFFFFB0  }
0xda: {  	_ =	swait.ge [sflag:s28], $0x50  }
0xdb: {  	[sflag:s28] =	ssyncset.done $0x0  }
0xdc: {  	[sflag:s28] =	ssyncadd.s32 $0xFFFFFFB0  }
0xdd: {  	_ =	swait.ge [sflag:s28], $0x50  }
0xde: {  	[sflag:s28] =	ssyncset.done $0x0  }
0xdf: {  	[sflag:s28] =	ssyncadd.s32 $0xFFFFFFB0  }
0xe0: {  	v15 =	vld [tilespmem:$0x0]  }
0xe1: {  	v16 =	vld [tilespmem:$0x100];
	_ =	sdelay $0x4  }
0xe2: {  	v16 =	vmul.f32 v16, v15;
	_ =	sdelay $0x1  }
0xe3: {  	[tilespmem:v0+s24+$0x0] =	vst.idx.msk $0xffff, v16  }
0xe4: {  	v16 =	vld [tilespmem:$0x200];
	_ =	sdelay $0x4  }
0xe5: {  	v16 =	vmul.f32 v16, v15;
	_ =	sdelay $0x1  }
0xe6: {  	[tilespmem:v1+s24+$0x0] =	vst.idx.msk $0xffff, v16  }
0xe7: {  	v16 =	vld [tilespmem:$0x300];
	_ =	sdelay $0x4  }
0xe8: {  	v15 =	vmul.f32 v16, v15;
	_ =	sdelay $0x1  }
0xe9: {  	[tilespmem:v2+s24+$0x0] =	vst.idx.msk $0xffff, v15  }
0xea: {  	v15 =	vld [tilespmem:$0x10]  }
0xeb: {  	v60 =	vld [tilespmem:$0x110];
	_ =	sdelay $0x4  }
0xec: {  	v16 =	vmul.f32 v60, v15;
	_ =	sdelay $0x1  }
0xed: {  	[tilespmem:v3+s24+$0x0] =	vst.idx.msk $0xffff, v16  }
0xee: {  	v16 =	vld [tilespmem:$0x210];
	_ =	sdelay $0x4  }
0xef: {  	v16 =	vmul.f32 v16, v15;
	_ =	sdelay $0x1  }
0xf0: {  	[tilespmem:v4+s24+$0x0] =	vst.idx.msk $0xffff, v16  }
0xf1: {  	v16 =	vld [tilespmem:$0x310];
	_ =	sdelay $0x4  }
0xf2: {  	v15 =	vmul.f32 v16, v15;
	_ =	sdelay $0x1  }
0xf3: {  	[tilespmem:v5+s24+$0x0] =	vst.idx.msk $0xffff, v15  }
0xf4: {  	v15 =	vld [tilespmem:$0x20]  }
0xf5: {  	v61 =	vld [tilespmem:$0x120];
	_ =	sdelay $0x4  }
0xf6: {  	v16 =	vmul.f32 v61, v15;
	_ =	sdelay $0x1  }
0xf7: {  	[tilespmem:v6+s24+$0x0] =	vst.idx.msk $0xffff, v16  }
0xf8: {  	v16 =	vld [tilespmem:$0x220];
	_ =	sdelay $0x4  }
0xf9: {  	v16 =	vmul.f32 v16, v15;
	_ =	sdelay $0x1  }
0xfa: {  	[tilespmem:v7+s24+$0x0] =	vst.idx.msk $0xffff, v16  }
0xfb: {  	v16 =	vld [tilespmem:$0x320];
	_ =	sdelay $0x4  }
0xfc: {  	v15 =	vmul.f32 v16, v15;
	_ =	sdelay $0x1  }
0xfd: {  	[tilespmem:v8+s24+$0x0] =	vst.idx.msk $0xffff, v15  }
0xfe: {  	v15 =	vld [tilespmem:$0x30]  }
0xff: {  	v62 =	vld [tilespmem:$0x130];
	_ =	sdelay $0x4  }
0x100: {  	v16 =	vmul.f32 v62, v15;
	_ =	sdelay $0x1  }
0x101: {  	[tilespmem:v9+s24+$0x0] =	vst.idx.msk $0xffff, v16  }
0x102: {  	v16 =	vld [tilespmem:$0x230];
	_ =	sdelay $0x4  }
0x103: {  	v16 =	vmul.f32 v16, v15;
	_ =	sdelay $0x1  }
0x104: {  	[tilespmem:v10+s24+$0x0] =	vst.idx.msk $0xffff, v16  }
0x105: {  	v16 =	vld [tilespmem:$0x330];
	_ =	sdelay $0x4  }
0x106: {  	v15 =	vmul.f32 v16, v15;
	_ =	sdelay $0x1  }
0x107: {  	[tilespmem:v11+s24+$0x0] =	vst.idx.msk $0xffff, v15  }
0x108: {  	v15 =	vld [tilespmem:$0x40]  }
0x109: {  	v63 =	vld [tilespmem:$0x140];
	_ =	sdelay $0x4  }
0x10a: {  	v16 =	vmul.f32 v63, v15;
	_ =	sdelay $0x1  }
0x10b: {  	[tilespmem:v12+s24+$0x0] =	vst.idx.msk $0xffff, v16  }
0x10c: {  	v16 =	vld [tilespmem:$0x240];
	_ =	sdelay $0x4  }
0x10d: {  	v16 =	vmul.f32 v16, v15;
	_ =	sdelay $0x1  }
0x10e: {  	[tilespmem:v13+s24+$0x0] =	vst.idx.msk $0xffff, v16  }
0x10f: {  	v16 =	vld [tilespmem:$0x340];
	_ =	sdelay $0x4  }
0x110: {  	v15 =	vmul.f32 v16, v15;
	_ =	sdelay $0x1  }
0x111: {  	[tilespmem:v14+s24+$0x0] =	vst.idx.msk $0xffff, v15  }
0x112: {  	[spmem:s1] =	stream.indirect.scatter.add.f32 [tilespmem:s24], [sflag:$0x5], $0x10, s20, s30, $0xb8;
	[tilespmem:$0x5500] =	vst v63  }
0x113: {  	_ =	swait.ge [sflag:s25], $0x500  }
0x114: {  	s3 =	sadd.s32 $0x1, s3;
	[sflag:s25] =	ssyncset.done $0x0  }
0x115: {  	p0 =	sne.s32 s3, s17;
	[sflag:s25] =	ssyncadd.s32 $0xFFFFFB00  }
.Ltmp1:
0x116: {  	[bflag:$0x0] =	sbarrier.arrive $0xFFFF;
	(pc) =	sbr.rel @p0 .LBB2_1-.Ltmp1, $4  }
0x117: {  	[hbm:s18], [sflag:s10] =	dma.local [spmem:s11], $0x2800  }
0x118: {  	_ =	swait.ge [sflag:s25], $0x2800  }
0x119: {  	[sflag:s25] =	ssyncset.done $0x0  }
0x11a: {  	[sflag:s25] =	ssyncadd.s32 $0xFFFFD800  }
0x11b: {  	_ =	sfence.sel $0x180000  }
0x11c: {  	[bflag:$0x0] =	sbarrier.arrive $0xFFFF  }
0x11d: {  	_ =	strace $0x9000004A  }
0x11e: {  	s0 =	stileid.u32;
	[bflag:$0x2] =	sbarrier.arrive $0xFFFF  }
0x11f: {  	p0 =	sne.s32 s0, $0x0;
	s0 =	rddreg [dreg:$0x2]  }
0x120: {  	s0 =	sadd.s32 @!p0 $0x100000, s0  }
0x121: {  	[sflag:s0] =	ssyncadd.tile.s32 @!p0 $0x1;
	_ =	shalt  }
.Lfunc_end2:
_tile_overlayer_lowered:
.L_overlay_start_2:
0x122: {  	(tag) =	ssettag $0x2  }
0x123: {  	s0 =	rddreg [dreg:$0x0];
	s2 =	stileid.u32  }
0x124: {  	s1 =	rddreg [dreg:$0x1];
	p0 =	sne.s32 s2, $0x0  }
0x125: {  	s3 =	rddreg [dreg:$0x2];
	[bflag:$0x3] =	sbarrier.arrive $0xFFFF;
	s2 =	simm.s32 @!p0 $0x1C05  }
0x126: {  	[timem:s3], [sflag:s2] =	dma.local @!p0 [hbm:s0], s1  }
0x127: {  	s0 =	simm.s32 @!p0 $0x5  }
0x128: {  	_ =	swait.ge @!p0 [sflag:s0], s1  }
0x129: {  	s1 =	ssub.s32 @!p0 $0x0, s1;
	[sflag:s0] =	ssyncset.done @!p0 $0x0  }
0x12a: {  	[sflag:s0] =	ssyncadd.s32 @!p0 s1  }
0x12b: {  	[bflag:$0x3] =	sbarrier.arrive $0xFFFF  }
0x12c: {  	_ =	shalt  }

</sc_bundles>
